<compile_context>
chip_gen: v7x
topology: tpu7x:2x2x1
jax: 0.10.2.dev20260603
libtpu: 0.0.44.dev20260713+nightly
codegen_flags: <defaults>
</compile_context>

<pallas_src>
import functools

import jax
import jax.numpy as jnp
from jax import lax
from jax.experimental import pallas as pl
from jax.experimental.pallas import tpu as pltpu
from jax.experimental.pallas import tpu_sc as plsc

N_X = 4096
N_T = 4096
LANES = 128
SUB = N_T // LANES
R_TOTAL = N_X * SUB
BLK_X = 128
BLK_R = BLK_X * SUB

_SC_INFO = plsc.get_sparse_core_info()
_NC = _SC_INFO.num_cores
_NS = _SC_INFO.num_subcores
_NW = _NC * _NS
WORDS_PER_W = N_X * N_T // _NW
CHUNK_W = 65536
REP = CHUNK_W // N_T


def _bitonic_sort_2d(a):
    r_iota = jax.lax.broadcasted_iota(jnp.int32, (SUB, LANES), 0)
    c_iota = jax.lax.broadcasted_iota(jnp.int32, (SUB, LANES), 1)
    idx = r_iota * LANES + c_iota
    n = SUB * LANES
    k = 2
    while k <= n:
        j = k // 2
        while j >= 1:
            if j < LANES:
                fwd = jnp.roll(a, -j, axis=1)
                bwd = jnp.roll(a, j, axis=1)
            else:
                jr = j // LANES
                fwd = jnp.roll(a, -jr, axis=0)
                bwd = jnp.roll(a, jr, axis=0)
            lower = (idx & j) == 0
            p = jnp.where(lower, fwd, bwd)
            asc = (idx & k) == 0
            keep_min = lower == asc
            a = jnp.where(keep_min, jnp.minimum(a, p), jnp.maximum(a, p))
            j //= 2
        k *= 2
    return a


def _sort_kernel(t2d, ts_ref):
    ts_ref[:] = _bitonic_sort_2d(t2d[:])


def _xx_kernel(x_col, xx_ref):
    xb = x_col[:].reshape(BLK_X, 1, 1)
    xx_ref[:] = jnp.broadcast_to(xb, (BLK_X, SUB, LANES)).reshape(BLK_R, LANES)


_SC_MESH = plsc.VectorSubcoreMesh(core_axis_name="c", subcore_axis_name="s")


@functools.partial(
    pl.kernel,
    mesh=_SC_MESH,
    out_type=jax.ShapeDtypeStruct((N_X * N_T,), jnp.float32),
    scratch_types=[
        pltpu.VMEM_SHARED((CHUNK_W,), jnp.float32),
        pltpu.SemaphoreType.DMA,
        pltpu.SemaphoreType.DMA,
    ],
)
def _tt_sc_kernel(ts_hbm, out_hbm, shared, sem_r, sem_w):
    s = lax.axis_index("s")
    wid = s * _NC + lax.axis_index("c")
    base = wid * WORDS_PER_W

    @pl.when(s == 0)
    def _stage():
        reads = [
            pltpu.async_copy(ts_hbm, shared.at[pl.ds(r * N_T, N_T)], sem_r)
            for r in range(REP)
        ]
        for cp in reads:
            cp.wait()

    plsc.subcore_barrier()
    writes = [
        pltpu.async_copy(shared, out_hbm.at[pl.ds(base + ch * CHUNK_W, CHUNK_W)], sem_w)
        for ch in range(WORDS_PER_W // CHUNK_W)
    ]
    for cp in writes:
        cp.wait()


@jax.jit
def kernel(x_grid, t_grid):
    x_col = x_grid.reshape(N_X, 1)
    t2d = t_grid.reshape(SUB, LANES)

    ts2d = pl.pallas_call(
        _sort_kernel,
        out_shape=jax.ShapeDtypeStruct((SUB, LANES), jnp.float32),
    )(t2d)

    tt = _tt_sc_kernel(ts2d.reshape(N_T))

    xx = pl.pallas_call(
        _xx_kernel,
        grid=(N_X // BLK_X,),
        in_specs=[pl.BlockSpec((BLK_X, 1), lambda i: (i, 0))],
        out_specs=pl.BlockSpec((BLK_R, LANES), lambda i: (i, 0)),
        out_shape=jax.ShapeDtypeStruct((R_TOTAL, LANES), jnp.float32),
    )(x_col)

    return (xx.reshape(-1, 1), tt.reshape(-1, 1))

# --- scband reference (transcript-rebuilt; emitter-appended) ---
"""Pipeline reference for scband-causal-pinnsampler-62208306315781 (READ-ONLY COPY).

The authoritative reference and input builder live on the scoring server;
editing this copy changes nothing except your own understanding.
"""

import jax, jax.numpy as jnp
import numpy as np

N_X = 4096
N_T = 4096
X_LIM = (-1.0, 1.0)
T_LIM = (0.0, 1.0)


def setup_inputs(seed: int = 0) -> dict:
    key = jax.random.key(seed)
    k1, k2 = jax.random.split(key)
    x_grid = jax.random.uniform(k1, (N_X,), dtype=jnp.float32, minval=X_LIM[0], maxval=X_LIM[1])
    t_grid = jax.random.uniform(k2, (N_T,), dtype=jnp.float32, minval=T_LIM[0], maxval=T_LIM[1])
    return {"x_grid": x_grid, "t_grid": t_grid}


def reference(x_grid, t_grid):
    # torch.sort on the sampled time coordinates (causal ordering)
    t_sorted = jnp.sort(t_grid)
    # torch.meshgrid default indexing is 'ij'
    XX, TT = jnp.meshgrid(x_grid, t_sorted, indexing='ij')
    x = XX.reshape(-1, 1)
    t = TT.reshape(-1, 1)
    return (x, t)

if __name__ == "__main__":
    import jax
    _d = setup_inputs()
    print(jax.jit(kernel)(*tuple(_d.values())))

</pallas_src>

<mosaic_0001>
#map = affine_map<(d0, d1) -> (0)>
module attributes {stable_mosaic.version = 14 : i64} {
  func.func @_tt_sc_kernel(%arg0: i32, %arg1: i32, %arg2: memref<4096xf32, #tpu.memory_space<hbm>>, %arg3: memref<16777216xf32, #tpu.memory_space<hbm>>, %arg4: memref<65536xf32, #tpu.memory_space<vmem_shared>>, %arg5: memref<!tpu.dma_semaphore, #tpu.memory_space<semaphore_mem>>, %arg6: memref<!tpu.dma_semaphore, #tpu.memory_space<semaphore_mem>>) attributes {dimension_semantics = [#tpu.dimension_semantics<core_parallel>, #tpu.dimension_semantics<subcore_parallel>], iteration_bounds = array<i64: 2, 16>, scalar_prefetch = 0 : i64, scratch_operands = 3 : i64, tpu.core_type = #tpu.core_type<sc_vector_subcore>, window_params = [{transform_indices = #map}, {transform_indices = #map}]} {
    %mul3A = arith.constant 2 : i32
    %mul3A_0 = arith.muli %arg1, %mul3A : i32
    %add3A = arith.addi %mul3A_0, %arg0 : i32
    %mul3A_1 = arith.constant 524288 : i32
    %mul3A_2 = arith.muli %add3A, %mul3A_1 : i32
    %eq3A = arith.constant 0 : i32
    %eq3A_3 = arith.cmpi eq, %arg1, %eq3A : i32
    %convert_element_type3A = arith.extui %eq3A_3 : i1 to i32
    %cond3A = arith.constant 0 : i32
    %cond3A_4 = arith.cmpi ne, %convert_element_type3A, %cond3A : i32
    scf.if %cond3A_4 {
      %dma_start3A_35 = arith.constant 0 : i32
      %dma_start3A_36 = tpu.memref_slice %arg4[%dma_start3A_35] : memref<65536xf32, #tpu.memory_space<vmem_shared>> -> memref<4096xf32, #tpu.memory_space<vmem_shared>>
      tpu.enqueue_dma source(%arg2 : memref<4096xf32, #tpu.memory_space<hbm>>) target(%dma_start3A_36 : memref<4096xf32, #tpu.memory_space<vmem_shared>>) target_semaphore(%arg5 : memref<!tpu.dma_semaphore, #tpu.memory_space<semaphore_mem>>)
      %dma_start3A_37 = arith.constant 4096 : i32
      %dma_start3A_38 = tpu.memref_slice %arg4[%dma_start3A_37] : memref<65536xf32, #tpu.memory_space<vmem_shared>> -> memref<4096xf32, #tpu.memory_space<vmem_shared>>
      tpu.enqueue_dma source(%arg2 : memref<4096xf32, #tpu.memory_space<hbm>>) target(%dma_start3A_38 : memref<4096xf32, #tpu.memory_space<vmem_shared>>) target_semaphore(%arg5 : memref<!tpu.dma_semaphore, #tpu.memory_space<semaphore_mem>>)
      %dma_start3A_39 = arith.constant 8192 : i32
      %dma_start3A_40 = tpu.memref_slice %arg4[%dma_start3A_39] : memref<65536xf32, #tpu.memory_space<vmem_shared>> -> memref<4096xf32, #tpu.memory_space<vmem_shared>>
      tpu.enqueue_dma source(%arg2 : memref<4096xf32, #tpu.memory_space<hbm>>) target(%dma_start3A_40 : memref<4096xf32, #tpu.memory_space<vmem_shared>>) target_semaphore(%arg5 : memref<!tpu.dma_semaphore, #tpu.memory_space<semaphore_mem>>)
      %dma_start3A_41 = arith.constant 12288 : i32
      %dma_start3A_42 = tpu.memref_slice %arg4[%dma_start3A_41] : memref<65536xf32, #tpu.memory_space<vmem_shared>> -> memref<4096xf32, #tpu.memory_space<vmem_shared>>
      tpu.enqueue_dma source(%arg2 : memref<4096xf32, #tpu.memory_space<hbm>>) target(%dma_start3A_42 : memref<4096xf32, #tpu.memory_space<vmem_shared>>) target_semaphore(%arg5 : memref<!tpu.dma_semaphore, #tpu.memory_space<semaphore_mem>>)
      %dma_start3A_43 = arith.constant 16384 : i32
      %dma_start3A_44 = tpu.memref_slice %arg4[%dma_start3A_43] : memref<65536xf32, #tpu.memory_space<vmem_shared>> -> memref<4096xf32, #tpu.memory_space<vmem_shared>>
      tpu.enqueue_dma source(%arg2 : memref<4096xf32, #tpu.memory_space<hbm>>) target(%dma_start3A_44 : memref<4096xf32, #tpu.memory_space<vmem_shared>>) target_semaphore(%arg5 : memref<!tpu.dma_semaphore, #tpu.memory_space<semaphore_mem>>)
      %dma_start3A_45 = arith.constant 20480 : i32
      %dma_start3A_46 = tpu.memref_slice %arg4[%dma_start3A_45] : memref<65536xf32, #tpu.memory_space<vmem_shared>> -> memref<4096xf32, #tpu.memory_space<vmem_shared>>
      tpu.enqueue_dma source(%arg2 : memref<4096xf32, #tpu.memory_space<hbm>>) target(%dma_start3A_46 : memref<4096xf32, #tpu.memory_space<vmem_shared>>) target_semaphore(%arg5 : memref<!tpu.dma_semaphore, #tpu.memory_space<semaphore_mem>>)
      %dma_start3A_47 = arith.constant 24576 : i32
      %dma_start3A_48 = tpu.memref_slice %arg4[%dma_start3A_47] : memref<65536xf32, #tpu.memory_space<vmem_shared>> -> memref<4096xf32, #tpu.memory_space<vmem_shared>>
      tpu.enqueue_dma source(%arg2 : memref<4096xf32, #tpu.memory_space<hbm>>) target(%dma_start3A_48 : memref<4096xf32, #tpu.memory_space<vmem_shared>>) target_semaphore(%arg5 : memref<!tpu.dma_semaphore, #tpu.memory_space<semaphore_mem>>)
      %dma_start3A_49 = arith.constant 28672 : i32
      %dma_start3A_50 = tpu.memref_slice %arg4[%dma_start3A_49] : memref<65536xf32, #tpu.memory_space<vmem_shared>> -> memref<4096xf32, #tpu.memory_space<vmem_shared>>
      tpu.enqueue_dma source(%arg2 : memref<4096xf32, #tpu.memory_space<hbm>>) target(%dma_start3A_50 : memref<4096xf32, #tpu.memory_space<vmem_shared>>) target_semaphore(%arg5 : memref<!tpu.dma_semaphore, #tpu.memory_space<semaphore_mem>>)
      %dma_start3A_51 = arith.constant 32768 : i32
      %dma_start3A_52 = tpu.memref_slice %arg4[%dma_start3A_51] : memref<65536xf32, #tpu.memory_space<vmem_shared>> -> memref<4096xf32, #tpu.memory_space<vmem_shared>>
      tpu.enqueue_dma source(%arg2 : memref<4096xf32, #tpu.memory_space<hbm>>) target(%dma_start3A_52 : memref<4096xf32, #tpu.memory_space<vmem_shared>>) target_semaphore(%arg5 : memref<!tpu.dma_semaphore, #tpu.memory_space<semaphore_mem>>)
      %dma_start3A_53 = arith.constant 36864 : i32
      %dma_start3A_54 = tpu.memref_slice %arg4[%dma_start3A_53] : memref<65536xf32, #tpu.memory_space<vmem_shared>> -> memref<4096xf32, #tpu.memory_space<vmem_shared>>
      tpu.enqueue_dma source(%arg2 : memref<4096xf32, #tpu.memory_space<hbm>>) target(%dma_start3A_54 : memref<4096xf32, #tpu.memory_space<vmem_shared>>) target_semaphore(%arg5 : memref<!tpu.dma_semaphore, #tpu.memory_space<semaphore_mem>>)
      %dma_start3A_55 = arith.constant 40960 : i32
      %dma_start3A_56 = tpu.memref_slice %arg4[%dma_start3A_55] : memref<65536xf32, #tpu.memory_space<vmem_shared>> -> memref<4096xf32, #tpu.memory_space<vmem_shared>>
      tpu.enqueue_dma source(%arg2 : memref<4096xf32, #tpu.memory_space<hbm>>) target(%dma_start3A_56 : memref<4096xf32, #tpu.memory_space<vmem_shared>>) target_semaphore(%arg5 : memref<!tpu.dma_semaphore, #tpu.memory_space<semaphore_mem>>)
      %dma_start3A_57 = arith.constant 45056 : i32
      %dma_start3A_58 = tpu.memref_slice %arg4[%dma_start3A_57] : memref<65536xf32, #tpu.memory_space<vmem_shared>> -> memref<4096xf32, #tpu.memory_space<vmem_shared>>
      tpu.enqueue_dma source(%arg2 : memref<4096xf32, #tpu.memory_space<hbm>>) target(%dma_start3A_58 : memref<4096xf32, #tpu.memory_space<vmem_shared>>) target_semaphore(%arg5 : memref<!tpu.dma_semaphore, #tpu.memory_space<semaphore_mem>>)
      %dma_start3A_59 = arith.constant 49152 : i32
      %dma_start3A_60 = tpu.memref_slice %arg4[%dma_start3A_59] : memref<65536xf32, #tpu.memory_space<vmem_shared>> -> memref<4096xf32, #tpu.memory_space<vmem_shared>>
      tpu.enqueue_dma source(%arg2 : memref<4096xf32, #tpu.memory_space<hbm>>) target(%dma_start3A_60 : memref<4096xf32, #tpu.memory_space<vmem_shared>>) target_semaphore(%arg5 : memref<!tpu.dma_semaphore, #tpu.memory_space<semaphore_mem>>)
      %dma_start3A_61 = arith.constant 53248 : i32
      %dma_start3A_62 = tpu.memref_slice %arg4[%dma_start3A_61] : memref<65536xf32, #tpu.memory_space<vmem_shared>> -> memref<4096xf32, #tpu.memory_space<vmem_shared>>
      tpu.enqueue_dma source(%arg2 : memref<4096xf32, #tpu.memory_space<hbm>>) target(%dma_start3A_62 : memref<4096xf32, #tpu.memory_space<vmem_shared>>) target_semaphore(%arg5 : memref<!tpu.dma_semaphore, #tpu.memory_space<semaphore_mem>>)
      %dma_start3A_63 = arith.constant 57344 : i32
      %dma_start3A_64 = tpu.memref_slice %arg4[%dma_start3A_63] : memref<65536xf32, #tpu.memory_space<vmem_shared>> -> memref<4096xf32, #tpu.memory_space<vmem_shared>>
      tpu.enqueue_dma source(%arg2 : memref<4096xf32, #tpu.memory_space<hbm>>) target(%dma_start3A_64 : memref<4096xf32, #tpu.memory_space<vmem_shared>>) target_semaphore(%arg5 : memref<!tpu.dma_semaphore, #tpu.memory_space<semaphore_mem>>)
      %dma_start3A_65 = arith.constant 61440 : i32
      %dma_start3A_66 = tpu.memref_slice %arg4[%dma_start3A_65] : memref<65536xf32, #tpu.memory_space<vmem_shared>> -> memref<4096xf32, #tpu.memory_space<vmem_shared>>
      tpu.enqueue_dma source(%arg2 : memref<4096xf32, #tpu.memory_space<hbm>>) target(%dma_start3A_66 : memref<4096xf32, #tpu.memory_space<vmem_shared>>) target_semaphore(%arg5 : memref<!tpu.dma_semaphore, #tpu.memory_space<semaphore_mem>>)
      %dma_wait3A_67 = arith.constant 0 : i32
      %dma_wait3A_68 = tpu.memref_slice %arg4[%dma_wait3A_67] : memref<65536xf32, #tpu.memory_space<vmem_shared>> -> memref<4096xf32, #tpu.memory_space<vmem_shared>>
      tpu.wait_dma2 semaphore(%arg5 : memref<!tpu.dma_semaphore, #tpu.memory_space<semaphore_mem>>) src(%arg2 : memref<4096xf32, #tpu.memory_space<hbm>>) dst(%dma_wait3A_68 : memref<4096xf32, #tpu.memory_space<vmem_shared>>)
      %dma_wait3A_69 = arith.constant 4096 : i32
      %dma_wait3A_70 = tpu.memref_slice %arg4[%dma_wait3A_69] : memref<65536xf32, #tpu.memory_space<vmem_shared>> -> memref<4096xf32, #tpu.memory_space<vmem_shared>>
      tpu.wait_dma2 semaphore(%arg5 : memref<!tpu.dma_semaphore, #tpu.memory_space<semaphore_mem>>) src(%arg2 : memref<4096xf32, #tpu.memory_space<hbm>>) dst(%dma_wait3A_70 : memref<4096xf32, #tpu.memory_space<vmem_shared>>)
      %dma_wait3A_71 = arith.constant 8192 : i32
      %dma_wait3A_72 = tpu.memref_slice %arg4[%dma_wait3A_71] : memref<65536xf32, #tpu.memory_space<vmem_shared>> -> memref<4096xf32, #tpu.memory_space<vmem_shared>>
      tpu.wait_dma2 semaphore(%arg5 : memref<!tpu.dma_semaphore, #tpu.memory_space<semaphore_mem>>) src(%arg2 : memref<4096xf32, #tpu.memory_space<hbm>>) dst(%dma_wait3A_72 : memref<4096xf32, #tpu.memory_space<vmem_shared>>)
      %dma_wait3A_73 = arith.constant 12288 : i32
      %dma_wait3A_74 = tpu.memref_slice %arg4[%dma_wait3A_73] : memref<65536xf32, #tpu.memory_space<vmem_shared>> -> memref<4096xf32, #tpu.memory_space<vmem_shared>>
      tpu.wait_dma2 semaphore(%arg5 : memref<!tpu.dma_semaphore, #tpu.memory_space<semaphore_mem>>) src(%arg2 : memref<4096xf32, #tpu.memory_space<hbm>>) dst(%dma_wait3A_74 : memref<4096xf32, #tpu.memory_space<vmem_shared>>)
      %dma_wait3A_75 = arith.constant 16384 : i32
      %dma_wait3A_76 = tpu.memref_slice %arg4[%dma_wait3A_75] : memref<65536xf32, #tpu.memory_space<vmem_shared>> -> memref<4096xf32, #tpu.memory_space<vmem_shared>>
      tpu.wait_dma2 semaphore(%arg5 : memref<!tpu.dma_semaphore, #tpu.memory_space<semaphore_mem>>) src(%arg2 : memref<4096xf32, #tpu.memory_space<hbm>>) dst(%dma_wait3A_76 : memref<4096xf32, #tpu.memory_space<vmem_shared>>)
      %dma_wait3A_77 = arith.constant 20480 : i32
      %dma_wait3A_78 = tpu.memref_slice %arg4[%dma_wait3A_77] : memref<65536xf32, #tpu.memory_space<vmem_shared>> -> memref<4096xf32, #tpu.memory_space<vmem_shared>>
      tpu.wait_dma2 semaphore(%arg5 : memref<!tpu.dma_semaphore, #tpu.memory_space<semaphore_mem>>) src(%arg2 : memref<4096xf32, #tpu.memory_space<hbm>>) dst(%dma_wait3A_78 : memref<4096xf32, #tpu.memory_space<vmem_shared>>)
      %dma_wait3A_79 = arith.constant 24576 : i32
      %dma_wait3A_80 = tpu.memref_slice %arg4[%dma_wait3A_79] : memref<65536xf32, #tpu.memory_space<vmem_shared>> -> memref<4096xf32, #tpu.memory_space<vmem_shared>>
      tpu.wait_dma2 semaphore(%arg5 : memref<!tpu.dma_semaphore, #tpu.memory_space<semaphore_mem>>) src(%arg2 : memref<4096xf32, #tpu.memory_space<hbm>>) dst(%dma_wait3A_80 : memref<4096xf32, #tpu.memory_space<vmem_shared>>)
      %dma_wait3A_81 = arith.constant 28672 : i32
      %dma_wait3A_82 = tpu.memref_slice %arg4[%dma_wait3A_81] : memref<65536xf32, #tpu.memory_space<vmem_shared>> -> memref<4096xf32, #tpu.memory_space<vmem_shared>>
      tpu.wait_dma2 semaphore(%arg5 : memref<!tpu.dma_semaphore, #tpu.memory_space<semaphore_mem>>) src(%arg2 : memref<4096xf32, #tpu.memory_space<hbm>>) dst(%dma_wait3A_82 : memref<4096xf32, #tpu.memory_space<vmem_shared>>)
      %dma_wait3A_83 = arith.constant 32768 : i32
      %dma_wait3A_84 = tpu.memref_slice %arg4[%dma_wait3A_83] : memref<65536xf32, #tpu.memory_space<vmem_shared>> -> memref<4096xf32, #tpu.memory_space<vmem_shared>>
      tpu.wait_dma2 semaphore(%arg5 : memref<!tpu.dma_semaphore, #tpu.memory_space<semaphore_mem>>) src(%arg2 : memref<4096xf32, #tpu.memory_space<hbm>>) dst(%dma_wait3A_84 : memref<4096xf32, #tpu.memory_space<vmem_shared>>)
      %dma_wait3A_85 = arith.constant 36864 : i32
      %dma_wait3A_86 = tpu.memref_slice %arg4[%dma_wait3A_85] : memref<65536xf32, #tpu.memory_space<vmem_shared>> -> memref<4096xf32, #tpu.memory_space<vmem_shared>>
      tpu.wait_dma2 semaphore(%arg5 : memref<!tpu.dma_semaphore, #tpu.memory_space<semaphore_mem>>) src(%arg2 : memref<4096xf32, #tpu.memory_space<hbm>>) dst(%dma_wait3A_86 : memref<4096xf32, #tpu.memory_space<vmem_shared>>)
      %dma_wait3A_87 = arith.constant 40960 : i32
      %dma_wait3A_88 = tpu.memref_slice %arg4[%dma_wait3A_87] : memref<65536xf32, #tpu.memory_space<vmem_shared>> -> memref<4096xf32, #tpu.memory_space<vmem_shared>>
      tpu.wait_dma2 semaphore(%arg5 : memref<!tpu.dma_semaphore, #tpu.memory_space<semaphore_mem>>) src(%arg2 : memref<4096xf32, #tpu.memory_space<hbm>>) dst(%dma_wait3A_88 : memref<4096xf32, #tpu.memory_space<vmem_shared>>)
      %dma_wait3A_89 = arith.constant 45056 : i32
      %dma_wait3A_90 = tpu.memref_slice %arg4[%dma_wait3A_89] : memref<65536xf32, #tpu.memory_space<vmem_shared>> -> memref<4096xf32, #tpu.memory_space<vmem_shared>>
      tpu.wait_dma2 semaphore(%arg5 : memref<!tpu.dma_semaphore, #tpu.memory_space<semaphore_mem>>) src(%arg2 : memref<4096xf32, #tpu.memory_space<hbm>>) dst(%dma_wait3A_90 : memref<4096xf32, #tpu.memory_space<vmem_shared>>)
      %dma_wait3A_91 = arith.constant 49152 : i32
      %dma_wait3A_92 = tpu.memref_slice %arg4[%dma_wait3A_91] : memref<65536xf32, #tpu.memory_space<vmem_shared>> -> memref<4096xf32, #tpu.memory_space<vmem_shared>>
      tpu.wait_dma2 semaphore(%arg5 : memref<!tpu.dma_semaphore, #tpu.memory_space<semaphore_mem>>) src(%arg2 : memref<4096xf32, #tpu.memory_space<hbm>>) dst(%dma_wait3A_92 : memref<4096xf32, #tpu.memory_space<vmem_shared>>)
      %dma_wait3A_93 = arith.constant 53248 : i32
      %dma_wait3A_94 = tpu.memref_slice %arg4[%dma_wait3A_93] : memref<65536xf32, #tpu.memory_space<vmem_shared>> -> memref<4096xf32, #tpu.memory_space<vmem_shared>>
      tpu.wait_dma2 semaphore(%arg5 : memref<!tpu.dma_semaphore, #tpu.memory_space<semaphore_mem>>) src(%arg2 : memref<4096xf32, #tpu.memory_space<hbm>>) dst(%dma_wait3A_94 : memref<4096xf32, #tpu.memory_space<vmem_shared>>)
      %dma_wait3A_95 = arith.constant 57344 : i32
      %dma_wait3A_96 = tpu.memref_slice %arg4[%dma_wait3A_95] : memref<65536xf32, #tpu.memory_space<vmem_shared>> -> memref<4096xf32, #tpu.memory_space<vmem_shared>>
      tpu.wait_dma2 semaphore(%arg5 : memref<!tpu.dma_semaphore, #tpu.memory_space<semaphore_mem>>) src(%arg2 : memref<4096xf32, #tpu.memory_space<hbm>>) dst(%dma_wait3A_96 : memref<4096xf32, #tpu.memory_space<vmem_shared>>)
      %dma_wait3A_97 = arith.constant 61440 : i32
      %dma_wait3A_98 = tpu.memref_slice %arg4[%dma_wait3A_97] : memref<65536xf32, #tpu.memory_space<vmem_shared>> -> memref<4096xf32, #tpu.memory_space<vmem_shared>>
      tpu.wait_dma2 semaphore(%arg5 : memref<!tpu.dma_semaphore, #tpu.memory_space<semaphore_mem>>) src(%arg2 : memref<4096xf32, #tpu.memory_space<hbm>>) dst(%dma_wait3A_98 : memref<4096xf32, #tpu.memory_space<vmem_shared>>)
    } else {
    }
    %barrier3A = arith.constant 0 : index
    tpu.barrier barrier_id(%barrier3A)
    %add3A_5 = arith.constant 0 : i32
    %add3A_6 = arith.addi %mul3A_2, %add3A_5 : i32
    %dma_start3A = tpu.memref_slice %arg3[%add3A_6] : memref<16777216xf32, #tpu.memory_space<hbm>> -> memref<65536xf32, #tpu.memory_space<hbm>>
    tpu.enqueue_dma source(%arg4 : memref<65536xf32, #tpu.memory_space<vmem_shared>>) target(%dma_start3A : memref<65536xf32, #tpu.memory_space<hbm>>) target_semaphore(%arg6 : memref<!tpu.dma_semaphore, #tpu.memory_space<semaphore_mem>>)
    %add3A_7 = arith.constant 65536 : i32
    %add3A_8 = arith.addi %mul3A_2, %add3A_7 : i32
    %dma_start3A_9 = tpu.memref_slice %arg3[%add3A_8] : memref<16777216xf32, #tpu.memory_space<hbm>> -> memref<65536xf32, #tpu.memory_space<hbm>>
    tpu.enqueue_dma source(%arg4 : memref<65536xf32, #tpu.memory_space<vmem_shared>>) target(%dma_start3A_9 : memref<65536xf32, #tpu.memory_space<hbm>>) target_semaphore(%arg6 : memref<!tpu.dma_semaphore, #tpu.memory_space<semaphore_mem>>)
    %add3A_10 = arith.constant 131072 : i32
    %add3A_11 = arith.addi %mul3A_2, %add3A_10 : i32
    %dma_start3A_12 = tpu.memref_slice %arg3[%add3A_11] : memref<16777216xf32, #tpu.memory_space<hbm>> -> memref<65536xf32, #tpu.memory_space<hbm>>
    tpu.enqueue_dma source(%arg4 : memref<65536xf32, #tpu.memory_space<vmem_shared>>) target(%dma_start3A_12 : memref<65536xf32, #tpu.memory_space<hbm>>) target_semaphore(%arg6 : memref<!tpu.dma_semaphore, #tpu.memory_space<semaphore_mem>>)
    %add3A_13 = arith.constant 196608 : i32
    %add3A_14 = arith.addi %mul3A_2, %add3A_13 : i32
    %dma_start3A_15 = tpu.memref_slice %arg3[%add3A_14] : memref<16777216xf32, #tpu.memory_space<hbm>> -> memref<65536xf32, #tpu.memory_space<hbm>>
    tpu.enqueue_dma source(%arg4 : memref<65536xf32, #tpu.memory_space<vmem_shared>>) target(%dma_start3A_15 : memref<65536xf32, #tpu.memory_space<hbm>>) target_semaphore(%arg6 : memref<!tpu.dma_semaphore, #tpu.memory_space<semaphore_mem>>)
    %add3A_16 = arith.constant 262144 : i32
    %add3A_17 = arith.addi %mul3A_2, %add3A_16 : i32
    %dma_start3A_18 = tpu.memref_slice %arg3[%add3A_17] : memref<16777216xf32, #tpu.memory_space<hbm>> -> memref<65536xf32, #tpu.memory_space<hbm>>
    tpu.enqueue_dma source(%arg4 : memref<65536xf32, #tpu.memory_space<vmem_shared>>) target(%dma_start3A_18 : memref<65536xf32, #tpu.memory_space<hbm>>) target_semaphore(%arg6 : memref<!tpu.dma_semaphore, #tpu.memory_space<semaphore_mem>>)
    %add3A_19 = arith.constant 327680 : i32
    %add3A_20 = arith.addi %mul3A_2, %add3A_19 : i32
    %dma_start3A_21 = tpu.memref_slice %arg3[%add3A_20] : memref<16777216xf32, #tpu.memory_space<hbm>> -> memref<65536xf32, #tpu.memory_space<hbm>>
    tpu.enqueue_dma source(%arg4 : memref<65536xf32, #tpu.memory_space<vmem_shared>>) target(%dma_start3A_21 : memref<65536xf32, #tpu.memory_space<hbm>>) target_semaphore(%arg6 : memref<!tpu.dma_semaphore, #tpu.memory_space<semaphore_mem>>)
    %add3A_22 = arith.constant 393216 : i32
    %add3A_23 = arith.addi %mul3A_2, %add3A_22 : i32
    %dma_start3A_24 = tpu.memref_slice %arg3[%add3A_23] : memref<16777216xf32, #tpu.memory_space<hbm>> -> memref<65536xf32, #tpu.memory_space<hbm>>
    tpu.enqueue_dma source(%arg4 : memref<65536xf32, #tpu.memory_space<vmem_shared>>) target(%dma_start3A_24 : memref<65536xf32, #tpu.memory_space<hbm>>) target_semaphore(%arg6 : memref<!tpu.dma_semaphore, #tpu.memory_space<semaphore_mem>>)
    %add3A_25 = arith.constant 458752 : i32
    %add3A_26 = arith.addi %mul3A_2, %add3A_25 : i32
    %dma_start3A_27 = tpu.memref_slice %arg3[%add3A_26] : memref<16777216xf32, #tpu.memory_space<hbm>> -> memref<65536xf32, #tpu.memory_space<hbm>>
    tpu.enqueue_dma source(%arg4 : memref<65536xf32, #tpu.memory_space<vmem_shared>>) target(%dma_start3A_27 : memref<65536xf32, #tpu.memory_space<hbm>>) target_semaphore(%arg6 : memref<!tpu.dma_semaphore, #tpu.memory_space<semaphore_mem>>)
    %dma_wait3A = tpu.memref_slice %arg3[%add3A_6] : memref<16777216xf32, #tpu.memory_space<hbm>> -> memref<65536xf32, #tpu.memory_space<hbm>>
    tpu.wait_dma2 semaphore(%arg6 : memref<!tpu.dma_semaphore, #tpu.memory_space<semaphore_mem>>) src(%arg4 : memref<65536xf32, #tpu.memory_space<vmem_shared>>) dst(%dma_wait3A : memref<65536xf32, #tpu.memory_space<hbm>>)
    %dma_wait3A_28 = tpu.memref_slice %arg3[%add3A_8] : memref<16777216xf32, #tpu.memory_space<hbm>> -> memref<65536xf32, #tpu.memory_space<hbm>>
    tpu.wait_dma2 semaphore(%arg6 : memref<!tpu.dma_semaphore, #tpu.memory_space<semaphore_mem>>) src(%arg4 : memref<65536xf32, #tpu.memory_space<vmem_shared>>) dst(%dma_wait3A_28 : memref<65536xf32, #tpu.memory_space<hbm>>)
    %dma_wait3A_29 = tpu.memref_slice %arg3[%add3A_11] : memref<16777216xf32, #tpu.memory_space<hbm>> -> memref<65536xf32, #tpu.memory_space<hbm>>
    tpu.wait_dma2 semaphore(%arg6 : memref<!tpu.dma_semaphore, #tpu.memory_space<semaphore_mem>>) src(%arg4 : memref<65536xf32, #tpu.memory_space<vmem_shared>>) dst(%dma_wait3A_29 : memref<65536xf32, #tpu.memory_space<hbm>>)
    %dma_wait3A_30 = tpu.memref_slice %arg3[%add3A_14] : memref<16777216xf32, #tpu.memory_space<hbm>> -> memref<65536xf32, #tpu.memory_space<hbm>>
    tpu.wait_dma2 semaphore(%arg6 : memref<!tpu.dma_semaphore, #tpu.memory_space<semaphore_mem>>) src(%arg4 : memref<65536xf32, #tpu.memory_space<vmem_shared>>) dst(%dma_wait3A_30 : memref<65536xf32, #tpu.memory_space<hbm>>)
    %dma_wait3A_31 = tpu.memref_slice %arg3[%add3A_17] : memref<16777216xf32, #tpu.memory_space<hbm>> -> memref<65536xf32, #tpu.memory_space<hbm>>
    tpu.wait_dma2 semaphore(%arg6 : memref<!tpu.dma_semaphore, #tpu.memory_space<semaphore_mem>>) src(%arg4 : memref<65536xf32, #tpu.memory_space<vmem_shared>>) dst(%dma_wait3A_31 : memref<65536xf32, #tpu.memory_space<hbm>>)
    %dma_wait3A_32 = tpu.memref_slice %arg3[%add3A_20] : memref<16777216xf32, #tpu.memory_space<hbm>> -> memref<65536xf32, #tpu.memory_space<hbm>>
    tpu.wait_dma2 semaphore(%arg6 : memref<!tpu.dma_semaphore, #tpu.memory_space<semaphore_mem>>) src(%arg4 : memref<65536xf32, #tpu.memory_space<vmem_shared>>) dst(%dma_wait3A_32 : memref<65536xf32, #tpu.memory_space<hbm>>)
    %dma_wait3A_33 = tpu.memref_slice %arg3[%add3A_23] : memref<16777216xf32, #tpu.memory_space<hbm>> -> memref<65536xf32, #tpu.memory_space<hbm>>
    tpu.wait_dma2 semaphore(%arg6 : memref<!tpu.dma_semaphore, #tpu.memory_space<semaphore_mem>>) src(%arg4 : memref<65536xf32, #tpu.memory_space<vmem_shared>>) dst(%dma_wait3A_33 : memref<65536xf32, #tpu.memory_space<hbm>>)
    %dma_wait3A_34 = tpu.memref_slice %arg3[%add3A_26] : memref<16777216xf32, #tpu.memory_space<hbm>> -> memref<65536xf32, #tpu.memory_space<hbm>>
    tpu.wait_dma2 semaphore(%arg6 : memref<!tpu.dma_semaphore, #tpu.memory_space<semaphore_mem>>) src(%arg4 : memref<65536xf32, #tpu.memory_space<vmem_shared>>) dst(%dma_wait3A_34 : memref<65536xf32, #tpu.memory_space<hbm>>)
    return
  }
}

module attributes {stable_mosaic.version = 14 : i64} {
  func.func @_xx_kernel(%arg0: i32, %arg1: memref<128x1xf32, #tpu.memory_space<vmem>>, %arg2: memref<4096x128xf32, #tpu.memory_space<vmem>>) attributes {dimension_semantics = [#tpu.dimension_semantics<arbitrary>], iteration_bounds = array<i64: 32>, scalar_prefetch = 0 : i64, scratch_operands = 0 : i64, tpu.core_type = #tpu.core_type<tc>, window_params = [{transform_indices = @transform_0, window_bounds = array<i64: 128, 1>}, {transform_indices = @transform_1, window_bounds = array<i64: 4096, 128>}]} {
    %get3A = arith.constant 0 : index
    %get3A_0 = arith.constant 0 : index
    %get3A_1 = vector.load %arg1[%get3A, %get3A_0] : memref<128x1xf32, #tpu.memory_space<vmem>>, vector<128x1xf32>
    %reshape3A = vector.shape_cast %get3A_1 : vector<128x1xf32> to vector<128x1x1xf32>
    %broadcast_in_dim3A = vector.shape_cast %reshape3A : vector<128x1x1xf32> to vector<128x1x1xf32>
    %broadcast_in_dim3A_2 = vector.broadcast %broadcast_in_dim3A : vector<128x1x1xf32> to vector<128x32x128xf32>
    %reshape3A_3 = vector.shape_cast %broadcast_in_dim3A_2 : vector<128x32x128xf32> to vector<4096x128xf32>
    %swap3A = arith.constant 0 : index
    %swap3A_4 = arith.constant 0 : index
    %swap3A_5 = vector.load %arg2[%swap3A, %swap3A_4] : memref<4096x128xf32, #tpu.memory_space<vmem>>, vector<4096x128xf32>
    tpu.vector_store %arg2[%swap3A, %swap3A_4], %reshape3A_3 {strides = array<i32>} : memref<4096x128xf32, #tpu.memory_space<vmem>>, vector<4096x128xf32>,
    return
  }
  func.func @transform_0(%arg0: i32) -> (i32, i32) {
    %c0_i32 = arith.constant 0 : i32
    %c0_i32_0 = arith.constant 0 : i32
    return %arg0, %c0_i32 : i32, i32
  }
  func.func @transform_1(%arg0: i32) -> (i32, i32) {
    %c0_i32 = arith.constant 0 : i32
    %c0_i32_0 = arith.constant 0 : i32
    return %arg0, %c0_i32 : i32, i32
  }
}

module attributes {stable_mosaic.version = 14 : i64} {
  func.func @_sort_kernel(%arg0: memref<32x128xf32, #tpu.memory_space<vmem>>, %arg1: memref<32x128xf32, #tpu.memory_space<vmem>>) attributes {dimension_semantics = [], scalar_prefetch = 0 : i64, scratch_operands = 0 : i64, tpu.core_type = #tpu.core_type<tc>} {
    %get3A = arith.constant 0 : index
    %get3A_0 = arith.constant 0 : index
    %get3A_1 = vector.load %arg0[%get3A, %get3A_0] : memref<32x128xf32, #tpu.memory_space<vmem>>, vector<32x128xf32>
    %iota3A = tpu.iota {dimensions = array<i32: 0>} : vector<32x128xi32>
    %iota3A_2 = tpu.iota {dimensions = array<i32: 1>} : vector<32x128xi32>
    %mul3A = arith.constant 128 : i32
    %mul3A_3 = vector.broadcast %mul3A : i32 to vector<32x128xi32>
    %mul3A_4 = arith.muli %iota3A, %mul3A_3 : vector<32x128xi32>
    %add3A = arith.addi %mul3A_4, %iota3A_2 : vector<32x128xi32>
    %slice3A = vector.extract_strided_slice %get3A_1 {offsets = [0, 1], sizes = [32, 127], strides = [1, 1]} : vector<32x128xf32> to vector<32x127xf32>
    %slice3A_5 = vector.extract_strided_slice %get3A_1 {offsets = [0, 0], sizes = [32, 1], strides = [1, 1]} : vector<32x128xf32> to vector<32x1xf32>
    %concatenate3A = tpu.concatenate %slice3A, %slice3A_5 in 1 : vector<32x127xf32>, vector<32x1xf32> -> vector<32x128xf32>
    %slice3A_6 = vector.extract_strided_slice %get3A_1 {offsets = [0, 127], sizes = [32, 1], strides = [1, 1]} : vector<32x128xf32> to vector<32x1xf32>
    %slice3A_7 = vector.extract_strided_slice %get3A_1 {offsets = [0, 0], sizes = [32, 127], strides = [1, 1]} : vector<32x128xf32> to vector<32x127xf32>
    %concatenate3A_8 = tpu.concatenate %slice3A_6, %slice3A_7 in 1 : vector<32x1xf32>, vector<32x127xf32> -> vector<32x128xf32>
    %and3A = arith.constant 1 : i32
    %and3A_9 = vector.broadcast %and3A : i32 to vector<32x128xi32>
    %and3A_10 = arith.andi %add3A, %and3A_9 : vector<32x128xi32>
    %eq3A = arith.constant 0 : i32
    %eq3A_11 = vector.broadcast %eq3A : i32 to vector<32x128xi32>
    %eq3A_12 = arith.cmpi eq, %and3A_10, %eq3A_11 : vector<32x128xi32>
    %select_n3A = arith.select %eq3A_12, %concatenate3A, %concatenate3A_8 : vector<32x128xi1>, vector<32x128xf32>
    %and3A_13 = arith.constant 2 : i32
    %and3A_14 = vector.broadcast %and3A_13 : i32 to vector<32x128xi32>
    %and3A_15 = arith.andi %add3A, %and3A_14 : vector<32x128xi32>
    %eq3A_16 = arith.constant 0 : i32
    %eq3A_17 = vector.broadcast %eq3A_16 : i32 to vector<32x128xi32>
    %eq3A_18 = arith.cmpi eq, %and3A_15, %eq3A_17 : vector<32x128xi32>
    %eq3A_19 = arith.xori %eq3A_12, %eq3A_18 : vector<32x128xi1>
    %eq3A_20 = arith.constant dense<true> : vector<32x128xi1>
    %eq3A_21 = arith.xori %eq3A_19, %eq3A_20 : vector<32x128xi1>
    %min3A = arith.minimumf %get3A_1, %select_n3A : vector<32x128xf32>
    %max3A = arith.maximumf %get3A_1, %select_n3A : vector<32x128xf32>
    %select_n3A_22 = arith.select %eq3A_21, %min3A, %max3A : vector<32x128xi1>, vector<32x128xf32>
    %slice3A_23 = vector.extract_strided_slice %select_n3A_22 {offsets = [0, 2], sizes = [32, 126], strides = [1, 1]} : vector<32x128xf32> to vector<32x126xf32>
    %slice3A_24 = vector.extract_strided_slice %select_n3A_22 {offsets = [0, 0], sizes = [32, 2], strides = [1, 1]} : vector<32x128xf32> to vector<32x2xf32>
    %concatenate3A_25 = tpu.concatenate %slice3A_23, %slice3A_24 in 1 : vector<32x126xf32>, vector<32x2xf32> -> vector<32x128xf32>
    %slice3A_26 = vector.extract_strided_slice %select_n3A_22 {offsets = [0, 126], sizes = [32, 2], strides = [1, 1]} : vector<32x128xf32> to vector<32x2xf32>
    %slice3A_27 = vector.extract_strided_slice %select_n3A_22 {offsets = [0, 0], sizes = [32, 126], strides = [1, 1]} : vector<32x128xf32> to vector<32x126xf32>
    %concatenate3A_28 = tpu.concatenate %slice3A_26, %slice3A_27 in 1 : vector<32x2xf32>, vector<32x126xf32> -> vector<32x128xf32>
    %and3A_29 = arith.constant 2 : i32
    %and3A_30 = vector.broadcast %and3A_29 : i32 to vector<32x128xi32>
    %and3A_31 = arith.andi %add3A, %and3A_30 : vector<32x128xi32>
    %eq3A_32 = arith.constant 0 : i32
    %eq3A_33 = vector.broadcast %eq3A_32 : i32 to vector<32x128xi32>
    %eq3A_34 = arith.cmpi eq, %and3A_31, %eq3A_33 : vector<32x128xi32>
    %select_n3A_35 = arith.select %eq3A_34, %concatenate3A_25, %concatenate3A_28 : vector<32x128xi1>, vector<32x128xf32>
    %and3A_36 = arith.constant 4 : i32
    %and3A_37 = vector.broadcast %and3A_36 : i32 to vector<32x128xi32>
    %and3A_38 = arith.andi %add3A, %and3A_37 : vector<32x128xi32>
    %eq3A_39 = arith.constant 0 : i32
    %eq3A_40 = vector.broadcast %eq3A_39 : i32 to vector<32x128xi32>
    %eq3A_41 = arith.cmpi eq, %and3A_38, %eq3A_40 : vector<32x128xi32>
    %eq3A_42 = arith.xori %eq3A_34, %eq3A_41 : vector<32x128xi1>
    %eq3A_43 = arith.constant dense<true> : vector<32x128xi1>
    %eq3A_44 = arith.xori %eq3A_42, %eq3A_43 : vector<32x128xi1>
    %min3A_45 = arith.minimumf %select_n3A_22, %select_n3A_35 : vector<32x128xf32>
    %max3A_46 = arith.maximumf %select_n3A_22, %select_n3A_35 : vector<32x128xf32>
    %select_n3A_47 = arith.select %eq3A_44, %min3A_45, %max3A_46 : vector<32x128xi1>, vector<32x128xf32>
    %slice3A_48 = vector.extract_strided_slice %select_n3A_47 {offsets = [0, 1], sizes = [32, 127], strides = [1, 1]} : vector<32x128xf32> to vector<32x127xf32>
    %slice3A_49 = vector.extract_strided_slice %select_n3A_47 {offsets = [0, 0], sizes = [32, 1], strides = [1, 1]} : vector<32x128xf32> to vector<32x1xf32>
    %concatenate3A_50 = tpu.concatenate %slice3A_48, %slice3A_49 in 1 : vector<32x127xf32>, vector<32x1xf32> -> vector<32x128xf32>
    %slice3A_51 = vector.extract_strided_slice %select_n3A_47 {offsets = [0, 127], sizes = [32, 1], strides = [1, 1]} : vector<32x128xf32> to vector<32x1xf32>
    %slice3A_52 = vector.extract_strided_slice %select_n3A_47 {offsets = [0, 0], sizes = [32, 127], strides = [1, 1]} : vector<32x128xf32> to vector<32x127xf32>
    %concatenate3A_53 = tpu.concatenate %slice3A_51, %slice3A_52 in 1 : vector<32x1xf32>, vector<32x127xf32> -> vector<32x128xf32>
    %and3A_54 = arith.constant 1 : i32
    %and3A_55 = vector.broadcast %and3A_54 : i32 to vector<32x128xi32>
    %and3A_56 = arith.andi %add3A, %and3A_55 : vector<32x128xi32>
    %eq3A_57 = arith.constant 0 : i32
    %eq3A_58 = vector.broadcast %eq3A_57 : i32 to vector<32x128xi32>
    %eq3A_59 = arith.cmpi eq, %and3A_56, %eq3A_58 : vector<32x128xi32>
    %select_n3A_60 = arith.select %eq3A_59, %concatenate3A_50, %concatenate3A_53 : vector<32x128xi1>, vector<32x128xf32>
    %and3A_61 = arith.constant 4 : i32
    %and3A_62 = vector.broadcast %and3A_61 : i32 to vector<32x128xi32>
    %and3A_63 = arith.andi %add3A, %and3A_62 : vector<32x128xi32>
    %eq3A_64 = arith.constant 0 : i32
    %eq3A_65 = vector.broadcast %eq3A_64 : i32 to vector<32x128xi32>
    %eq3A_66 = arith.cmpi eq, %and3A_63, %eq3A_65 : vector<32x128xi32>
    %eq3A_67 = arith.xori %eq3A_59, %eq3A_66 : vector<32x128xi1>
    %eq3A_68 = arith.constant dense<true> : vector<32x128xi1>
    %eq3A_69 = arith.xori %eq3A_67, %eq3A_68 : vector<32x128xi1>
    %min3A_70 = arith.minimumf %select_n3A_47, %select_n3A_60 : vector<32x128xf32>
    %max3A_71 = arith.maximumf %select_n3A_47, %select_n3A_60 : vector<32x128xf32>
    %select_n3A_72 = arith.select %eq3A_69, %min3A_70, %max3A_71 : vector<32x128xi1>, vector<32x128xf32>
    %slice3A_73 = vector.extract_strided_slice %select_n3A_72 {offsets = [0, 4], sizes = [32, 124], strides = [1, 1]} : vector<32x128xf32> to vector<32x124xf32>
    %slice3A_74 = vector.extract_strided_slice %select_n3A_72 {offsets = [0, 0], sizes = [32, 4], strides = [1, 1]} : vector<32x128xf32> to vector<32x4xf32>
    %concatenate3A_75 = tpu.concatenate %slice3A_73, %slice3A_74 in 1 : vector<32x124xf32>, vector<32x4xf32> -> vector<32x128xf32>
    %slice3A_76 = vector.extract_strided_slice %select_n3A_72 {offsets = [0, 124], sizes = [32, 4], strides = [1, 1]} : vector<32x128xf32> to vector<32x4xf32>
    %slice3A_77 = vector.extract_strided_slice %select_n3A_72 {offsets = [0, 0], sizes = [32, 124], strides = [1, 1]} : vector<32x128xf32> to vector<32x124xf32>
    %concatenate3A_78 = tpu.concatenate %slice3A_76, %slice3A_77 in 1 : vector<32x4xf32>, vector<32x124xf32> -> vector<32x128xf32>
    %and3A_79 = arith.constant 4 : i32
    %and3A_80 = vector.broadcast %and3A_79 : i32 to vector<32x128xi32>
    %and3A_81 = arith.andi %add3A, %and3A_80 : vector<32x128xi32>
    %eq3A_82 = arith.constant 0 : i32
    %eq3A_83 = vector.broadcast %eq3A_82 : i32 to vector<32x128xi32>
    %eq3A_84 = arith.cmpi eq, %and3A_81, %eq3A_83 : vector<32x128xi32>
    %select_n3A_85 = arith.select %eq3A_84, %concatenate3A_75, %concatenate3A_78 : vector<32x128xi1>, vector<32x128xf32>
    %and3A_86 = arith.constant 8 : i32
    %and3A_87 = vector.broadcast %and3A_86 : i32 to vector<32x128xi32>
    %and3A_88 = arith.andi %add3A, %and3A_87 : vector<32x128xi32>
    %eq3A_89 = arith.constant 0 : i32
    %eq3A_90 = vector.broadcast %eq3A_89 : i32 to vector<32x128xi32>
    %eq3A_91 = arith.cmpi eq, %and3A_88, %eq3A_90 : vector<32x128xi32>
    %eq3A_92 = arith.xori %eq3A_84, %eq3A_91 : vector<32x128xi1>
    %eq3A_93 = arith.constant dense<true> : vector<32x128xi1>
    %eq3A_94 = arith.xori %eq3A_92, %eq3A_93 : vector<32x128xi1>
    %min3A_95 = arith.minimumf %select_n3A_72, %select_n3A_85 : vector<32x128xf32>
    %max3A_96 = arith.maximumf %select_n3A_72, %select_n3A_85 : vector<32x128xf32>
    %select_n3A_97 = arith.select %eq3A_94, %min3A_95, %max3A_96 : vector<32x128xi1>, vector<32x128xf32>
    %slice3A_98 = vector.extract_strided_slice %select_n3A_97 {offsets = [0, 2], sizes = [32, 126], strides = [1, 1]} : vector<32x128xf32> to vector<32x126xf32>
    %slice3A_99 = vector.extract_strided_slice %select_n3A_97 {offsets = [0, 0], sizes = [32, 2], strides = [1, 1]} : vector<32x128xf32> to vector<32x2xf32>
    %concatenate3A_100 = tpu.concatenate %slice3A_98, %slice3A_99 in 1 : vector<32x126xf32>, vector<32x2xf32> -> vector<32x128xf32>
    %slice3A_101 = vector.extract_strided_slice %select_n3A_97 {offsets = [0, 126], sizes = [32, 2], strides = [1, 1]} : vector<32x128xf32> to vector<32x2xf32>
    %slice3A_102 = vector.extract_strided_slice %select_n3A_97 {offsets = [0, 0], sizes = [32, 126], strides = [1, 1]} : vector<32x128xf32> to vector<32x126xf32>
    %concatenate3A_103 = tpu.concatenate %slice3A_101, %slice3A_102 in 1 : vector<32x2xf32>, vector<32x126xf32> -> vector<32x128xf32>
    %and3A_104 = arith.constant 2 : i32
    %and3A_105 = vector.broadcast %and3A_104 : i32 to vector<32x128xi32>
    %and3A_106 = arith.andi %add3A, %and3A_105 : vector<32x128xi32>
    %eq3A_107 = arith.constant 0 : i32
    %eq3A_108 = vector.broadcast %eq3A_107 : i32 to vector<32x128xi32>
    %eq3A_109 = arith.cmpi eq, %and3A_106, %eq3A_108 : vector<32x128xi32>
    %select_n3A_110 = arith.select %eq3A_109, %concatenate3A_100, %concatenate3A_103 : vector<32x128xi1>, vector<32x128xf32>
    %and3A_111 = arith.constant 8 : i32
    %and3A_112 = vector.broadcast %and3A_111 : i32 to vector<32x128xi32>
    %and3A_113 = arith.andi %add3A, %and3A_112 : vector<32x128xi32>
    %eq3A_114 = arith.constant 0 : i32
    %eq3A_115 = vector.broadcast %eq3A_114 : i32 to vector<32x128xi32>
    %eq3A_116 = arith.cmpi eq, %and3A_113, %eq3A_115 : vector<32x128xi32>
    %eq3A_117 = arith.xori %eq3A_109, %eq3A_116 : vector<32x128xi1>
    %eq3A_118 = arith.constant dense<true> : vector<32x128xi1>
    %eq3A_119 = arith.xori %eq3A_117, %eq3A_118 : vector<32x128xi1>
    %min3A_120 = arith.minimumf %select_n3A_97, %select_n3A_110 : vector<32x128xf32>
    %max3A_121 = arith.maximumf %select_n3A_97, %select_n3A_110 : vector<32x128xf32>
    %select_n3A_122 = arith.select %eq3A_119, %min3A_120, %max3A_121 : vector<32x128xi1>, vector<32x128xf32>
    %slice3A_123 = vector.extract_strided_slice %select_n3A_122 {offsets = [0, 1], sizes = [32, 127], strides = [1, 1]} : vector<32x128xf32> to vector<32x127xf32>
    %slice3A_124 = vector.extract_strided_slice %select_n3A_122 {offsets = [0, 0], sizes = [32, 1], strides = [1, 1]} : vector<32x128xf32> to vector<32x1xf32>
    %concatenate3A_125 = tpu.concatenate %slice3A_123, %slice3A_124 in 1 : vector<32x127xf32>, vector<32x1xf32> -> vector<32x128xf32>
    %slice3A_126 = vector.extract_strided_slice %select_n3A_122 {offsets = [0, 127], sizes = [32, 1], strides = [1, 1]} : vector<32x128xf32> to vector<32x1xf32>
    %slice3A_127 = vector.extract_strided_slice %select_n3A_122 {offsets = [0, 0], sizes = [32, 127], strides = [1, 1]} : vector<32x128xf32> to vector<32x127xf32>
    %concatenate3A_128 = tpu.concatenate %slice3A_126, %slice3A_127 in 1 : vector<32x1xf32>, vector<32x127xf32> -> vector<32x128xf32>
    %and3A_129 = arith.constant 1 : i32
    %and3A_130 = vector.broadcast %and3A_129 : i32 to vector<32x128xi32>
    %and3A_131 = arith.andi %add3A, %and3A_130 : vector<32x128xi32>
    %eq3A_132 = arith.constant 0 : i32
    %eq3A_133 = vector.broadcast %eq3A_132 : i32 to vector<32x128xi32>
    %eq3A_134 = arith.cmpi eq, %and3A_131, %eq3A_133 : vector<32x128xi32>
    %select_n3A_135 = arith.select %eq3A_134, %concatenate3A_125, %concatenate3A_128 : vector<32x128xi1>, vector<32x128xf32>
    %and3A_136 = arith.constant 8 : i32
    %and3A_137 = vector.broadcast %and3A_136 : i32 to vector<32x128xi32>
    %and3A_138 = arith.andi %add3A, %and3A_137 : vector<32x128xi32>
    %eq3A_139 = arith.constant 0 : i32
    %eq3A_140 = vector.broadcast %eq3A_139 : i32 to vector<32x128xi32>
    %eq3A_141 = arith.cmpi eq, %and3A_138, %eq3A_140 : vector<32x128xi32>
    %eq3A_142 = arith.xori %eq3A_134, %eq3A_141 : vector<32x128xi1>
    %eq3A_143 = arith.constant dense<true> : vector<32x128xi1>
    %eq3A_144 = arith.xori %eq3A_142, %eq3A_143 : vector<32x128xi1>
    %min3A_145 = arith.minimumf %select_n3A_122, %select_n3A_135 : vector<32x128xf32>
    %max3A_146 = arith.maximumf %select_n3A_122, %select_n3A_135 : vector<32x128xf32>
    %select_n3A_147 = arith.select %eq3A_144, %min3A_145, %max3A_146 : vector<32x128xi1>, vector<32x128xf32>
    %slice3A_148 = vector.extract_strided_slice %select_n3A_147 {offsets = [0, 8], sizes = [32, 120], strides = [1, 1]} : vector<32x128xf32> to vector<32x120xf32>
    %slice3A_149 = vector.extract_strided_slice %select_n3A_147 {offsets = [0, 0], sizes = [32, 8], strides = [1, 1]} : vector<32x128xf32> to vector<32x8xf32>
    %concatenate3A_150 = tpu.concatenate %slice3A_148, %slice3A_149 in 1 : vector<32x120xf32>, vector<32x8xf32> -> vector<32x128xf32>
    %slice3A_151 = vector.extract_strided_slice %select_n3A_147 {offsets = [0, 120], sizes = [32, 8], strides = [1, 1]} : vector<32x128xf32> to vector<32x8xf32>
    %slice3A_152 = vector.extract_strided_slice %select_n3A_147 {offsets = [0, 0], sizes = [32, 120], strides = [1, 1]} : vector<32x128xf32> to vector<32x120xf32>
    %concatenate3A_153 = tpu.concatenate %slice3A_151, %slice3A_152 in 1 : vector<32x8xf32>, vector<32x120xf32> -> vector<32x128xf32>
    %and3A_154 = arith.constant 8 : i32
    %and3A_155 = vector.broadcast %and3A_154 : i32 to vector<32x128xi32>
    %and3A_156 = arith.andi %add3A, %and3A_155 : vector<32x128xi32>
    %eq3A_157 = arith.constant 0 : i32
    %eq3A_158 = vector.broadcast %eq3A_157 : i32 to vector<32x128xi32>
    %eq3A_159 = arith.cmpi eq, %and3A_156, %eq3A_158 : vector<32x128xi32>
    %select_n3A_160 = arith.select %eq3A_159, %concatenate3A_150, %concatenate3A_153 : vector<32x128xi1>, vector<32x128xf32>
    %and3A_161 = arith.constant 16 : i32
    %and3A_162 = vector.broadcast %and3A_161 : i32 to vector<32x128xi32>
    %and3A_163 = arith.andi %add3A, %and3A_162 : vector<32x128xi32>
    %eq3A_164 = arith.constant 0 : i32
    %eq3A_165 = vector.broadcast %eq3A_164 : i32 to vector<32x128xi32>
    %eq3A_166 = arith.cmpi eq, %and3A_163, %eq3A_165 : vector<32x128xi32>
    %eq3A_167 = arith.xori %eq3A_159, %eq3A_166 : vector<32x128xi1>
    %eq3A_168 = arith.constant dense<true> : vector<32x128xi1>
    %eq3A_169 = arith.xori %eq3A_167, %eq3A_168 : vector<32x128xi1>
    %min3A_170 = arith.minimumf %select_n3A_147, %select_n3A_160 : vector<32x128xf32>
    %max3A_171 = arith.maximumf %select_n3A_147, %select_n3A_160 : vector<32x128xf32>
    %select_n3A_172 = arith.select %eq3A_169, %min3A_170, %max3A_171 : vector<32x128xi1>, vector<32x128xf32>
    %slice3A_173 = vector.extract_strided_slice %select_n3A_172 {offsets = [0, 4], sizes = [32, 124], strides = [1, 1]} : vector<32x128xf32> to vector<32x124xf32>
    %slice3A_174 = vector.extract_strided_slice %select_n3A_172 {offsets = [0, 0], sizes = [32, 4], strides = [1, 1]} : vector<32x128xf32> to vector<32x4xf32>
    %concatenate3A_175 = tpu.concatenate %slice3A_173, %slice3A_174 in 1 : vector<32x124xf32>, vector<32x4xf32> -> vector<32x128xf32>
    %slice3A_176 = vector.extract_strided_slice %select_n3A_172 {offsets = [0, 124], sizes = [32, 4], strides = [1, 1]} : vector<32x128xf32> to vector<32x4xf32>
    %slice3A_177 = vector.extract_strided_slice %select_n3A_172 {offsets = [0, 0], sizes = [32, 124], strides = [1, 1]} : vector<32x128xf32> to vector<32x124xf32>
    %concatenate3A_178 = tpu.concatenate %slice3A_176, %slice3A_177 in 1 : vector<32x4xf32>, vector<32x124xf32> -> vector<32x128xf32>
    %and3A_179 = arith.constant 4 : i32
    %and3A_180 = vector.broadcast %and3A_179 : i32 to vector<32x128xi32>
    %and3A_181 = arith.andi %add3A, %and3A_180 : vector<32x128xi32>
    %eq3A_182 = arith.constant 0 : i32
    %eq3A_183 = vector.broadcast %eq3A_182 : i32 to vector<32x128xi32>
    %eq3A_184 = arith.cmpi eq, %and3A_181, %eq3A_183 : vector<32x128xi32>
    %select_n3A_185 = arith.select %eq3A_184, %concatenate3A_175, %concatenate3A_178 : vector<32x128xi1>, vector<32x128xf32>
    %and3A_186 = arith.constant 16 : i32
    %and3A_187 = vector.broadcast %and3A_186 : i32 to vector<32x128xi32>
    %and3A_188 = arith.andi %add3A, %and3A_187 : vector<32x128xi32>
    %eq3A_189 = arith.constant 0 : i32
    %eq3A_190 = vector.broadcast %eq3A_189 : i32 to vector<32x128xi32>
    %eq3A_191 = arith.cmpi eq, %and3A_188, %eq3A_190 : vector<32x128xi32>
    %eq3A_192 = arith.xori %eq3A_184, %eq3A_191 : vector<32x128xi1>
    %eq3A_193 = arith.constant dense<true> : vector<32x128xi1>
    %eq3A_194 = arith.xori %eq3A_192, %eq3A_193 : vector<32x128xi1>
    %min3A_195 = arith.minimumf %select_n3A_172, %select_n3A_185 : vector<32x128xf32>
    %max3A_196 = arith.maximumf %select_n3A_172, %select_n3A_185 : vector<32x128xf32>
    %select_n3A_197 = arith.select %eq3A_194, %min3A_195, %max3A_196 : vector<32x128xi1>, vector<32x128xf32>
    %slice3A_198 = vector.extract_strided_slice %select_n3A_197 {offsets = [0, 2], sizes = [32, 126], strides = [1, 1]} : vector<32x128xf32> to vector<32x126xf32>
    %slice3A_199 = vector.extract_strided_slice %select_n3A_197 {offsets = [0, 0], sizes = [32, 2], strides = [1, 1]} : vector<32x128xf32> to vector<32x2xf32>
    %concatenate3A_200 = tpu.concatenate %slice3A_198, %slice3A_199 in 1 : vector<32x126xf32>, vector<32x2xf32> -> vector<32x128xf32>
    %slice3A_201 = vector.extract_strided_slice %select_n3A_197 {offsets = [0, 126], sizes = [32, 2], strides = [1, 1]} : vector<32x128xf32> to vector<32x2xf32>
    %slice3A_202 = vector.extract_strided_slice %select_n3A_197 {offsets = [0, 0], sizes = [32, 126], strides = [1, 1]} : vector<32x128xf32> to vector<32x126xf32>
    %concatenate3A_203 = tpu.concatenate %slice3A_201, %slice3A_202 in 1 : vector<32x2xf32>, vector<32x126xf32> -> vector<32x128xf32>
    %and3A_204 = arith.constant 2 : i32
    %and3A_205 = vector.broadcast %and3A_204 : i32 to vector<32x128xi32>
    %and3A_206 = arith.andi %add3A, %and3A_205 : vector<32x128xi32>
    %eq3A_207 = arith.constant 0 : i32
    %eq3A_208 = vector.broadcast %eq3A_207 : i32 to vector<32x128xi32>
    %eq3A_209 = arith.cmpi eq, %and3A_206, %eq3A_208 : vector<32x128xi32>
    %select_n3A_210 = arith.select %eq3A_209, %concatenate3A_200, %concatenate3A_203 : vector<32x128xi1>, vector<32x128xf32>
    %and3A_211 = arith.constant 16 : i32
    %and3A_212 = vector.broadcast %and3A_211 : i32 to vector<32x128xi32>
    %and3A_213 = arith.andi %add3A, %and3A_212 : vector<32x128xi32>
    %eq3A_214 = arith.constant 0 : i32
    %eq3A_215 = vector.broadcast %eq3A_214 : i32 to vector<32x128xi32>
    %eq3A_216 = arith.cmpi eq, %and3A_213, %eq3A_215 : vector<32x128xi32>
    %eq3A_217 = arith.xori %eq3A_209, %eq3A_216 : vector<32x128xi1>
    %eq3A_218 = arith.constant dense<true> : vector<32x128xi1>
    %eq3A_219 = arith.xori %eq3A_217, %eq3A_218 : vector<32x128xi1>
    %min3A_220 = arith.minimumf %select_n3A_197, %select_n3A_210 : vector<32x128xf32>
    %max3A_221 = arith.maximumf %select_n3A_197, %select_n3A_210 : vector<32x128xf32>
    %select_n3A_222 = arith.select %eq3A_219, %min3A_220, %max3A_221 : vector<32x128xi1>, vector<32x128xf32>
    %slice3A_223 = vector.extract_strided_slice %select_n3A_222 {offsets = [0, 1], sizes = [32, 127], strides = [1, 1]} : vector<32x128xf32> to vector<32x127xf32>
    %slice3A_224 = vector.extract_strided_slice %select_n3A_222 {offsets = [0, 0], sizes = [32, 1], strides = [1, 1]} : vector<32x128xf32> to vector<32x1xf32>
    %concatenate3A_225 = tpu.concatenate %slice3A_223, %slice3A_224 in 1 : vector<32x127xf32>, vector<32x1xf32> -> vector<32x128xf32>
    %slice3A_226 = vector.extract_strided_slice %select_n3A_222 {offsets = [0, 127], sizes = [32, 1], strides = [1, 1]} : vector<32x128xf32> to vector<32x1xf32>
    %slice3A_227 = vector.extract_strided_slice %select_n3A_222 {offsets = [0, 0], sizes = [32, 127], strides = [1, 1]} : vector<32x128xf32> to vector<32x127xf32>
    %concatenate3A_228 = tpu.concatenate %slice3A_226, %slice3A_227 in 1 : vector<32x1xf32>, vector<32x127xf32> -> vector<32x128xf32>
    %and3A_229 = arith.constant 1 : i32
    %and3A_230 = vector.broadcast %and3A_229 : i32 to vector<32x128xi32>
    %and3A_231 = arith.andi %add3A, %and3A_230 : vector<32x128xi32>
    %eq3A_232 = arith.constant 0 : i32
    %eq3A_233 = vector.broadcast %eq3A_232 : i32 to vector<32x128xi32>
    %eq3A_234 = arith.cmpi eq, %and3A_231, %eq3A_233 : vector<32x128xi32>
    %select_n3A_235 = arith.select %eq3A_234, %concatenate3A_225, %concatenate3A_228 : vector<32x128xi1>, vector<32x128xf32>
    %and3A_236 = arith.constant 16 : i32
    %and3A_237 = vector.broadcast %and3A_236 : i32 to vector<32x128xi32>
    %and3A_238 = arith.andi %add3A, %and3A_237 : vector<32x128xi32>
    %eq3A_239 = arith.constant 0 : i32
    %eq3A_240 = vector.broadcast %eq3A_239 : i32 to vector<32x128xi32>
    %eq3A_241 = arith.cmpi eq, %and3A_238, %eq3A_240 : vector<32x128xi32>
    %eq3A_242 = arith.xori %eq3A_234, %eq3A_241 : vector<32x128xi1>
    %eq3A_243 = arith.constant dense<true> : vector<32x128xi1>
    %eq3A_244 = arith.xori %eq3A_242, %eq3A_243 : vector<32x128xi1>
    %min3A_245 = arith.minimumf %select_n3A_222, %select_n3A_235 : vector<32x128xf32>
    %max3A_246 = arith.maximumf %select_n3A_222, %select_n3A_235 : vector<32x128xf32>
    %select_n3A_247 = arith.select %eq3A_244, %min3A_245, %max3A_246 : vector<32x128xi1>, vector<32x128xf32>
    %slice3A_248 = vector.extract_strided_slice %select_n3A_247 {offsets = [0, 16], sizes = [32, 112], strides = [1, 1]} : vector<32x128xf32> to vector<32x112xf32>
    %slice3A_249 = vector.extract_strided_slice %select_n3A_247 {offsets = [0, 0], sizes = [32, 16], strides = [1, 1]} : vector<32x128xf32> to vector<32x16xf32>
    %concatenate3A_250 = tpu.concatenate %slice3A_248, %slice3A_249 in 1 : vector<32x112xf32>, vector<32x16xf32> -> vector<32x128xf32>
    %slice3A_251 = vector.extract_strided_slice %select_n3A_247 {offsets = [0, 112], sizes = [32, 16], strides = [1, 1]} : vector<32x128xf32> to vector<32x16xf32>
    %slice3A_252 = vector.extract_strided_slice %select_n3A_247 {offsets = [0, 0], sizes = [32, 112], strides = [1, 1]} : vector<32x128xf32> to vector<32x112xf32>
    %concatenate3A_253 = tpu.concatenate %slice3A_251, %slice3A_252 in 1 : vector<32x16xf32>, vector<32x112xf32> -> vector<32x128xf32>
    %and3A_254 = arith.constant 16 : i32
    %and3A_255 = vector.broadcast %and3A_254 : i32 to vector<32x128xi32>
    %and3A_256 = arith.andi %add3A, %and3A_255 : vector<32x128xi32>
    %eq3A_257 = arith.constant 0 : i32
    %eq3A_258 = vector.broadcast %eq3A_257 : i32 to vector<32x128xi32>
    %eq3A_259 = arith.cmpi eq, %and3A_256, %eq3A_258 : vector<32x128xi32>
    %select_n3A_260 = arith.select %eq3A_259, %concatenate3A_250, %concatenate3A_253 : vector<32x128xi1>, vector<32x128xf32>
    %and3A_261 = arith.constant 32 : i32
    %and3A_262 = vector.broadcast %and3A_261 : i32 to vector<32x128xi32>
    %and3A_263 = arith.andi %add3A, %and3A_262 : vector<32x128xi32>
    %eq3A_264 = arith.constant 0 : i32
    %eq3A_265 = vector.broadcast %eq3A_264 : i32 to vector<32x128xi32>
    %eq3A_266 = arith.cmpi eq, %and3A_263, %eq3A_265 : vector<32x128xi32>
    %eq3A_267 = arith.xori %eq3A_259, %eq3A_266 : vector<32x128xi1>
    %eq3A_268 = arith.constant dense<true> : vector<32x128xi1>
    %eq3A_269 = arith.xori %eq3A_267, %eq3A_268 : vector<32x128xi1>
    %min3A_270 = arith.minimumf %select_n3A_247, %select_n3A_260 : vector<32x128xf32>
    %max3A_271 = arith.maximumf %select_n3A_247, %select_n3A_260 : vector<32x128xf32>
    %select_n3A_272 = arith.select %eq3A_269, %min3A_270, %max3A_271 : vector<32x128xi1>, vector<32x128xf32>
    %slice3A_273 = vector.extract_strided_slice %select_n3A_272 {offsets = [0, 8], sizes = [32, 120], strides = [1, 1]} : vector<32x128xf32> to vector<32x120xf32>
    %slice3A_274 = vector.extract_strided_slice %select_n3A_272 {offsets = [0, 0], sizes = [32, 8], strides = [1, 1]} : vector<32x128xf32> to vector<32x8xf32>
    %concatenate3A_275 = tpu.concatenate %slice3A_273, %slice3A_274 in 1 : vector<32x120xf32>, vector<32x8xf32> -> vector<32x128xf32>
    %slice3A_276 = vector.extract_strided_slice %select_n3A_272 {offsets = [0, 120], sizes = [32, 8], strides = [1, 1]} : vector<32x128xf32> to vector<32x8xf32>
    %slice3A_277 = vector.extract_strided_slice %select_n3A_272 {offsets = [0, 0], sizes = [32, 120], strides = [1, 1]} : vector<32x128xf32> to vector<32x120xf32>
    %concatenate3A_278 = tpu.concatenate %slice3A_276, %slice3A_277 in 1 : vector<32x8xf32>, vector<32x120xf32> -> vector<32x128xf32>
    %and3A_279 = arith.constant 8 : i32
    %and3A_280 = vector.broadcast %and3A_279 : i32 to vector<32x128xi32>
    %and3A_281 = arith.andi %add3A, %and3A_280 : vector<32x128xi32>
    %eq3A_282 = arith.constant 0 : i32
    %eq3A_283 = vector.broadcast %eq3A_282 : i32 to vector<32x128xi32>
    %eq3A_284 = arith.cmpi eq, %and3A_281, %eq3A_283 : vector<32x128xi32>
    %select_n3A_285 = arith.select %eq3A_284, %concatenate3A_275, %concatenate3A_278 : vector<32x128xi1>, vector<32x128xf32>
    %and3A_286 = arith.constant 32 : i32
    %and3A_287 = vector.broadcast %and3A_286 : i32 to vector<32x128xi32>
    %and3A_288 = arith.andi %add3A, %and3A_287 : vector<32x128xi32>
    %eq3A_289 = arith.constant 0 : i32
    %eq3A_290 = vector.broadcast %eq3A_289 : i32 to vector<32x128xi32>
    %eq3A_291 = arith.cmpi eq, %and3A_288, %eq3A_290 : vector<32x128xi32>
    %eq3A_292 = arith.xori %eq3A_284, %eq3A_291 : vector<32x128xi1>
    %eq3A_293 = arith.constant dense<true> : vector<32x128xi1>
    %eq3A_294 = arith.xori %eq3A_292, %eq3A_293 : vector<32x128xi1>
    %min3A_295 = arith.minimumf %select_n3A_272, %select_n3A_285 : vector<32x128xf32>
    %max3A_296 = arith.maximumf %select_n3A_272, %select_n3A_285 : vector<32x128xf32>
    %select_n3A_297 = arith.select %eq3A_294, %min3A_295, %max3A_296 : vector<32x128xi1>, vector<32x128xf32>
    %slice3A_298 = vector.extract_strided_slice %select_n3A_297 {offsets = [0, 4], sizes = [32, 124], strides = [1, 1]} : vector<32x128xf32> to vector<32x124xf32>
    %slice3A_299 = vector.extract_strided_slice %select_n3A_297 {offsets = [0, 0], sizes = [32, 4], strides = [1, 1]} : vector<32x128xf32> to vector<32x4xf32>
    %concatenate3A_300 = tpu.concatenate %slice3A_298, %slice3A_299 in 1 : vector<32x124xf32>, vector<32x4xf32> -> vector<32x128xf32>
    %slice3A_301 = vector.extract_strided_slice %select_n3A_297 {offsets = [0, 124], sizes = [32, 4], strides = [1, 1]} : vector<32x128xf32> to vector<32x4xf32>
    %slice3A_302 = vector.extract_strided_slice %select_n3A_297 {offsets = [0, 0], sizes = [32, 124], strides = [1, 1]} : vector<32x128xf32> to vector<32x124xf32>
    %concatenate3A_303 = tpu.concatenate %slice3A_301, %slice3A_302 in 1 : vector<32x4xf32>, vector<32x124xf32> -> vector<32x128xf32>
    %and3A_304 = arith.constant 4 : i32
    %and3A_305 = vector.broadcast %and3A_304 : i32 to vector<32x128xi32>
    %and3A_306 = arith.andi %add3A, %and3A_305 : vector<32x128xi32>
    %eq3A_307 = arith.constant 0 : i32
    %eq3A_308 = vector.broadcast %eq3A_307 : i32 to vector<32x128xi32>
    %eq3A_309 = arith.cmpi eq, %and3A_306, %eq3A_308 : vector<32x128xi32>
    %select_n3A_310 = arith.select %eq3A_309, %concatenate3A_300, %concatenate3A_303 : vector<32x128xi1>, vector<32x128xf32>
    %and3A_311 = arith.constant 32 : i32
    %and3A_312 = vector.broadcast %and3A_311 : i32 to vector<32x128xi32>
    %and3A_313 = arith.andi %add3A, %and3A_312 : vector<32x128xi32>
    %eq3A_314 = arith.constant 0 : i32
    %eq3A_315 = vector.broadcast %eq3A_314 : i32 to vector<32x128xi32>
    %eq3A_316 = arith.cmpi eq, %and3A_313, %eq3A_315 : vector<32x128xi32>
    %eq3A_317 = arith.xori %eq3A_309, %eq3A_316 : vector<32x128xi1>
    %eq3A_318 = arith.constant dense<true> : vector<32x128xi1>
    %eq3A_319 = arith.xori %eq3A_317, %eq3A_318 : vector<32x128xi1>
    %min3A_320 = arith.minimumf %select_n3A_297, %select_n3A_310 : vector<32x128xf32>
    %max3A_321 = arith.maximumf %select_n3A_297, %select_n3A_310 : vector<32x128xf32>
    %select_n3A_322 = arith.select %eq3A_319, %min3A_320, %max3A_321 : vector<32x128xi1>, vector<32x128xf32>
    %slice3A_323 = vector.extract_strided_slice %select_n3A_322 {offsets = [0, 2], sizes = [32, 126], strides = [1, 1]} : vector<32x128xf32> to vector<32x126xf32>
    %slice3A_324 = vector.extract_strided_slice %select_n3A_322 {offsets = [0, 0], sizes = [32, 2], strides = [1, 1]} : vector<32x128xf32> to vector<32x2xf32>
    %concatenate3A_325 = tpu.concatenate %slice3A_323, %slice3A_324 in 1 : vector<32x126xf32>, vector<32x2xf32> -> vector<32x128xf32>
    %slice3A_326 = vector.extract_strided_slice %select_n3A_322 {offsets = [0, 126], sizes = [32, 2], strides = [1, 1]} : vector<32x128xf32> to vector<32x2xf32>
    %slice3A_327 = vector.extract_strided_slice %select_n3A_322 {offsets = [0, 0], sizes = [32, 126], strides = [1, 1]} : vector<32x128xf32> to vector<32x126xf32>
    %concatenate3A_328 = tpu.concatenate %slice3A_326, %slice3A_327 in 1 : vector<32x2xf32>, vector<32x126xf32> -> vector<32x128xf32>
    %and3A_329 = arith.constant 2 : i32
    %and3A_330 = vector.broadcast %and3A_329 : i32 to vector<32x128xi32>
    %and3A_331 = arith.andi %add3A, %and3A_330 : vector<32x128xi32>
    %eq3A_332 = arith.constant 0 : i32
    %eq3A_333 = vector.broadcast %eq3A_332 : i32 to vector<32x128xi32>
    %eq3A_334 = arith.cmpi eq, %and3A_331, %eq3A_333 : vector<32x128xi32>
    %select_n3A_335 = arith.select %eq3A_334, %concatenate3A_325, %concatenate3A_328 : vector<32x128xi1>, vector<32x128xf32>
    %and3A_336 = arith.constant 32 : i32
    %and3A_337 = vector.broadcast %and3A_336 : i32 to vector<32x128xi32>
    %and3A_338 = arith.andi %add3A, %and3A_337 : vector<32x128xi32>
    %eq3A_339 = arith.constant 0 : i32
    %eq3A_340 = vector.broadcast %eq3A_339 : i32 to vector<32x128xi32>
    %eq3A_341 = arith.cmpi eq, %and3A_338, %eq3A_340 : vector<32x128xi32>
    %eq3A_342 = arith.xori %eq3A_334, %eq3A_341 : vector<32x128xi1>
    %eq3A_343 = arith.constant dense<true> : vector<32x128xi1>
    %eq3A_344 = arith.xori %eq3A_342, %eq3A_343 : vector<32x128xi1>
    %min3A_345 = arith.minimumf %select_n3A_322, %select_n3A_335 : vector<32x128xf32>
    %max3A_346 = arith.maximumf %select_n3A_322, %select_n3A_335 : vector<32x128xf32>
    %select_n3A_347 = arith.select %eq3A_344, %min3A_345, %max3A_346 : vector<32x128xi1>, vector<32x128xf32>
    %slice3A_348 = vector.extract_strided_slice %select_n3A_347 {offsets = [0, 1], sizes = [32, 127], strides = [1, 1]} : vector<32x128xf32> to vector<32x127xf32>
    %slice3A_349 = vector.extract_strided_slice %select_n3A_347 {offsets = [0, 0], sizes = [32, 1], strides = [1, 1]} : vector<32x128xf32> to vector<32x1xf32>
    %concatenate3A_350 = tpu.concatenate %slice3A_348, %slice3A_349 in 1 : vector<32x127xf32>, vector<32x1xf32> -> vector<32x128xf32>
    %slice3A_351 = vector.extract_strided_slice %select_n3A_347 {offsets = [0, 127], sizes = [32, 1], strides = [1, 1]} : vector<32x128xf32> to vector<32x1xf32>
    %slice3A_352 = vector.extract_strided_slice %select_n3A_347 {offsets = [0, 0], sizes = [32, 127], strides = [1, 1]} : vector<32x128xf32> to vector<32x127xf32>
    %concatenate3A_353 = tpu.concatenate %slice3A_351, %slice3A_352 in 1 : vector<32x1xf32>, vector<32x127xf32> -> vector<32x128xf32>
    %and3A_354 = arith.constant 1 : i32
    %and3A_355 = vector.broadcast %and3A_354 : i32 to vector<32x128xi32>
    %and3A_356 = arith.andi %add3A, %and3A_355 : vector<32x128xi32>
    %eq3A_357 = arith.constant 0 : i32
    %eq3A_358 = vector.broadcast %eq3A_357 : i32 to vector<32x128xi32>
    %eq3A_359 = arith.cmpi eq, %and3A_356, %eq3A_358 : vector<32x128xi32>
    %select_n3A_360 = arith.select %eq3A_359, %concatenate3A_350, %concatenate3A_353 : vector<32x128xi1>, vector<32x128xf32>
    %and3A_361 = arith.constant 32 : i32
    %and3A_362 = vector.broadcast %and3A_361 : i32 to vector<32x128xi32>
    %and3A_363 = arith.andi %add3A, %and3A_362 : vector<32x128xi32>
    %eq3A_364 = arith.constant 0 : i32
    %eq3A_365 = vector.broadcast %eq3A_364 : i32 to vector<32x128xi32>
    %eq3A_366 = arith.cmpi eq, %and3A_363, %eq3A_365 : vector<32x128xi32>
    %eq3A_367 = arith.xori %eq3A_359, %eq3A_366 : vector<32x128xi1>
    %eq3A_368 = arith.constant dense<true> : vector<32x128xi1>
    %eq3A_369 = arith.xori %eq3A_367, %eq3A_368 : vector<32x128xi1>
    %min3A_370 = arith.minimumf %select_n3A_347, %select_n3A_360 : vector<32x128xf32>
    %max3A_371 = arith.maximumf %select_n3A_347, %select_n3A_360 : vector<32x128xf32>
    %select_n3A_372 = arith.select %eq3A_369, %min3A_370, %max3A_371 : vector<32x128xi1>, vector<32x128xf32>
    %slice3A_373 = vector.extract_strided_slice %select_n3A_372 {offsets = [0, 32], sizes = [32, 96], strides = [1, 1]} : vector<32x128xf32> to vector<32x96xf32>
    %slice3A_374 = vector.extract_strided_slice %select_n3A_372 {offsets = [0, 0], sizes = [32, 32], strides = [1, 1]} : vector<32x128xf32> to vector<32x32xf32>
    %concatenate3A_375 = tpu.concatenate %slice3A_373, %slice3A_374 in 1 : vector<32x96xf32>, vector<32x32xf32> -> vector<32x128xf32>
    %slice3A_376 = vector.extract_strided_slice %select_n3A_372 {offsets = [0, 96], sizes = [32, 32], strides = [1, 1]} : vector<32x128xf32> to vector<32x32xf32>
    %slice3A_377 = vector.extract_strided_slice %select_n3A_372 {offsets = [0, 0], sizes = [32, 96], strides = [1, 1]} : vector<32x128xf32> to vector<32x96xf32>
    %concatenate3A_378 = tpu.concatenate %slice3A_376, %slice3A_377 in 1 : vector<32x32xf32>, vector<32x96xf32> -> vector<32x128xf32>
    %and3A_379 = arith.constant 32 : i32
    %and3A_380 = vector.broadcast %and3A_379 : i32 to vector<32x128xi32>
    %and3A_381 = arith.andi %add3A, %and3A_380 : vector<32x128xi32>
    %eq3A_382 = arith.constant 0 : i32
    %eq3A_383 = vector.broadcast %eq3A_382 : i32 to vector<32x128xi32>
    %eq3A_384 = arith.cmpi eq, %and3A_381, %eq3A_383 : vector<32x128xi32>
    %select_n3A_385 = arith.select %eq3A_384, %concatenate3A_375, %concatenate3A_378 : vector<32x128xi1>, vector<32x128xf32>
    %and3A_386 = arith.constant 64 : i32
    %and3A_387 = vector.broadcast %and3A_386 : i32 to vector<32x128xi32>
    %and3A_388 = arith.andi %add3A, %and3A_387 : vector<32x128xi32>
    %eq3A_389 = arith.constant 0 : i32
    %eq3A_390 = vector.broadcast %eq3A_389 : i32 to vector<32x128xi32>
    %eq3A_391 = arith.cmpi eq, %and3A_388, %eq3A_390 : vector<32x128xi32>
    %eq3A_392 = arith.xori %eq3A_384, %eq3A_391 : vector<32x128xi1>
    %eq3A_393 = arith.constant dense<true> : vector<32x128xi1>
    %eq3A_394 = arith.xori %eq3A_392, %eq3A_393 : vector<32x128xi1>
    %min3A_395 = arith.minimumf %select_n3A_372, %select_n3A_385 : vector<32x128xf32>
    %max3A_396 = arith.maximumf %select_n3A_372, %select_n3A_385 : vector<32x128xf32>
    %select_n3A_397 = arith.select %eq3A_394, %min3A_395, %max3A_396 : vector<32x128xi1>, vector<32x128xf32>
    %slice3A_398 = vector.extract_strided_slice %select_n3A_397 {offsets = [0, 16], sizes = [32, 112], strides = [1, 1]} : vector<32x128xf32> to vector<32x112xf32>
    %slice3A_399 = vector.extract_strided_slice %select_n3A_397 {offsets = [0, 0], sizes = [32, 16], strides = [1, 1]} : vector<32x128xf32> to vector<32x16xf32>
    %concatenate3A_400 = tpu.concatenate %slice3A_398, %slice3A_399 in 1 : vector<32x112xf32>, vector<32x16xf32> -> vector<32x128xf32>
    %slice3A_401 = vector.extract_strided_slice %select_n3A_397 {offsets = [0, 112], sizes = [32, 16], strides = [1, 1]} : vector<32x128xf32> to vector<32x16xf32>
    %slice3A_402 = vector.extract_strided_slice %select_n3A_397 {offsets = [0, 0], sizes = [32, 112], strides = [1, 1]} : vector<32x128xf32> to vector<32x112xf32>
    %concatenate3A_403 = tpu.concatenate %slice3A_401, %slice3A_402 in 1 : vector<32x16xf32>, vector<32x112xf32> -> vector<32x128xf32>
    %and3A_404 = arith.constant 16 : i32
    %and3A_405 = vector.broadcast %and3A_404 : i32 to vector<32x128xi32>
    %and3A_406 = arith.andi %add3A, %and3A_405 : vector<32x128xi32>
    %eq3A_407 = arith.constant 0 : i32
    %eq3A_408 = vector.broadcast %eq3A_407 : i32 to vector<32x128xi32>
    %eq3A_409 = arith.cmpi eq, %and3A_406, %eq3A_408 : vector<32x128xi32>
    %select_n3A_410 = arith.select %eq3A_409, %concatenate3A_400, %concatenate3A_403 : vector<32x128xi1>, vector<32x128xf32>
    %and3A_411 = arith.constant 64 : i32
    %and3A_412 = vector.broadcast %and3A_411 : i32 to vector<32x128xi32>
    %and3A_413 = arith.andi %add3A, %and3A_412 : vector<32x128xi32>
    %eq3A_414 = arith.constant 0 : i32
    %eq3A_415 = vector.broadcast %eq3A_414 : i32 to vector<32x128xi32>
    %eq3A_416 = arith.cmpi eq, %and3A_413, %eq3A_415 : vector<32x128xi32>
    %eq3A_417 = arith.xori %eq3A_409, %eq3A_416 : vector<32x128xi1>
    %eq3A_418 = arith.constant dense<true> : vector<32x128xi1>
    %eq3A_419 = arith.xori %eq3A_417, %eq3A_418 : vector<32x128xi1>
    %min3A_420 = arith.minimumf %select_n3A_397, %select_n3A_410 : vector<32x128xf32>
    %max3A_421 = arith.maximumf %select_n3A_397, %select_n3A_410 : vector<32x128xf32>
    %select_n3A_422 = arith.select %eq3A_419, %min3A_420, %max3A_421 : vector<32x128xi1>, vector<32x128xf32>
    %slice3A_423 = vector.extract_strided_slice %select_n3A_422 {offsets = [0, 8], sizes = [32, 120], strides = [1, 1]} : vector<32x128xf32> to vector<32x120xf32>
    %slice3A_424 = vector.extract_strided_slice %select_n3A_422 {offsets = [0, 0], sizes = [32, 8], strides = [1, 1]} : vector<32x128xf32> to vector<32x8xf32>
    %concatenate3A_425 = tpu.concatenate %slice3A_423, %slice3A_424 in 1 : vector<32x120xf32>, vector<32x8xf32> -> vector<32x128xf32>
    %slice3A_426 = vector.extract_strided_slice %select_n3A_422 {offsets = [0, 120], sizes = [32, 8], strides = [1, 1]} : vector<32x128xf32> to vector<32x8xf32>
    %slice3A_427 = vector.extract_strided_slice %select_n3A_422 {offsets = [0, 0], sizes = [32, 120], strides = [1, 1]} : vector<32x128xf32> to vector<32x120xf32>
    %concatenate3A_428 = tpu.concatenate %slice3A_426, %slice3A_427 in 1 : vector<32x8xf32>, vector<32x120xf32> -> vector<32x128xf32>
    %and3A_429 = arith.constant 8 : i32
    %and3A_430 = vector.broadcast %and3A_429 : i32 to vector<32x128xi32>
    %and3A_431 = arith.andi %add3A, %and3A_430 : vector<32x128xi32>
    %eq3A_432 = arith.constant 0 : i32
    %eq3A_433 = vector.broadcast %eq3A_432 : i32 to vector<32x128xi32>
    %eq3A_434 = arith.cmpi eq, %and3A_431, %eq3A_433 : vector<32x128xi32>
    %select_n3A_435 = arith.select %eq3A_434, %concatenate3A_425, %concatenate3A_428 : vector<32x128xi1>, vector<32x128xf32>
    %and3A_436 = arith.constant 64 : i32
    %and3A_437 = vector.broadcast %and3A_436 : i32 to vector<32x128xi32>
    %and3A_438 = arith.andi %add3A, %and3A_437 : vector<32x128xi32>
    %eq3A_439 = arith.constant 0 : i32
    %eq3A_440 = vector.broadcast %eq3A_439 : i32 to vector<32x128xi32>
    %eq3A_441 = arith.cmpi eq, %and3A_438, %eq3A_440 : vector<32x128xi32>
    %eq3A_442 = arith.xori %eq3A_434, %eq3A_441 : vector<32x128xi1>
    %eq3A_443 = arith.constant dense<true> : vector<32x128xi1>
    %eq3A_444 = arith.xori %eq3A_442, %eq3A_443 : vector<32x128xi1>
    %min3A_445 = arith.minimumf %select_n3A_422, %select_n3A_435 : vector<32x128xf32>
    %max3A_446 = arith.maximumf %select_n3A_422, %select_n3A_435 : vector<32x128xf32>
    %select_n3A_447 = arith.select %eq3A_444, %min3A_445, %max3A_446 : vector<32x128xi1>, vector<32x128xf32>
    %slice3A_448 = vector.extract_strided_slice %select_n3A_447 {offsets = [0, 4], sizes = [32, 124], strides = [1, 1]} : vector<32x128xf32> to vector<32x124xf32>
    %slice3A_449 = vector.extract_strided_slice %select_n3A_447 {offsets = [0, 0], sizes = [32, 4], strides = [1, 1]} : vector<32x128xf32> to vector<32x4xf32>
    %concatenate3A_450 = tpu.concatenate %slice3A_448, %slice3A_449 in 1 : vector<32x124xf32>, vector<32x4xf32> -> vector<32x128xf32>
    %slice3A_451 = vector.extract_strided_slice %select_n3A_447 {offsets = [0, 124], sizes = [32, 4], strides = [1, 1]} : vector<32x128xf32> to vector<32x4xf32>
    %slice3A_452 = vector.extract_strided_slice %select_n3A_447 {offsets = [0, 0], sizes = [32, 124], strides = [1, 1]} : vector<32x128xf32> to vector<32x124xf32>
    %concatenate3A_453 = tpu.concatenate %slice3A_451, %slice3A_452 in 1 : vector<32x4xf32>, vector<32x124xf32> -> vector<32x128xf32>
    %and3A_454 = arith.constant 4 : i32
    %and3A_455 = vector.broadcast %and3A_454 : i32 to vector<32x128xi32>
    %and3A_456 = arith.andi %add3A, %and3A_455 : vector<32x128xi32>
    %eq3A_457 = arith.constant 0 : i32
    %eq3A_458 = vector.broadcast %eq3A_457 : i32 to vector<32x128xi32>
    %eq3A_459 = arith.cmpi eq, %and3A_456, %eq3A_458 : vector<32x128xi32>
    %select_n3A_460 = arith.select %eq3A_459, %concatenate3A_450, %concatenate3A_453 : vector<32x128xi1>, vector<32x128xf32>
    %and3A_461 = arith.constant 64 : i32
    %and3A_462 = vector.broadcast %and3A_461 : i32 to vector<32x128xi32>
    %and3A_463 = arith.andi %add3A, %and3A_462 : vector<32x128xi32>
    %eq3A_464 = arith.constant 0 : i32
    %eq3A_465 = vector.broadcast %eq3A_464 : i32 to vector<32x128xi32>
    %eq3A_466 = arith.cmpi eq, %and3A_463, %eq3A_465 : vector<32x128xi32>
    %eq3A_467 = arith.xori %eq3A_459, %eq3A_466 : vector<32x128xi1>
    %eq3A_468 = arith.constant dense<true> : vector<32x128xi1>
    %eq3A_469 = arith.xori %eq3A_467, %eq3A_468 : vector<32x128xi1>
    %min3A_470 = arith.minimumf %select_n3A_447, %select_n3A_460 : vector<32x128xf32>
    %max3A_471 = arith.maximumf %select_n3A_447, %select_n3A_460 : vector<32x128xf32>
    %select_n3A_472 = arith.select %eq3A_469, %min3A_470, %max3A_471 : vector<32x128xi1>, vector<32x128xf32>
    %slice3A_473 = vector.extract_strided_slice %select_n3A_472 {offsets = [0, 2], sizes = [32, 126], strides = [1, 1]} : vector<32x128xf32> to vector<32x126xf32>
    %slice3A_474 = vector.extract_strided_slice %select_n3A_472 {offsets = [0, 0], sizes = [32, 2], strides = [1, 1]} : vector<32x128xf32> to vector<32x2xf32>
    %concatenate3A_475 = tpu.concatenate %slice3A_473, %slice3A_474 in 1 : vector<32x126xf32>, vector<32x2xf32> -> vector<32x128xf32>
    %slice3A_476 = vector.extract_strided_slice %select_n3A_472 {offsets = [0, 126], sizes = [32, 2], strides = [1, 1]} : vector<32x128xf32> to vector<32x2xf32>
    %slice3A_477 = vector.extract_strided_slice %select_n3A_472 {offsets = [0, 0], sizes = [32, 126], strides = [1, 1]} : vector<32x128xf32> to vector<32x126xf32>
    %concatenate3A_478 = tpu.concatenate %slice3A_476, %slice3A_477 in 1 : vector<32x2xf32>, vector<32x126xf32> -> vector<32x128xf32>
    %and3A_479 = arith.constant 2 : i32
    %and3A_480 = vector.broadcast %and3A_479 : i32 to vector<32x128xi32>
    %and3A_481 = arith.andi %add3A, %and3A_480 : vector<32x128xi32>
    %eq3A_482 = arith.constant 0 : i32
    %eq3A_483 = vector.broadcast %eq3A_482 : i32 to vector<32x128xi32>
    %eq3A_484 = arith.cmpi eq, %and3A_481, %eq3A_483 : vector<32x128xi32>
    %select_n3A_485 = arith.select %eq3A_484, %concatenate3A_475, %concatenate3A_478 : vector<32x128xi1>, vector<32x128xf32>
    %and3A_486 = arith.constant 64 : i32
    %and3A_487 = vector.broadcast %and3A_486 : i32 to vector<32x128xi32>
    %and3A_488 = arith.andi %add3A, %and3A_487 : vector<32x128xi32>
    %eq3A_489 = arith.constant 0 : i32
    %eq3A_490 = vector.broadcast %eq3A_489 : i32 to vector<32x128xi32>
    %eq3A_491 = arith.cmpi eq, %and3A_488, %eq3A_490 : vector<32x128xi32>
    %eq3A_492 = arith.xori %eq3A_484, %eq3A_491 : vector<32x128xi1>
    %eq3A_493 = arith.constant dense<true> : vector<32x128xi1>
    %eq3A_494 = arith.xori %eq3A_492, %eq3A_493 : vector<32x128xi1>
    %min3A_495 = arith.minimumf %select_n3A_472, %select_n3A_485 : vector<32x128xf32>
    %max3A_496 = arith.maximumf %select_n3A_472, %select_n3A_485 : vector<32x128xf32>
    %select_n3A_497 = arith.select %eq3A_494, %min3A_495, %max3A_496 : vector<32x128xi1>, vector<32x128xf32>
    %slice3A_498 = vector.extract_strided_slice %select_n3A_497 {offsets = [0, 1], sizes = [32, 127], strides = [1, 1]} : vector<32x128xf32> to vector<32x127xf32>
    %slice3A_499 = vector.extract_strided_slice %select_n3A_497 {offsets = [0, 0], sizes = [32, 1], strides = [1, 1]} : vector<32x128xf32> to vector<32x1xf32>
    %concatenate3A_500 = tpu.concatenate %slice3A_498, %slice3A_499 in 1 : vector<32x127xf32>, vector<32x1xf32> -> vector<32x128xf32>
    %slice3A_501 = vector.extract_strided_slice %select_n3A_497 {offsets = [0, 127], sizes = [32, 1], strides = [1, 1]} : vector<32x128xf32> to vector<32x1xf32>
    %slice3A_502 = vector.extract_strided_slice %select_n3A_497 {offsets = [0, 0], sizes = [32, 127], strides = [1, 1]} : vector<32x128xf32> to vector<32x127xf32>
    %concatenate3A_503 = tpu.concatenate %slice3A_501, %slice3A_502 in 1 : vector<32x1xf32>, vector<32x127xf32> -> vector<32x128xf32>
    %and3A_504 = arith.constant 1 : i32
    %and3A_505 = vector.broadcast %and3A_504 : i32 to vector<32x128xi32>
    %and3A_506 = arith.andi %add3A, %and3A_505 : vector<32x128xi32>
    %eq3A_507 = arith.constant 0 : i32
    %eq3A_508 = vector.broadcast %eq3A_507 : i32 to vector<32x128xi32>
    %eq3A_509 = arith.cmpi eq, %and3A_506, %eq3A_508 : vector<32x128xi32>
    %select_n3A_510 = arith.select %eq3A_509, %concatenate3A_500, %concatenate3A_503 : vector<32x128xi1>, vector<32x128xf32>
    %and3A_511 = arith.constant 64 : i32
    %and3A_512 = vector.broadcast %and3A_511 : i32 to vector<32x128xi32>
    %and3A_513 = arith.andi %add3A, %and3A_512 : vector<32x128xi32>
    %eq3A_514 = arith.constant 0 : i32
    %eq3A_515 = vector.broadcast %eq3A_514 : i32 to vector<32x128xi32>
    %eq3A_516 = arith.cmpi eq, %and3A_513, %eq3A_515 : vector<32x128xi32>
    %eq3A_517 = arith.xori %eq3A_509, %eq3A_516 : vector<32x128xi1>
    %eq3A_518 = arith.constant dense<true> : vector<32x128xi1>
    %eq3A_519 = arith.xori %eq3A_517, %eq3A_518 : vector<32x128xi1>
    %min3A_520 = arith.minimumf %select_n3A_497, %select_n3A_510 : vector<32x128xf32>
    %max3A_521 = arith.maximumf %select_n3A_497, %select_n3A_510 : vector<32x128xf32>
    %select_n3A_522 = arith.select %eq3A_519, %min3A_520, %max3A_521 : vector<32x128xi1>, vector<32x128xf32>
    %slice3A_523 = vector.extract_strided_slice %select_n3A_522 {offsets = [0, 64], sizes = [32, 64], strides = [1, 1]} : vector<32x128xf32> to vector<32x64xf32>
    %slice3A_524 = vector.extract_strided_slice %select_n3A_522 {offsets = [0, 0], sizes = [32, 64], strides = [1, 1]} : vector<32x128xf32> to vector<32x64xf32>
    %concatenate3A_525 = tpu.concatenate %slice3A_523, %slice3A_524 in 1 : vector<32x64xf32>, vector<32x64xf32> -> vector<32x128xf32>
    %slice3A_526 = vector.extract_strided_slice %select_n3A_522 {offsets = [0, 64], sizes = [32, 64], strides = [1, 1]} : vector<32x128xf32> to vector<32x64xf32>
    %slice3A_527 = vector.extract_strided_slice %select_n3A_522 {offsets = [0, 0], sizes = [32, 64], strides = [1, 1]} : vector<32x128xf32> to vector<32x64xf32>
    %concatenate3A_528 = tpu.concatenate %slice3A_526, %slice3A_527 in 1 : vector<32x64xf32>, vector<32x64xf32> -> vector<32x128xf32>
    %and3A_529 = arith.constant 64 : i32
    %and3A_530 = vector.broadcast %and3A_529 : i32 to vector<32x128xi32>
    %and3A_531 = arith.andi %add3A, %and3A_530 : vector<32x128xi32>
    %eq3A_532 = arith.constant 0 : i32
    %eq3A_533 = vector.broadcast %eq3A_532 : i32 to vector<32x128xi32>
    %eq3A_534 = arith.cmpi eq, %and3A_531, %eq3A_533 : vector<32x128xi32>
    %select_n3A_535 = arith.select %eq3A_534, %concatenate3A_525, %concatenate3A_528 : vector<32x128xi1>, vector<32x128xf32>
    %and3A_536 = arith.constant 128 : i32
    %and3A_537 = vector.broadcast %and3A_536 : i32 to vector<32x128xi32>
    %and3A_538 = arith.andi %add3A, %and3A_537 : vector<32x128xi32>
    %eq3A_539 = arith.constant 0 : i32
    %eq3A_540 = vector.broadcast %eq3A_539 : i32 to vector<32x128xi32>
    %eq3A_541 = arith.cmpi eq, %and3A_538, %eq3A_540 : vector<32x128xi32>
    %eq3A_542 = arith.xori %eq3A_534, %eq3A_541 : vector<32x128xi1>
    %eq3A_543 = arith.constant dense<true> : vector<32x128xi1>
    %eq3A_544 = arith.xori %eq3A_542, %eq3A_543 : vector<32x128xi1>
    %min3A_545 = arith.minimumf %select_n3A_522, %select_n3A_535 : vector<32x128xf32>
    %max3A_546 = arith.maximumf %select_n3A_522, %select_n3A_535 : vector<32x128xf32>
    %select_n3A_547 = arith.select %eq3A_544, %min3A_545, %max3A_546 : vector<32x128xi1>, vector<32x128xf32>
    %slice3A_548 = vector.extract_strided_slice %select_n3A_547 {offsets = [0, 32], sizes = [32, 96], strides = [1, 1]} : vector<32x128xf32> to vector<32x96xf32>
    %slice3A_549 = vector.extract_strided_slice %select_n3A_547 {offsets = [0, 0], sizes = [32, 32], strides = [1, 1]} : vector<32x128xf32> to vector<32x32xf32>
    %concatenate3A_550 = tpu.concatenate %slice3A_548, %slice3A_549 in 1 : vector<32x96xf32>, vector<32x32xf32> -> vector<32x128xf32>
    %slice3A_551 = vector.extract_strided_slice %select_n3A_547 {offsets = [0, 96], sizes = [32, 32], strides = [1, 1]} : vector<32x128xf32> to vector<32x32xf32>
    %slice3A_552 = vector.extract_strided_slice %select_n3A_547 {offsets = [0, 0], sizes = [32, 96], strides = [1, 1]} : vector<32x128xf32> to vector<32x96xf32>
    %concatenate3A_553 = tpu.concatenate %slice3A_551, %slice3A_552 in 1 : vector<32x32xf32>, vector<32x96xf32> -> vector<32x128xf32>
    %and3A_554 = arith.constant 32 : i32
    %and3A_555 = vector.broadcast %and3A_554 : i32 to vector<32x128xi32>
    %and3A_556 = arith.andi %add3A, %and3A_555 : vector<32x128xi32>
    %eq3A_557 = arith.constant 0 : i32
    %eq3A_558 = vector.broadcast %eq3A_557 : i32 to vector<32x128xi32>
    %eq3A_559 = arith.cmpi eq, %and3A_556, %eq3A_558 : vector<32x128xi32>
    %select_n3A_560 = arith.select %eq3A_559, %concatenate3A_550, %concatenate3A_553 : vector<32x128xi1>, vector<32x128xf32>
    %and3A_561 = arith.constant 128 : i32
    %and3A_562 = vector.broadcast %and3A_561 : i32 to vector<32x128xi32>
    %and3A_563 = arith.andi %add3A, %and3A_562 : vector<32x128xi32>
    %eq3A_564 = arith.constant 0 : i32
    %eq3A_565 = vector.broadcast %eq3A_564 : i32 to vector<32x128xi32>
    %eq3A_566 = arith.cmpi eq, %and3A_563, %eq3A_565 : vector<32x128xi32>
    %eq3A_567 = arith.xori %eq3A_559, %eq3A_566 : vector<32x128xi1>
    %eq3A_568 = arith.constant dense<true> : vector<32x128xi1>
    %eq3A_569 = arith.xori %eq3A_567, %eq3A_568 : vector<32x128xi1>
    %min3A_570 = arith.minimumf %select_n3A_547, %select_n3A_560 : vector<32x128xf32>
    %max3A_571 = arith.maximumf %select_n3A_547, %select_n3A_560 : vector<32x128xf32>
    %select_n3A_572 = arith.select %eq3A_569, %min3A_570, %max3A_571 : vector<32x128xi1>, vector<32x128xf32>
    %slice3A_573 = vector.extract_strided_slice %select_n3A_572 {offsets = [0, 16], sizes = [32, 112], strides = [1, 1]} : vector<32x128xf32> to vector<32x112xf32>
    %slice3A_574 = vector.extract_strided_slice %select_n3A_572 {offsets = [0, 0], sizes = [32, 16], strides = [1, 1]} : vector<32x128xf32> to vector<32x16xf32>
    %concatenate3A_575 = tpu.concatenate %slice3A_573, %slice3A_574 in 1 : vector<32x112xf32>, vector<32x16xf32> -> vector<32x128xf32>
    %slice3A_576 = vector.extract_strided_slice %select_n3A_572 {offsets = [0, 112], sizes = [32, 16], strides = [1, 1]} : vector<32x128xf32> to vector<32x16xf32>
    %slice3A_577 = vector.extract_strided_slice %select_n3A_572 {offsets = [0, 0], sizes = [32, 112], strides = [1, 1]} : vector<32x128xf32> to vector<32x112xf32>
    %concatenate3A_578 = tpu.concatenate %slice3A_576, %slice3A_577 in 1 : vector<32x16xf32>, vector<32x112xf32> -> vector<32x128xf32>
    %and3A_579 = arith.constant 16 : i32
    %and3A_580 = vector.broadcast %and3A_579 : i32 to vector<32x128xi32>
    %and3A_581 = arith.andi %add3A, %and3A_580 : vector<32x128xi32>
    %eq3A_582 = arith.constant 0 : i32
    %eq3A_583 = vector.broadcast %eq3A_582 : i32 to vector<32x128xi32>
    %eq3A_584 = arith.cmpi eq, %and3A_581, %eq3A_583 : vector<32x128xi32>
    %select_n3A_585 = arith.select %eq3A_584, %concatenate3A_575, %concatenate3A_578 : vector<32x128xi1>, vector<32x128xf32>
    %and3A_586 = arith.constant 128 : i32
    %and3A_587 = vector.broadcast %and3A_586 : i32 to vector<32x128xi32>
    %and3A_588 = arith.andi %add3A, %and3A_587 : vector<32x128xi32>
    %eq3A_589 = arith.constant 0 : i32
    %eq3A_590 = vector.broadcast %eq3A_589 : i32 to vector<32x128xi32>
    %eq3A_591 = arith.cmpi eq, %and3A_588, %eq3A_590 : vector<32x128xi32>
    %eq3A_592 = arith.xori %eq3A_584, %eq3A_591 : vector<32x128xi1>
    %eq3A_593 = arith.constant dense<true> : vector<32x128xi1>
    %eq3A_594 = arith.xori %eq3A_592, %eq3A_593 : vector<32x128xi1>
    %min3A_595 = arith.minimumf %select_n3A_572, %select_n3A_585 : vector<32x128xf32>
    %max3A_596 = arith.maximumf %select_n3A_572, %select_n3A_585 : vector<32x128xf32>
    %select_n3A_597 = arith.select %eq3A_594, %min3A_595, %max3A_596 : vector<32x128xi1>, vector<32x128xf32>
    %slice3A_598 = vector.extract_strided_slice %select_n3A_597 {offsets = [0, 8], sizes = [32, 120], strides = [1, 1]} : vector<32x128xf32> to vector<32x120xf32>
    %slice3A_599 = vector.extract_strided_slice %select_n3A_597 {offsets = [0, 0], sizes = [32, 8], strides = [1, 1]} : vector<32x128xf32> to vector<32x8xf32>
    %concatenate3A_600 = tpu.concatenate %slice3A_598, %slice3A_599 in 1 : vector<32x120xf32>, vector<32x8xf32> -> vector<32x128xf32>
    %slice3A_601 = vector.extract_strided_slice %select_n3A_597 {offsets = [0, 120], sizes = [32, 8], strides = [1, 1]} : vector<32x128xf32> to vector<32x8xf32>
    %slice3A_602 = vector.extract_strided_slice %select_n3A_597 {offsets = [0, 0], sizes = [32, 120], strides = [1, 1]} : vector<32x128xf32> to vector<32x120xf32>
    %concatenate3A_603 = tpu.concatenate %slice3A_601, %slice3A_602 in 1 : vector<32x8xf32>, vector<32x120xf32> -> vector<32x128xf32>
    %and3A_604 = arith.constant 8 : i32
    %and3A_605 = vector.broadcast %and3A_604 : i32 to vector<32x128xi32>
    %and3A_606 = arith.andi %add3A, %and3A_605 : vector<32x128xi32>
    %eq3A_607 = arith.constant 0 : i32
    %eq3A_608 = vector.broadcast %eq3A_607 : i32 to vector<32x128xi32>
    %eq3A_609 = arith.cmpi eq, %and3A_606, %eq3A_608 : vector<32x128xi32>
    %select_n3A_610 = arith.select %eq3A_609, %concatenate3A_600, %concatenate3A_603 : vector<32x128xi1>, vector<32x128xf32>
    %and3A_611 = arith.constant 128 : i32
    %and3A_612 = vector.broadcast %and3A_611 : i32 to vector<32x128xi32>
    %and3A_613 = arith.andi %add3A, %and3A_612 : vector<32x128xi32>
    %eq3A_614 = arith.constant 0 : i32
    %eq3A_615 = vector.broadcast %eq3A_614 : i32 to vector<32x128xi32>
    %eq3A_616 = arith.cmpi eq, %and3A_613, %eq3A_615 : vector<32x128xi32>
    %eq3A_617 = arith.xori %eq3A_609, %eq3A_616 : vector<32x128xi1>
    %eq3A_618 = arith.constant dense<true> : vector<32x128xi1>
    %eq3A_619 = arith.xori %eq3A_617, %eq3A_618 : vector<32x128xi1>
    %min3A_620 = arith.minimumf %select_n3A_597, %select_n3A_610 : vector<32x128xf32>
    %max3A_621 = arith.maximumf %select_n3A_597, %select_n3A_610 : vector<32x128xf32>
    %select_n3A_622 = arith.select %eq3A_619, %min3A_620, %max3A_621 : vector<32x128xi1>, vector<32x128xf32>
    %slice3A_623 = vector.extract_strided_slice %select_n3A_622 {offsets = [0, 4], sizes = [32, 124], strides = [1, 1]} : vector<32x128xf32> to vector<32x124xf32>
    %slice3A_624 = vector.extract_strided_slice %select_n3A_622 {offsets = [0, 0], sizes = [32, 4], strides = [1, 1]} : vector<32x128xf32> to vector<32x4xf32>
    %concatenate3A_625 = tpu.concatenate %slice3A_623, %slice3A_624 in 1 : vector<32x124xf32>, vector<32x4xf32> -> vector<32x128xf32>
    %slice3A_626 = vector.extract_strided_slice %select_n3A_622 {offsets = [0, 124], sizes = [32, 4], strides = [1, 1]} : vector<32x128xf32> to vector<32x4xf32>
    %slice3A_627 = vector.extract_strided_slice %select_n3A_622 {offsets = [0, 0], sizes = [32, 124], strides = [1, 1]} : vector<32x128xf32> to vector<32x124xf32>
    %concatenate3A_628 = tpu.concatenate %slice3A_626, %slice3A_627 in 1 : vector<32x4xf32>, vector<32x124xf32> -> vector<32x128xf32>
    %and3A_629 = arith.constant 4 : i32
    %and3A_630 = vector.broadcast %and3A_629 : i32 to vector<32x128xi32>
    %and3A_631 = arith.andi %add3A, %and3A_630 : vector<32x128xi32>
    %eq3A_632 = arith.constant 0 : i32
    %eq3A_633 = vector.broadcast %eq3A_632 : i32 to vector<32x128xi32>
    %eq3A_634 = arith.cmpi eq, %and3A_631, %eq3A_633 : vector<32x128xi32>
    %select_n3A_635 = arith.select %eq3A_634, %concatenate3A_625, %concatenate3A_628 : vector<32x128xi1>, vector<32x128xf32>
    %and3A_636 = arith.constant 128 : i32
    %and3A_637 = vector.broadcast %and3A_636 : i32 to vector<32x128xi32>
    %and3A_638 = arith.andi %add3A, %and3A_637 : vector<32x128xi32>
    %eq3A_639 = arith.constant 0 : i32
    %eq3A_640 = vector.broadcast %eq3A_639 : i32 to vector<32x128xi32>
    %eq3A_641 = arith.cmpi eq, %and3A_638, %eq3A_640 : vector<32x128xi32>
    %eq3A_642 = arith.xori %eq3A_634, %eq3A_641 : vector<32x128xi1>
    %eq3A_643 = arith.constant dense<true> : vector<32x128xi1>
    %eq3A_644 = arith.xori %eq3A_642, %eq3A_643 : vector<32x128xi1>
    %min3A_645 = arith.minimumf %select_n3A_622, %select_n3A_635 : vector<32x128xf32>
    %max3A_646 = arith.maximumf %select_n3A_622, %select_n3A_635 : vector<32x128xf32>
    %select_n3A_647 = arith.select %eq3A_644, %min3A_645, %max3A_646 : vector<32x128xi1>, vector<32x128xf32>
    %slice3A_648 = vector.extract_strided_slice %select_n3A_647 {offsets = [0, 2], sizes = [32, 126], strides = [1, 1]} : vector<32x128xf32> to vector<32x126xf32>
    %slice3A_649 = vector.extract_strided_slice %select_n3A_647 {offsets = [0, 0], sizes = [32, 2], strides = [1, 1]} : vector<32x128xf32> to vector<32x2xf32>
    %concatenate3A_650 = tpu.concatenate %slice3A_648, %slice3A_649 in 1 : vector<32x126xf32>, vector<32x2xf32> -> vector<32x128xf32>
    %slice3A_651 = vector.extract_strided_slice %select_n3A_647 {offsets = [0, 126], sizes = [32, 2], strides = [1, 1]} : vector<32x128xf32> to vector<32x2xf32>
    %slice3A_652 = vector.extract_strided_slice %select_n3A_647 {offsets = [0, 0], sizes = [32, 126], strides = [1, 1]} : vector<32x128xf32> to vector<32x126xf32>
    %concatenate3A_653 = tpu.concatenate %slice3A_651, %slice3A_652 in 1 : vector<32x2xf32>, vector<32x126xf32> -> vector<32x128xf32>
    %and3A_654 = arith.constant 2 : i32
    %and3A_655 = vector.broadcast %and3A_654 : i32 to vector<32x128xi32>
    %and3A_656 = arith.andi %add3A, %and3A_655 : vector<32x128xi32>
    %eq3A_657 = arith.constant 0 : i32
    %eq3A_658 = vector.broadcast %eq3A_657 : i32 to vector<32x128xi32>
    %eq3A_659 = arith.cmpi eq, %and3A_656, %eq3A_658 : vector<32x128xi32>
    %select_n3A_660 = arith.select %eq3A_659, %concatenate3A_650, %concatenate3A_653 : vector<32x128xi1>, vector<32x128xf32>
    %and3A_661 = arith.constant 128 : i32
    %and3A_662 = vector.broadcast %and3A_661 : i32 to vector<32x128xi32>
    %and3A_663 = arith.andi %add3A, %and3A_662 : vector<32x128xi32>
    %eq3A_664 = arith.constant 0 : i32
    %eq3A_665 = vector.broadcast %eq3A_664 : i32 to vector<32x128xi32>
    %eq3A_666 = arith.cmpi eq, %and3A_663, %eq3A_665 : vector<32x128xi32>
    %eq3A_667 = arith.xori %eq3A_659, %eq3A_666 : vector<32x128xi1>
    %eq3A_668 = arith.constant dense<true> : vector<32x128xi1>
    %eq3A_669 = arith.xori %eq3A_667, %eq3A_668 : vector<32x128xi1>
    %min3A_670 = arith.minimumf %select_n3A_647, %select_n3A_660 : vector<32x128xf32>
    %max3A_671 = arith.maximumf %select_n3A_647, %select_n3A_660 : vector<32x128xf32>
    %select_n3A_672 = arith.select %eq3A_669, %min3A_670, %max3A_671 : vector<32x128xi1>, vector<32x128xf32>
    %slice3A_673 = vector.extract_strided_slice %select_n3A_672 {offsets = [0, 1], sizes = [32, 127], strides = [1, 1]} : vector<32x128xf32> to vector<32x127xf32>
    %slice3A_674 = vector.extract_strided_slice %select_n3A_672 {offsets = [0, 0], sizes = [32, 1], strides = [1, 1]} : vector<32x128xf32> to vector<32x1xf32>
    %concatenate3A_675 = tpu.concatenate %slice3A_673, %slice3A_674 in 1 : vector<32x127xf32>, vector<32x1xf32> -> vector<32x128xf32>
    %slice3A_676 = vector.extract_strided_slice %select_n3A_672 {offsets = [0, 127], sizes = [32, 1], strides = [1, 1]} : vector<32x128xf32> to vector<32x1xf32>
    %slice3A_677 = vector.extract_strided_slice %select_n3A_672 {offsets = [0, 0], sizes = [32, 127], strides = [1, 1]} : vector<32x128xf32> to vector<32x127xf32>
    %concatenate3A_678 = tpu.concatenate %slice3A_676, %slice3A_677 in 1 : vector<32x1xf32>, vector<32x127xf32> -> vector<32x128xf32>
    %and3A_679 = arith.constant 1 : i32
    %and3A_680 = vector.broadcast %and3A_679 : i32 to vector<32x128xi32>
    %and3A_681 = arith.andi %add3A, %and3A_680 : vector<32x128xi32>
    %eq3A_682 = arith.constant 0 : i32
    %eq3A_683 = vector.broadcast %eq3A_682 : i32 to vector<32x128xi32>
    %eq3A_684 = arith.cmpi eq, %and3A_681, %eq3A_683 : vector<32x128xi32>
    %select_n3A_685 = arith.select %eq3A_684, %concatenate3A_675, %concatenate3A_678 : vector<32x128xi1>, vector<32x128xf32>
    %and3A_686 = arith.constant 128 : i32
    %and3A_687 = vector.broadcast %and3A_686 : i32 to vector<32x128xi32>
    %and3A_688 = arith.andi %add3A, %and3A_687 : vector<32x128xi32>
    %eq3A_689 = arith.constant 0 : i32
    %eq3A_690 = vector.broadcast %eq3A_689 : i32 to vector<32x128xi32>
    %eq3A_691 = arith.cmpi eq, %and3A_688, %eq3A_690 : vector<32x128xi32>
    %eq3A_692 = arith.xori %eq3A_684, %eq3A_691 : vector<32x128xi1>
    %eq3A_693 = arith.constant dense<true> : vector<32x128xi1>
    %eq3A_694 = arith.xori %eq3A_692, %eq3A_693 : vector<32x128xi1>
    %min3A_695 = arith.minimumf %select_n3A_672, %select_n3A_685 : vector<32x128xf32>
    %max3A_696 = arith.maximumf %select_n3A_672, %select_n3A_685 : vector<32x128xf32>
    %select_n3A_697 = arith.select %eq3A_694, %min3A_695, %max3A_696 : vector<32x128xi1>, vector<32x128xf32>
    %slice3A_698 = vector.extract_strided_slice %select_n3A_697 {offsets = [1, 0], sizes = [31, 128], strides = [1, 1]} : vector<32x128xf32> to vector<31x128xf32>
    %slice3A_699 = vector.extract_strided_slice %select_n3A_697 {offsets = [0, 0], sizes = [1, 128], strides = [1, 1]} : vector<32x128xf32> to vector<1x128xf32>
    %concatenate3A_700 = tpu.concatenate %slice3A_698, %slice3A_699 in 0 : vector<31x128xf32>, vector<1x128xf32> -> vector<32x128xf32>
    %slice3A_701 = vector.extract_strided_slice %select_n3A_697 {offsets = [31, 0], sizes = [1, 128], strides = [1, 1]} : vector<32x128xf32> to vector<1x128xf32>
    %slice3A_702 = vector.extract_strided_slice %select_n3A_697 {offsets = [0, 0], sizes = [31, 128], strides = [1, 1]} : vector<32x128xf32> to vector<31x128xf32>
    %concatenate3A_703 = tpu.concatenate %slice3A_701, %slice3A_702 in 0 : vector<1x128xf32>, vector<31x128xf32> -> vector<32x128xf32>
    %and3A_704 = arith.constant 128 : i32
    %and3A_705 = vector.broadcast %and3A_704 : i32 to vector<32x128xi32>
    %and3A_706 = arith.andi %add3A, %and3A_705 : vector<32x128xi32>
    %eq3A_707 = arith.constant 0 : i32
    %eq3A_708 = vector.broadcast %eq3A_707 : i32 to vector<32x128xi32>
    %eq3A_709 = arith.cmpi eq, %and3A_706, %eq3A_708 : vector<32x128xi32>
    %select_n3A_710 = arith.select %eq3A_709, %concatenate3A_700, %concatenate3A_703 : vector<32x128xi1>, vector<32x128xf32>
    %and3A_711 = arith.constant 256 : i32
    %and3A_712 = vector.broadcast %and3A_711 : i32 to vector<32x128xi32>
    %and3A_713 = arith.andi %add3A, %and3A_712 : vector<32x128xi32>
    %eq3A_714 = arith.constant 0 : i32
    %eq3A_715 = vector.broadcast %eq3A_714 : i32 to vector<32x128xi32>
    %eq3A_716 = arith.cmpi eq, %and3A_713, %eq3A_715 : vector<32x128xi32>
    %eq3A_717 = arith.xori %eq3A_709, %eq3A_716 : vector<32x128xi1>
    %eq3A_718 = arith.constant dense<true> : vector<32x128xi1>
    %eq3A_719 = arith.xori %eq3A_717, %eq3A_718 : vector<32x128xi1>
    %min3A_720 = arith.minimumf %select_n3A_697, %select_n3A_710 : vector<32x128xf32>
    %max3A_721 = arith.maximumf %select_n3A_697, %select_n3A_710 : vector<32x128xf32>
    %select_n3A_722 = arith.select %eq3A_719, %min3A_720, %max3A_721 : vector<32x128xi1>, vector<32x128xf32>
    %slice3A_723 = vector.extract_strided_slice %select_n3A_722 {offsets = [0, 64], sizes = [32, 64], strides = [1, 1]} : vector<32x128xf32> to vector<32x64xf32>
    %slice3A_724 = vector.extract_strided_slice %select_n3A_722 {offsets = [0, 0], sizes = [32, 64], strides = [1, 1]} : vector<32x128xf32> to vector<32x64xf32>
    %concatenate3A_725 = tpu.concatenate %slice3A_723, %slice3A_724 in 1 : vector<32x64xf32>, vector<32x64xf32> -> vector<32x128xf32>
    %slice3A_726 = vector.extract_strided_slice %select_n3A_722 {offsets = [0, 64], sizes = [32, 64], strides = [1, 1]} : vector<32x128xf32> to vector<32x64xf32>
    %slice3A_727 = vector.extract_strided_slice %select_n3A_722 {offsets = [0, 0], sizes = [32, 64], strides = [1, 1]} : vector<32x128xf32> to vector<32x64xf32>
    %concatenate3A_728 = tpu.concatenate %slice3A_726, %slice3A_727 in 1 : vector<32x64xf32>, vector<32x64xf32> -> vector<32x128xf32>
    %and3A_729 = arith.constant 64 : i32
    %and3A_730 = vector.broadcast %and3A_729 : i32 to vector<32x128xi32>
    %and3A_731 = arith.andi %add3A, %and3A_730 : vector<32x128xi32>
    %eq3A_732 = arith.constant 0 : i32
    %eq3A_733 = vector.broadcast %eq3A_732 : i32 to vector<32x128xi32>
    %eq3A_734 = arith.cmpi eq, %and3A_731, %eq3A_733 : vector<32x128xi32>
    %select_n3A_735 = arith.select %eq3A_734, %concatenate3A_725, %concatenate3A_728 : vector<32x128xi1>, vector<32x128xf32>
    %and3A_736 = arith.constant 256 : i32
    %and3A_737 = vector.broadcast %and3A_736 : i32 to vector<32x128xi32>
    %and3A_738 = arith.andi %add3A, %and3A_737 : vector<32x128xi32>
    %eq3A_739 = arith.constant 0 : i32
    %eq3A_740 = vector.broadcast %eq3A_739 : i32 to vector<32x128xi32>
    %eq3A_741 = arith.cmpi eq, %and3A_738, %eq3A_740 : vector<32x128xi32>
    %eq3A_742 = arith.xori %eq3A_734, %eq3A_741 : vector<32x128xi1>
    %eq3A_743 = arith.constant dense<true> : vector<32x128xi1>
    %eq3A_744 = arith.xori %eq3A_742, %eq3A_743 : vector<32x128xi1>
    %min3A_745 = arith.minimumf %select_n3A_722, %select_n3A_735 : vector<32x128xf32>
    %max3A_746 = arith.maximumf %select_n3A_722, %select_n3A_735 : vector<32x128xf32>
    %select_n3A_747 = arith.select %eq3A_744, %min3A_745, %max3A_746 : vector<32x128xi1>, vector<32x128xf32>
    %slice3A_748 = vector.extract_strided_slice %select_n3A_747 {offsets = [0, 32], sizes = [32, 96], strides = [1, 1]} : vector<32x128xf32> to vector<32x96xf32>
    %slice3A_749 = vector.extract_strided_slice %select_n3A_747 {offsets = [0, 0], sizes = [32, 32], strides = [1, 1]} : vector<32x128xf32> to vector<32x32xf32>
    %concatenate3A_750 = tpu.concatenate %slice3A_748, %slice3A_749 in 1 : vector<32x96xf32>, vector<32x32xf32> -> vector<32x128xf32>
    %slice3A_751 = vector.extract_strided_slice %select_n3A_747 {offsets = [0, 96], sizes = [32, 32], strides = [1, 1]} : vector<32x128xf32> to vector<32x32xf32>
    %slice3A_752 = vector.extract_strided_slice %select_n3A_747 {offsets = [0, 0], sizes = [32, 96], strides = [1, 1]} : vector<32x128xf32> to vector<32x96xf32>
    %concatenate3A_753 = tpu.concatenate %slice3A_751, %slice3A_752 in 1 : vector<32x32xf32>, vector<32x96xf32> -> vector<32x128xf32>
    %and3A_754 = arith.constant 32 : i32
    %and3A_755 = vector.broadcast %and3A_754 : i32 to vector<32x128xi32>
    %and3A_756 = arith.andi %add3A, %and3A_755 : vector<32x128xi32>
    %eq3A_757 = arith.constant 0 : i32
    %eq3A_758 = vector.broadcast %eq3A_757 : i32 to vector<32x128xi32>
    %eq3A_759 = arith.cmpi eq, %and3A_756, %eq3A_758 : vector<32x128xi32>
    %select_n3A_760 = arith.select %eq3A_759, %concatenate3A_750, %concatenate3A_753 : vector<32x128xi1>, vector<32x128xf32>
    %and3A_761 = arith.constant 256 : i32
    %and3A_762 = vector.broadcast %and3A_761 : i32 to vector<32x128xi32>
    %and3A_763 = arith.andi %add3A, %and3A_762 : vector<32x128xi32>
    %eq3A_764 = arith.constant 0 : i32
    %eq3A_765 = vector.broadcast %eq3A_764 : i32 to vector<32x128xi32>
    %eq3A_766 = arith.cmpi eq, %and3A_763, %eq3A_765 : vector<32x128xi32>
    %eq3A_767 = arith.xori %eq3A_759, %eq3A_766 : vector<32x128xi1>
    %eq3A_768 = arith.constant dense<true> : vector<32x128xi1>
    %eq3A_769 = arith.xori %eq3A_767, %eq3A_768 : vector<32x128xi1>
    %min3A_770 = arith.minimumf %select_n3A_747, %select_n3A_760 : vector<32x128xf32>
    %max3A_771 = arith.maximumf %select_n3A_747, %select_n3A_760 : vector<32x128xf32>
    %select_n3A_772 = arith.select %eq3A_769, %min3A_770, %max3A_771 : vector<32x128xi1>, vector<32x128xf32>
    %slice3A_773 = vector.extract_strided_slice %select_n3A_772 {offsets = [0, 16], sizes = [32, 112], strides = [1, 1]} : vector<32x128xf32> to vector<32x112xf32>
    %slice3A_774 = vector.extract_strided_slice %select_n3A_772 {offsets = [0, 0], sizes = [32, 16], strides = [1, 1]} : vector<32x128xf32> to vector<32x16xf32>
    %concatenate3A_775 = tpu.concatenate %slice3A_773, %slice3A_774 in 1 : vector<32x112xf32>, vector<32x16xf32> -> vector<32x128xf32>
    %slice3A_776 = vector.extract_strided_slice %select_n3A_772 {offsets = [0, 112], sizes = [32, 16], strides = [1, 1]} : vector<32x128xf32> to vector<32x16xf32>
    %slice3A_777 = vector.extract_strided_slice %select_n3A_772 {offsets = [0, 0], sizes = [32, 112], strides = [1, 1]} : vector<32x128xf32> to vector<32x112xf32>
    %concatenate3A_778 = tpu.concatenate %slice3A_776, %slice3A_777 in 1 : vector<32x16xf32>, vector<32x112xf32> -> vector<32x128xf32>
    %and3A_779 = arith.constant 16 : i32
    %and3A_780 = vector.broadcast %and3A_779 : i32 to vector<32x128xi32>
    %and3A_781 = arith.andi %add3A, %and3A_780 : vector<32x128xi32>
    %eq3A_782 = arith.constant 0 : i32
    %eq3A_783 = vector.broadcast %eq3A_782 : i32 to vector<32x128xi32>
    %eq3A_784 = arith.cmpi eq, %and3A_781, %eq3A_783 : vector<32x128xi32>
    %select_n3A_785 = arith.select %eq3A_784, %concatenate3A_775, %concatenate3A_778 : vector<32x128xi1>, vector<32x128xf32>
    %and3A_786 = arith.constant 256 : i32
    %and3A_787 = vector.broadcast %and3A_786 : i32 to vector<32x128xi32>
    %and3A_788 = arith.andi %add3A, %and3A_787 : vector<32x128xi32>
    %eq3A_789 = arith.constant 0 : i32
    %eq3A_790 = vector.broadcast %eq3A_789 : i32 to vector<32x128xi32>
    %eq3A_791 = arith.cmpi eq, %and3A_788, %eq3A_790 : vector<32x128xi32>
    %eq3A_792 = arith.xori %eq3A_784, %eq3A_791 : vector<32x128xi1>
    %eq3A_793 = arith.constant dense<true> : vector<32x128xi1>
    %eq3A_794 = arith.xori %eq3A_792, %eq3A_793 : vector<32x128xi1>
    %min3A_795 = arith.minimumf %select_n3A_772, %select_n3A_785 : vector<32x128xf32>
    %max3A_796 = arith.maximumf %select_n3A_772, %select_n3A_785 : vector<32x128xf32>
    %select_n3A_797 = arith.select %eq3A_794, %min3A_795, %max3A_796 : vector<32x128xi1>, vector<32x128xf32>
    %slice3A_798 = vector.extract_strided_slice %select_n3A_797 {offsets = [0, 8], sizes = [32, 120], strides = [1, 1]} : vector<32x128xf32> to vector<32x120xf32>
    %slice3A_799 = vector.extract_strided_slice %select_n3A_797 {offsets = [0, 0], sizes = [32, 8], strides = [1, 1]} : vector<32x128xf32> to vector<32x8xf32>
    %concatenate3A_800 = tpu.concatenate %slice3A_798, %slice3A_799 in 1 : vector<32x120xf32>, vector<32x8xf32> -> vector<32x128xf32>
    %slice3A_801 = vector.extract_strided_slice %select_n3A_797 {offsets = [0, 120], sizes = [32, 8], strides = [1, 1]} : vector<32x128xf32> to vector<32x8xf32>
    %slice3A_802 = vector.extract_strided_slice %select_n3A_797 {offsets = [0, 0], sizes = [32, 120], strides = [1, 1]} : vector<32x128xf32> to vector<32x120xf32>
    %concatenate3A_803 = tpu.concatenate %slice3A_801, %slice3A_802 in 1 : vector<32x8xf32>, vector<32x120xf32> -> vector<32x128xf32>
    %and3A_804 = arith.constant 8 : i32
    %and3A_805 = vector.broadcast %and3A_804 : i32 to vector<32x128xi32>
    %and3A_806 = arith.andi %add3A, %and3A_805 : vector<32x128xi32>
    %eq3A_807 = arith.constant 0 : i32
    %eq3A_808 = vector.broadcast %eq3A_807 : i32 to vector<32x128xi32>
    %eq3A_809 = arith.cmpi eq, %and3A_806, %eq3A_808 : vector<32x128xi32>
    %select_n3A_810 = arith.select %eq3A_809, %concatenate3A_800, %concatenate3A_803 : vector<32x128xi1>, vector<32x128xf32>
    %and3A_811 = arith.constant 256 : i32
    %and3A_812 = vector.broadcast %and3A_811 : i32 to vector<32x128xi32>
    %and3A_813 = arith.andi %add3A, %and3A_812 : vector<32x128xi32>
    %eq3A_814 = arith.constant 0 : i32
    %eq3A_815 = vector.broadcast %eq3A_814 : i32 to vector<32x128xi32>
    %eq3A_816 = arith.cmpi eq, %and3A_813, %eq3A_815 : vector<32x128xi32>
    %eq3A_817 = arith.xori %eq3A_809, %eq3A_816 : vector<32x128xi1>
    %eq3A_818 = arith.constant dense<true> : vector<32x128xi1>
    %eq3A_819 = arith.xori %eq3A_817, %eq3A_818 : vector<32x128xi1>
    %min3A_820 = arith.minimumf %select_n3A_797, %select_n3A_810 : vector<32x128xf32>
    %max3A_821 = arith.maximumf %select_n3A_797, %select_n3A_810 : vector<32x128xf32>
    %select_n3A_822 = arith.select %eq3A_819, %min3A_820, %max3A_821 : vector<32x128xi1>, vector<32x128xf32>
    %slice3A_823 = vector.extract_strided_slice %select_n3A_822 {offsets = [0, 4], sizes = [32, 124], strides = [1, 1]} : vector<32x128xf32> to vector<32x124xf32>
    %slice3A_824 = vector.extract_strided_slice %select_n3A_822 {offsets = [0, 0], sizes = [32, 4], strides = [1, 1]} : vector<32x128xf32> to vector<32x4xf32>
    %concatenate3A_825 = tpu.concatenate %slice3A_823, %slice3A_824 in 1 : vector<32x124xf32>, vector<32x4xf32> -> vector<32x128xf32>
    %slice3A_826 = vector.extract_strided_slice %select_n3A_822 {offsets = [0, 124], sizes = [32, 4], strides = [1, 1]} : vector<32x128xf32> to vector<32x4xf32>
    %slice3A_827 = vector.extract_strided_slice %select_n3A_822 {offsets = [0, 0], sizes = [32, 124], strides = [1, 1]} : vector<32x128xf32> to vector<32x124xf32>
    %concatenate3A_828 = tpu.concatenate %slice3A_826, %slice3A_827 in 1 : vector<32x4xf32>, vector<32x124xf32> -> vector<32x128xf32>
    %and3A_829 = arith.constant 4 : i32
    %and3A_830 = vector.broadcast %and3A_829 : i32 to vector<32x128xi32>
    %and3A_831 = arith.andi %add3A, %and3A_830 : vector<32x128xi32>
    %eq3A_832 = arith.constant 0 : i32
    %eq3A_833 = vector.broadcast %eq3A_832 : i32 to vector<32x128xi32>
    %eq3A_834 = arith.cmpi eq, %and3A_831, %eq3A_833 : vector<32x128xi32>
    %select_n3A_835 = arith.select %eq3A_834, %concatenate3A_825, %concatenate3A_828 : vector<32x128xi1>, vector<32x128xf32>
    %and3A_836 = arith.constant 256 : i32
    %and3A_837 = vector.broadcast %and3A_836 : i32 to vector<32x128xi32>
    %and3A_838 = arith.andi %add3A, %and3A_837 : vector<32x128xi32>
    %eq3A_839 = arith.constant 0 : i32
    %eq3A_840 = vector.broadcast %eq3A_839 : i32 to vector<32x128xi32>
    %eq3A_841 = arith.cmpi eq, %and3A_838, %eq3A_840 : vector<32x128xi32>
    %eq3A_842 = arith.xori %eq3A_834, %eq3A_841 : vector<32x128xi1>
    %eq3A_843 = arith.constant dense<true> : vector<32x128xi1>
    %eq3A_844 = arith.xori %eq3A_842, %eq3A_843 : vector<32x128xi1>
    %min3A_845 = arith.minimumf %select_n3A_822, %select_n3A_835 : vector<32x128xf32>
    %max3A_846 = arith.maximumf %select_n3A_822, %select_n3A_835 : vector<32x128xf32>
    %select_n3A_847 = arith.select %eq3A_844, %min3A_845, %max3A_846 : vector<32x128xi1>, vector<32x128xf32>
    %slice3A_848 = vector.extract_strided_slice %select_n3A_847 {offsets = [0, 2], sizes = [32, 126], strides = [1, 1]} : vector<32x128xf32> to vector<32x126xf32>
    %slice3A_849 = vector.extract_strided_slice %select_n3A_847 {offsets = [0, 0], sizes = [32, 2], strides = [1, 1]} : vector<32x128xf32> to vector<32x2xf32>
    %concatenate3A_850 = tpu.concatenate %slice3A_848, %slice3A_849 in 1 : vector<32x126xf32>, vector<32x2xf32> -> vector<32x128xf32>
    %slice3A_851 = vector.extract_strided_slice %select_n3A_847 {offsets = [0, 126], sizes = [32, 2], strides = [1, 1]} : vector<32x128xf32> to vector<32x2xf32>
    %slice3A_852 = vector.extract_strided_slice %select_n3A_847 {offsets = [0, 0], sizes = [32, 126], strides = [1, 1]} : vector<32x128xf32> to vector<32x126xf32>
    %concatenate3A_853 = tpu.concatenate %slice3A_851, %slice3A_852 in 1 : vector<32x2xf32>, vector<32x126xf32> -> vector<32x128xf32>
    %and3A_854 = arith.constant 2 : i32
    %and3A_855 = vector.broadcast %and3A_854 : i32 to vector<32x128xi32>
    %and3A_856 = arith.andi %add3A, %and3A_855 : vector<32x128xi32>
    %eq3A_857 = arith.constant 0 : i32
    %eq3A_858 = vector.broadcast %eq3A_857 : i32 to vector<32x128xi32>
    %eq3A_859 = arith.cmpi eq, %and3A_856, %eq3A_858 : vector<32x128xi32>
    %select_n3A_860 = arith.select %eq3A_859, %concatenate3A_850, %concatenate3A_853 : vector<32x128xi1>, vector<32x128xf32>
    %and3A_861 = arith.constant 256 : i32
    %and3A_862 = vector.broadcast %and3A_861 : i32 to vector<32x128xi32>
    %and3A_863 = arith.andi %add3A, %and3A_862 : vector<32x128xi32>
    %eq3A_864 = arith.constant 0 : i32
    %eq3A_865 = vector.broadcast %eq3A_864 : i32 to vector<32x128xi32>
    %eq3A_866 = arith.cmpi eq, %and3A_863, %eq3A_865 : vector<32x128xi32>
    %eq3A_867 = arith.xori %eq3A_859, %eq3A_866 : vector<32x128xi1>
    %eq3A_868 = arith.constant dense<true> : vector<32x128xi1>
    %eq3A_869 = arith.xori %eq3A_867, %eq3A_868 : vector<32x128xi1>
    %min3A_870 = arith.minimumf %select_n3A_847, %select_n3A_860 : vector<32x128xf32>
    %max3A_871 = arith.maximumf %select_n3A_847, %select_n3A_860 : vector<32x128xf32>
    %select_n3A_872 = arith.select %eq3A_869, %min3A_870, %max3A_871 : vector<32x128xi1>, vector<32x128xf32>
    %slice3A_873 = vector.extract_strided_slice %select_n3A_872 {offsets = [0, 1], sizes = [32, 127], strides = [1, 1]} : vector<32x128xf32> to vector<32x127xf32>
    %slice3A_874 = vector.extract_strided_slice %select_n3A_872 {offsets = [0, 0], sizes = [32, 1], strides = [1, 1]} : vector<32x128xf32> to vector<32x1xf32>
    %concatenate3A_875 = tpu.concatenate %slice3A_873, %slice3A_874 in 1 : vector<32x127xf32>, vector<32x1xf32> -> vector<32x128xf32>
    %slice3A_876 = vector.extract_strided_slice %select_n3A_872 {offsets = [0, 127], sizes = [32, 1], strides = [1, 1]} : vector<32x128xf32> to vector<32x1xf32>
    %slice3A_877 = vector.extract_strided_slice %select_n3A_872 {offsets = [0, 0], sizes = [32, 127], strides = [1, 1]} : vector<32x128xf32> to vector<32x127xf32>
    %concatenate3A_878 = tpu.concatenate %slice3A_876, %slice3A_877 in 1 : vector<32x1xf32>, vector<32x127xf32> -> vector<32x128xf32>
    %and3A_879 = arith.constant 1 : i32
    %and3A_880 = vector.broadcast %and3A_879 : i32 to vector<32x128xi32>
    %and3A_881 = arith.andi %add3A, %and3A_880 : vector<32x128xi32>
    %eq3A_882 = arith.constant 0 : i32
    %eq3A_883 = vector.broadcast %eq3A_882 : i32 to vector<32x128xi32>
    %eq3A_884 = arith.cmpi eq, %and3A_881, %eq3A_883 : vector<32x128xi32>
    %select_n3A_885 = arith.select %eq3A_884, %concatenate3A_875, %concatenate3A_878 : vector<32x128xi1>, vector<32x128xf32>
    %and3A_886 = arith.constant 256 : i32
    %and3A_887 = vector.broadcast %and3A_886 : i32 to vector<32x128xi32>
    %and3A_888 = arith.andi %add3A, %and3A_887 : vector<32x128xi32>
    %eq3A_889 = arith.constant 0 : i32
    %eq3A_890 = vector.broadcast %eq3A_889 : i32 to vector<32x128xi32>
    %eq3A_891 = arith.cmpi eq, %and3A_888, %eq3A_890 : vector<32x128xi32>
    %eq3A_892 = arith.xori %eq3A_884, %eq3A_891 : vector<32x128xi1>
    %eq3A_893 = arith.constant dense<true> : vector<32x128xi1>
    %eq3A_894 = arith.xori %eq3A_892, %eq3A_893 : vector<32x128xi1>
    %min3A_895 = arith.minimumf %select_n3A_872, %select_n3A_885 : vector<32x128xf32>
    %max3A_896 = arith.maximumf %select_n3A_872, %select_n3A_885 : vector<32x128xf32>
    %select_n3A_897 = arith.select %eq3A_894, %min3A_895, %max3A_896 : vector<32x128xi1>, vector<32x128xf32>
    %slice3A_898 = vector.extract_strided_slice %select_n3A_897 {offsets = [2, 0], sizes = [30, 128], strides = [1, 1]} : vector<32x128xf32> to vector<30x128xf32>
    %slice3A_899 = vector.extract_strided_slice %select_n3A_897 {offsets = [0, 0], sizes = [2, 128], strides = [1, 1]} : vector<32x128xf32> to vector<2x128xf32>
    %concatenate3A_900 = tpu.concatenate %slice3A_898, %slice3A_899 in 0 : vector<30x128xf32>, vector<2x128xf32> -> vector<32x128xf32>
    %slice3A_901 = vector.extract_strided_slice %select_n3A_897 {offsets = [30, 0], sizes = [2, 128], strides = [1, 1]} : vector<32x128xf32> to vector<2x128xf32>
    %slice3A_902 = vector.extract_strided_slice %select_n3A_897 {offsets = [0, 0], sizes = [30, 128], strides = [1, 1]} : vector<32x128xf32> to vector<30x128xf32>
    %concatenate3A_903 = tpu.concatenate %slice3A_901, %slice3A_902 in 0 : vector<2x128xf32>, vector<30x128xf32> -> vector<32x128xf32>
    %and3A_904 = arith.constant 256 : i32
    %and3A_905 = vector.broadcast %and3A_904 : i32 to vector<32x128xi32>
    %and3A_906 = arith.andi %add3A, %and3A_905 : vector<32x128xi32>
    %eq3A_907 = arith.constant 0 : i32
    %eq3A_908 = vector.broadcast %eq3A_907 : i32 to vector<32x128xi32>
    %eq3A_909 = arith.cmpi eq, %and3A_906, %eq3A_908 : vector<32x128xi32>
    %select_n3A_910 = arith.select %eq3A_909, %concatenate3A_900, %concatenate3A_903 : vector<32x128xi1>, vector<32x128xf32>
    %and3A_911 = arith.constant 512 : i32
    %and3A_912 = vector.broadcast %and3A_911 : i32 to vector<32x128xi32>
    %and3A_913 = arith.andi %add3A, %and3A_912 : vector<32x128xi32>
    %eq3A_914 = arith.constant 0 : i32
    %eq3A_915 = vector.broadcast %eq3A_914 : i32 to vector<32x128xi32>
    %eq3A_916 = arith.cmpi eq, %and3A_913, %eq3A_915 : vector<32x128xi32>
    %eq3A_917 = arith.xori %eq3A_909, %eq3A_916 : vector<32x128xi1>
    %eq3A_918 = arith.constant dense<true> : vector<32x128xi1>
    %eq3A_919 = arith.xori %eq3A_917, %eq3A_918 : vector<32x128xi1>
    %min3A_920 = arith.minimumf %select_n3A_897, %select_n3A_910 : vector<32x128xf32>
    %max3A_921 = arith.maximumf %select_n3A_897, %select_n3A_910 : vector<32x128xf32>
    %select_n3A_922 = arith.select %eq3A_919, %min3A_920, %max3A_921 : vector<32x128xi1>, vector<32x128xf32>
    %slice3A_923 = vector.extract_strided_slice %select_n3A_922 {offsets = [1, 0], sizes = [31, 128], strides = [1, 1]} : vector<32x128xf32> to vector<31x128xf32>
    %slice3A_924 = vector.extract_strided_slice %select_n3A_922 {offsets = [0, 0], sizes = [1, 128], strides = [1, 1]} : vector<32x128xf32> to vector<1x128xf32>
    %concatenate3A_925 = tpu.concatenate %slice3A_923, %slice3A_924 in 0 : vector<31x128xf32>, vector<1x128xf32> -> vector<32x128xf32>
    %slice3A_926 = vector.extract_strided_slice %select_n3A_922 {offsets = [31, 0], sizes = [1, 128], strides = [1, 1]} : vector<32x128xf32> to vector<1x128xf32>
    %slice3A_927 = vector.extract_strided_slice %select_n3A_922 {offsets = [0, 0], sizes = [31, 128], strides = [1, 1]} : vector<32x128xf32> to vector<31x128xf32>
    %concatenate3A_928 = tpu.concatenate %slice3A_926, %slice3A_927 in 0 : vector<1x128xf32>, vector<31x128xf32> -> vector<32x128xf32>
    %and3A_929 = arith.constant 128 : i32
    %and3A_930 = vector.broadcast %and3A_929 : i32 to vector<32x128xi32>
    %and3A_931 = arith.andi %add3A, %and3A_930 : vector<32x128xi32>
    %eq3A_932 = arith.constant 0 : i32
    %eq3A_933 = vector.broadcast %eq3A_932 : i32 to vector<32x128xi32>
    %eq3A_934 = arith.cmpi eq, %and3A_931, %eq3A_933 : vector<32x128xi32>
    %select_n3A_935 = arith.select %eq3A_934, %concatenate3A_925, %concatenate3A_928 : vector<32x128xi1>, vector<32x128xf32>
    %and3A_936 = arith.constant 512 : i32
    %and3A_937 = vector.broadcast %and3A_936 : i32 to vector<32x128xi32>
    %and3A_938 = arith.andi %add3A, %and3A_937 : vector<32x128xi32>
    %eq3A_939 = arith.constant 0 : i32
    %eq3A_940 = vector.broadcast %eq3A_939 : i32 to vector<32x128xi32>
    %eq3A_941 = arith.cmpi eq, %and3A_938, %eq3A_940 : vector<32x128xi32>
    %eq3A_942 = arith.xori %eq3A_934, %eq3A_941 : vector<32x128xi1>
    %eq3A_943 = arith.constant dense<true> : vector<32x128xi1>
    %eq3A_944 = arith.xori %eq3A_942, %eq3A_943 : vector<32x128xi1>
    %min3A_945 = arith.minimumf %select_n3A_922, %select_n3A_935 : vector<32x128xf32>
    %max3A_946 = arith.maximumf %select_n3A_922, %select_n3A_935 : vector<32x128xf32>
    %select_n3A_947 = arith.select %eq3A_944, %min3A_945, %max3A_946 : vector<32x128xi1>, vector<32x128xf32>
    %slice3A_948 = vector.extract_strided_slice %select_n3A_947 {offsets = [0, 64], sizes = [32, 64], strides = [1, 1]} : vector<32x128xf32> to vector<32x64xf32>
    %slice3A_949 = vector.extract_strided_slice %select_n3A_947 {offsets = [0, 0], sizes = [32, 64], strides = [1, 1]} : vector<32x128xf32> to vector<32x64xf32>
    %concatenate3A_950 = tpu.concatenate %slice3A_948, %slice3A_949 in 1 : vector<32x64xf32>, vector<32x64xf32> -> vector<32x128xf32>
    %slice3A_951 = vector.extract_strided_slice %select_n3A_947 {offsets = [0, 64], sizes = [32, 64], strides = [1, 1]} : vector<32x128xf32> to vector<32x64xf32>
    %slice3A_952 = vector.extract_strided_slice %select_n3A_947 {offsets = [0, 0], sizes = [32, 64], strides = [1, 1]} : vector<32x128xf32> to vector<32x64xf32>
    %concatenate3A_953 = tpu.concatenate %slice3A_951, %slice3A_952 in 1 : vector<32x64xf32>, vector<32x64xf32> -> vector<32x128xf32>
    %and3A_954 = arith.constant 64 : i32
    %and3A_955 = vector.broadcast %and3A_954 : i32 to vector<32x128xi32>
    %and3A_956 = arith.andi %add3A, %and3A_955 : vector<32x128xi32>
    %eq3A_957 = arith.constant 0 : i32
    %eq3A_958 = vector.broadcast %eq3A_957 : i32 to vector<32x128xi32>
    %eq3A_959 = arith.cmpi eq, %and3A_956, %eq3A_958 : vector<32x128xi32>
    %select_n3A_960 = arith.select %eq3A_959, %concatenate3A_950, %concatenate3A_953 : vector<32x128xi1>, vector<32x128xf32>
    %and3A_961 = arith.constant 512 : i32
    %and3A_962 = vector.broadcast %and3A_961 : i32 to vector<32x128xi32>
    %and3A_963 = arith.andi %add3A, %and3A_962 : vector<32x128xi32>
    %eq3A_964 = arith.constant 0 : i32
    %eq3A_965 = vector.broadcast %eq3A_964 : i32 to vector<32x128xi32>
    %eq3A_966 = arith.cmpi eq, %and3A_963, %eq3A_965 : vector<32x128xi32>
    %eq3A_967 = arith.xori %eq3A_959, %eq3A_966 : vector<32x128xi1>
    %eq3A_968 = arith.constant dense<true> : vector<32x128xi1>
    %eq3A_969 = arith.xori %eq3A_967, %eq3A_968 : vector<32x128xi1>
    %min3A_970 = arith.minimumf %select_n3A_947, %select_n3A_960 : vector<32x128xf32>
    %max3A_971 = arith.maximumf %select_n3A_947, %select_n3A_960 : vector<32x128xf32>
    %select_n3A_972 = arith.select %eq3A_969, %min3A_970, %max3A_971 : vector<32x128xi1>, vector<32x128xf32>
    %slice3A_973 = vector.extract_strided_slice %select_n3A_972 {offsets = [0, 32], sizes = [32, 96], strides = [1, 1]} : vector<32x128xf32> to vector<32x96xf32>
    %slice3A_974 = vector.extract_strided_slice %select_n3A_972 {offsets = [0, 0], sizes = [32, 32], strides = [1, 1]} : vector<32x128xf32> to vector<32x32xf32>
    %concatenate3A_975 = tpu.concatenate %slice3A_973, %slice3A_974 in 1 : vector<32x96xf32>, vector<32x32xf32> -> vector<32x128xf32>
    %slice3A_976 = vector.extract_strided_slice %select_n3A_972 {offsets = [0, 96], sizes = [32, 32], strides = [1, 1]} : vector<32x128xf32> to vector<32x32xf32>
    %slice3A_977 = vector.extract_strided_slice %select_n3A_972 {offsets = [0, 0], sizes = [32, 96], strides = [1, 1]} : vector<32x128xf32> to vector<32x96xf32>
    %concatenate3A_978 = tpu.concatenate %slice3A_976, %slice3A_977 in 1 : vector<32x32xf32>, vector<32x96xf32> -> vector<32x128xf32>
    %and3A_979 = arith.constant 32 : i32
    %and3A_980 = vector.broadcast %and3A_979 : i32 to vector<32x128xi32>
    %and3A_981 = arith.andi %add3A, %and3A_980 : vector<32x128xi32>
    %eq3A_982 = arith.constant 0 : i32
    %eq3A_983 = vector.broadcast %eq3A_982 : i32 to vector<32x128xi32>
    %eq3A_984 = arith.cmpi eq, %and3A_981, %eq3A_983 : vector<32x128xi32>
    %select_n3A_985 = arith.select %eq3A_984, %concatenate3A_975, %concatenate3A_978 : vector<32x128xi1>, vector<32x128xf32>
    %and3A_986 = arith.constant 512 : i32
    %and3A_987 = vector.broadcast %and3A_986 : i32 to vector<32x128xi32>
    %and3A_988 = arith.andi %add3A, %and3A_987 : vector<32x128xi32>
    %eq3A_989 = arith.constant 0 : i32
    %eq3A_990 = vector.broadcast %eq3A_989 : i32 to vector<32x128xi32>
    %eq3A_991 = arith.cmpi eq, %and3A_988, %eq3A_990 : vector<32x128xi32>
    %eq3A_992 = arith.xori %eq3A_984, %eq3A_991 : vector<32x128xi1>
    %eq3A_993 = arith.constant dense<true> : vector<32x128xi1>
    %eq3A_994 = arith.xori %eq3A_992, %eq3A_993 : vector<32x128xi1>
    %min3A_995 = arith.minimumf %select_n3A_972, %select_n3A_985 : vector<32x128xf32>
    %max3A_996 = arith.maximumf %select_n3A_972, %select_n3A_985 : vector<32x128xf32>
    %select_n3A_997 = arith.select %eq3A_994, %min3A_995, %max3A_996 : vector<32x128xi1>, vector<32x128xf32>
    %slice3A_998 = vector.extract_strided_slice %select_n3A_997 {offsets = [0, 16], sizes = [32, 112], strides = [1, 1]} : vector<32x128xf32> to vector<32x112xf32>
    %slice3A_999 = vector.extract_strided_slice %select_n3A_997 {offsets = [0, 0], sizes = [32, 16], strides = [1, 1]} : vector<32x128xf32> to vector<32x16xf32>
    %concatenate3A_1000 = tpu.concatenate %slice3A_998, %slice3A_999 in 1 : vector<32x112xf32>, vector<32x16xf32> -> vector<32x128xf32>
    %slice3A_1001 = vector.extract_strided_slice %select_n3A_997 {offsets = [0, 112], sizes = [32, 16], strides = [1, 1]} : vector<32x128xf32> to vector<32x16xf32>
    %slice3A_1002 = vector.extract_strided_slice %select_n3A_997 {offsets = [0, 0], sizes = [32, 112], strides = [1, 1]} : vector<32x128xf32> to vector<32x112xf32>
    %concatenate3A_1003 = tpu.concatenate %slice3A_1001, %slice3A_1002 in 1 : vector<32x16xf32>, vector<32x112xf32> -> vector<32x128xf32>
    %and3A_1004 = arith.constant 16 : i32
    %and3A_1005 = vector.broadcast %and3A_1004 : i32 to vector<32x128xi32>
    %and3A_1006 = arith.andi %add3A, %and3A_1005 : vector<32x128xi32>
    %eq3A_1007 = arith.constant 0 : i32
    %eq3A_1008 = vector.broadcast %eq3A_1007 : i32 to vector<32x128xi32>
    %eq3A_1009 = arith.cmpi eq, %and3A_1006, %eq3A_1008 : vector<32x128xi32>
    %select_n3A_1010 = arith.select %eq3A_1009, %concatenate3A_1000, %concatenate3A_1003 : vector<32x128xi1>, vector<32x128xf32>
    %and3A_1011 = arith.constant 512 : i32
    %and3A_1012 = vector.broadcast %and3A_1011 : i32 to vector<32x128xi32>
    %and3A_1013 = arith.andi %add3A, %and3A_1012 : vector<32x128xi32>
    %eq3A_1014 = arith.constant 0 : i32
    %eq3A_1015 = vector.broadcast %eq3A_1014 : i32 to vector<32x128xi32>
    %eq3A_1016 = arith.cmpi eq, %and3A_1013, %eq3A_1015 : vector<32x128xi32>
    %eq3A_1017 = arith.xori %eq3A_1009, %eq3A_1016 : vector<32x128xi1>
    %eq3A_1018 = arith.constant dense<true> : vector<32x128xi1>
    %eq3A_1019 = arith.xori %eq3A_1017, %eq3A_1018 : vector<32x128xi1>
    %min3A_1020 = arith.minimumf %select_n3A_997, %select_n3A_1010 : vector<32x128xf32>
    %max3A_1021 = arith.maximumf %select_n3A_997, %select_n3A_1010 : vector<32x128xf32>
    %select_n3A_1022 = arith.select %eq3A_1019, %min3A_1020, %max3A_1021 : vector<32x128xi1>, vector<32x128xf32>
    %slice3A_1023 = vector.extract_strided_slice %select_n3A_1022 {offsets = [0, 8], sizes = [32, 120], strides = [1, 1]} : vector<32x128xf32> to vector<32x120xf32>
    %slice3A_1024 = vector.extract_strided_slice %select_n3A_1022 {offsets = [0, 0], sizes = [32, 8], strides = [1, 1]} : vector<32x128xf32> to vector<32x8xf32>
    %concatenate3A_1025 = tpu.concatenate %slice3A_1023, %slice3A_1024 in 1 : vector<32x120xf32>, vector<32x8xf32> -> vector<32x128xf32>
    %slice3A_1026 = vector.extract_strided_slice %select_n3A_1022 {offsets = [0, 120], sizes = [32, 8], strides = [1, 1]} : vector<32x128xf32> to vector<32x8xf32>
    %slice3A_1027 = vector.extract_strided_slice %select_n3A_1022 {offsets = [0, 0], sizes = [32, 120], strides = [1, 1]} : vector<32x128xf32> to vector<32x120xf32>
    %concatenate3A_1028 = tpu.concatenate %slice3A_1026, %slice3A_1027 in 1 : vector<32x8xf32>, vector<32x120xf32> -> vector<32x128xf32>
    %and3A_1029 = arith.constant 8 : i32
    %and3A_1030 = vector.broadcast %and3A_1029 : i32 to vector<32x128xi32>
    %and3A_1031 = arith.andi %add3A, %and3A_1030 : vector<32x128xi32>
    %eq3A_1032 = arith.constant 0 : i32
    %eq3A_1033 = vector.broadcast %eq3A_1032 : i32 to vector<32x128xi32>
    %eq3A_1034 = arith.cmpi eq, %and3A_1031, %eq3A_1033 : vector<32x128xi32>
    %select_n3A_1035 = arith.select %eq3A_1034, %concatenate3A_1025, %concatenate3A_1028 : vector<32x128xi1>, vector<32x128xf32>
    %and3A_1036 = arith.constant 512 : i32
    %and3A_1037 = vector.broadcast %and3A_1036 : i32 to vector<32x128xi32>
    %and3A_1038 = arith.andi %add3A, %and3A_1037 : vector<32x128xi32>
    %eq3A_1039 = arith.constant 0 : i32
    %eq3A_1040 = vector.broadcast %eq3A_1039 : i32 to vector<32x128xi32>
    %eq3A_1041 = arith.cmpi eq, %and3A_1038, %eq3A_1040 : vector<32x128xi32>
    %eq3A_1042 = arith.xori %eq3A_1034, %eq3A_1041 : vector<32x128xi1>
    %eq3A_1043 = arith.constant dense<true> : vector<32x128xi1>
    %eq3A_1044 = arith.xori %eq3A_1042, %eq3A_1043 : vector<32x128xi1>
    %min3A_1045 = arith.minimumf %select_n3A_1022, %select_n3A_1035 : vector<32x128xf32>
    %max3A_1046 = arith.maximumf %select_n3A_1022, %select_n3A_1035 : vector<32x128xf32>
    %select_n3A_1047 = arith.select %eq3A_1044, %min3A_1045, %max3A_1046 : vector<32x128xi1>, vector<32x128xf32>
    %slice3A_1048 = vector.extract_strided_slice %select_n3A_1047 {offsets = [0, 4], sizes = [32, 124], strides = [1, 1]} : vector<32x128xf32> to vector<32x124xf32>
    %slice3A_1049 = vector.extract_strided_slice %select_n3A_1047 {offsets = [0, 0], sizes = [32, 4], strides = [1, 1]} : vector<32x128xf32> to vector<32x4xf32>
    %concatenate3A_1050 = tpu.concatenate %slice3A_1048, %slice3A_1049 in 1 : vector<32x124xf32>, vector<32x4xf32> -> vector<32x128xf32>
    %slice3A_1051 = vector.extract_strided_slice %select_n3A_1047 {offsets = [0, 124], sizes = [32, 4], strides = [1, 1]} : vector<32x128xf32> to vector<32x4xf32>
    %slice3A_1052 = vector.extract_strided_slice %select_n3A_1047 {offsets = [0, 0], sizes = [32, 124], strides = [1, 1]} : vector<32x128xf32> to vector<32x124xf32>
    %concatenate3A_1053 = tpu.concatenate %slice3A_1051, %slice3A_1052 in 1 : vector<32x4xf32>, vector<32x124xf32> -> vector<32x128xf32>
    %and3A_1054 = arith.constant 4 : i32
    %and3A_1055 = vector.broadcast %and3A_1054 : i32 to vector<32x128xi32>
    %and3A_1056 = arith.andi %add3A, %and3A_1055 : vector<32x128xi32>
    %eq3A_1057 = arith.constant 0 : i32
    %eq3A_1058 = vector.broadcast %eq3A_1057 : i32 to vector<32x128xi32>
    %eq3A_1059 = arith.cmpi eq, %and3A_1056, %eq3A_1058 : vector<32x128xi32>
    %select_n3A_1060 = arith.select %eq3A_1059, %concatenate3A_1050, %concatenate3A_1053 : vector<32x128xi1>, vector<32x128xf32>
    %and3A_1061 = arith.constant 512 : i32
    %and3A_1062 = vector.broadcast %and3A_1061 : i32 to vector<32x128xi32>
    %and3A_1063 = arith.andi %add3A, %and3A_1062 : vector<32x128xi32>
    %eq3A_1064 = arith.constant 0 : i32
    %eq3A_1065 = vector.broadcast %eq3A_1064 : i32 to vector<32x128xi32>
    %eq3A_1066 = arith.cmpi eq, %and3A_1063, %eq3A_1065 : vector<32x128xi32>
    %eq3A_1067 = arith.xori %eq3A_1059, %eq3A_1066 : vector<32x128xi1>
    %eq3A_1068 = arith.constant dense<true> : vector<32x128xi1>
    %eq3A_1069 = arith.xori %eq3A_1067, %eq3A_1068 : vector<32x128xi1>
    %min3A_1070 = arith.minimumf %select_n3A_1047, %select_n3A_1060 : vector<32x128xf32>
    %max3A_1071 = arith.maximumf %select_n3A_1047, %select_n3A_1060 : vector<32x128xf32>
    %select_n3A_1072 = arith.select %eq3A_1069, %min3A_1070, %max3A_1071 : vector<32x128xi1>, vector<32x128xf32>
    %slice3A_1073 = vector.extract_strided_slice %select_n3A_1072 {offsets = [0, 2], sizes = [32, 126], strides = [1, 1]} : vector<32x128xf32> to vector<32x126xf32>
    %slice3A_1074 = vector.extract_strided_slice %select_n3A_1072 {offsets = [0, 0], sizes = [32, 2], strides = [1, 1]} : vector<32x128xf32> to vector<32x2xf32>
    %concatenate3A_1075 = tpu.concatenate %slice3A_1073, %slice3A_1074 in 1 : vector<32x126xf32>, vector<32x2xf32> -> vector<32x128xf32>
    %slice3A_1076 = vector.extract_strided_slice %select_n3A_1072 {offsets = [0, 126], sizes = [32, 2], strides = [1, 1]} : vector<32x128xf32> to vector<32x2xf32>
    %slice3A_1077 = vector.extract_strided_slice %select_n3A_1072 {offsets = [0, 0], sizes = [32, 126], strides = [1, 1]} : vector<32x128xf32> to vector<32x126xf32>
    %concatenate3A_1078 = tpu.concatenate %slice3A_1076, %slice3A_1077 in 1 : vector<32x2xf32>, vector<32x126xf32> -> vector<32x128xf32>
    %and3A_1079 = arith.constant 2 : i32
    %and3A_1080 = vector.broadcast %and3A_1079 : i32 to vector<32x128xi32>
    %and3A_1081 = arith.andi %add3A, %and3A_1080 : vector<32x128xi32>
    %eq3A_1082 = arith.constant 0 : i32
    %eq3A_1083 = vector.broadcast %eq3A_1082 : i32 to vector<32x128xi32>
    %eq3A_1084 = arith.cmpi eq, %and3A_1081, %eq3A_1083 : vector<32x128xi32>
    %select_n3A_1085 = arith.select %eq3A_1084, %concatenate3A_1075, %concatenate3A_1078 : vector<32x128xi1>, vector<32x128xf32>
    %and3A_1086 = arith.constant 512 : i32
    %and3A_1087 = vector.broadcast %and3A_1086 : i32 to vector<32x128xi32>
    %and3A_1088 = arith.andi %add3A, %and3A_1087 : vector<32x128xi32>
    %eq3A_1089 = arith.constant 0 : i32
    %eq3A_1090 = vector.broadcast %eq3A_1089 : i32 to vector<32x128xi32>
    %eq3A_1091 = arith.cmpi eq, %and3A_1088, %eq3A_1090 : vector<32x128xi32>
    %eq3A_1092 = arith.xori %eq3A_1084, %eq3A_1091 : vector<32x128xi1>
    %eq3A_1093 = arith.constant dense<true> : vector<32x128xi1>
    %eq3A_1094 = arith.xori %eq3A_1092, %eq3A_1093 : vector<32x128xi1>
    %min3A_1095 = arith.minimumf %select_n3A_1072, %select_n3A_1085 : vector<32x128xf32>
    %max3A_1096 = arith.maximumf %select_n3A_1072, %select_n3A_1085 : vector<32x128xf32>
    %select_n3A_1097 = arith.select %eq3A_1094, %min3A_1095, %max3A_1096 : vector<32x128xi1>, vector<32x128xf32>
    %slice3A_1098 = vector.extract_strided_slice %select_n3A_1097 {offsets = [0, 1], sizes = [32, 127], strides = [1, 1]} : vector<32x128xf32> to vector<32x127xf32>
    %slice3A_1099 = vector.extract_strided_slice %select_n3A_1097 {offsets = [0, 0], sizes = [32, 1], strides = [1, 1]} : vector<32x128xf32> to vector<32x1xf32>
    %concatenate3A_1100 = tpu.concatenate %slice3A_1098, %slice3A_1099 in 1 : vector<32x127xf32>, vector<32x1xf32> -> vector<32x128xf32>
    %slice3A_1101 = vector.extract_strided_slice %select_n3A_1097 {offsets = [0, 127], sizes = [32, 1], strides = [1, 1]} : vector<32x128xf32> to vector<32x1xf32>
    %slice3A_1102 = vector.extract_strided_slice %select_n3A_1097 {offsets = [0, 0], sizes = [32, 127], strides = [1, 1]} : vector<32x128xf32> to vector<32x127xf32>
    %concatenate3A_1103 = tpu.concatenate %slice3A_1101, %slice3A_1102 in 1 : vector<32x1xf32>, vector<32x127xf32> -> vector<32x128xf32>
    %and3A_1104 = arith.constant 1 : i32
    %and3A_1105 = vector.broadcast %and3A_1104 : i32 to vector<32x128xi32>
    %and3A_1106 = arith.andi %add3A, %and3A_1105 : vector<32x128xi32>
    %eq3A_1107 = arith.constant 0 : i32
    %eq3A_1108 = vector.broadcast %eq3A_1107 : i32 to vector<32x128xi32>
    %eq3A_1109 = arith.cmpi eq, %and3A_1106, %eq3A_1108 : vector<32x128xi32>
    %select_n3A_1110 = arith.select %eq3A_1109, %concatenate3A_1100, %concatenate3A_1103 : vector<32x128xi1>, vector<32x128xf32>
    %and3A_1111 = arith.constant 512 : i32
    %and3A_1112 = vector.broadcast %and3A_1111 : i32 to vector<32x128xi32>
    %and3A_1113 = arith.andi %add3A, %and3A_1112 : vector<32x128xi32>
    %eq3A_1114 = arith.constant 0 : i32
    %eq3A_1115 = vector.broadcast %eq3A_1114 : i32 to vector<32x128xi32>
    %eq3A_1116 = arith.cmpi eq, %and3A_1113, %eq3A_1115 : vector<32x128xi32>
    %eq3A_1117 = arith.xori %eq3A_1109, %eq3A_1116 : vector<32x128xi1>
    %eq3A_1118 = arith.constant dense<true> : vector<32x128xi1>
    %eq3A_1119 = arith.xori %eq3A_1117, %eq3A_1118 : vector<32x128xi1>
    %min3A_1120 = arith.minimumf %select_n3A_1097, %select_n3A_1110 : vector<32x128xf32>
    %max3A_1121 = arith.maximumf %select_n3A_1097, %select_n3A_1110 : vector<32x128xf32>
    %select_n3A_1122 = arith.select %eq3A_1119, %min3A_1120, %max3A_1121 : vector<32x128xi1>, vector<32x128xf32>
    %slice3A_1123 = vector.extract_strided_slice %select_n3A_1122 {offsets = [4, 0], sizes = [28, 128], strides = [1, 1]} : vector<32x128xf32> to vector<28x128xf32>
    %slice3A_1124 = vector.extract_strided_slice %select_n3A_1122 {offsets = [0, 0], sizes = [4, 128], strides = [1, 1]} : vector<32x128xf32> to vector<4x128xf32>
    %concatenate3A_1125 = tpu.concatenate %slice3A_1123, %slice3A_1124 in 0 : vector<28x128xf32>, vector<4x128xf32> -> vector<32x128xf32>
    %slice3A_1126 = vector.extract_strided_slice %select_n3A_1122 {offsets = [28, 0], sizes = [4, 128], strides = [1, 1]} : vector<32x128xf32> to vector<4x128xf32>
    %slice3A_1127 = vector.extract_strided_slice %select_n3A_1122 {offsets = [0, 0], sizes = [28, 128], strides = [1, 1]} : vector<32x128xf32> to vector<28x128xf32>
    %concatenate3A_1128 = tpu.concatenate %slice3A_1126, %slice3A_1127 in 0 : vector<4x128xf32>, vector<28x128xf32> -> vector<32x128xf32>
    %and3A_1129 = arith.constant 512 : i32
    %and3A_1130 = vector.broadcast %and3A_1129 : i32 to vector<32x128xi32>
    %and3A_1131 = arith.andi %add3A, %and3A_1130 : vector<32x128xi32>
    %eq3A_1132 = arith.constant 0 : i32
    %eq3A_1133 = vector.broadcast %eq3A_1132 : i32 to vector<32x128xi32>
    %eq3A_1134 = arith.cmpi eq, %and3A_1131, %eq3A_1133 : vector<32x128xi32>
    %select_n3A_1135 = arith.select %eq3A_1134, %concatenate3A_1125, %concatenate3A_1128 : vector<32x128xi1>, vector<32x128xf32>
    %and3A_1136 = arith.constant 1024 : i32
    %and3A_1137 = vector.broadcast %and3A_1136 : i32 to vector<32x128xi32>
    %and3A_1138 = arith.andi %add3A, %and3A_1137 : vector<32x128xi32>
    %eq3A_1139 = arith.constant 0 : i32
    %eq3A_1140 = vector.broadcast %eq3A_1139 : i32 to vector<32x128xi32>
    %eq3A_1141 = arith.cmpi eq, %and3A_1138, %eq3A_1140 : vector<32x128xi32>
    %eq3A_1142 = arith.xori %eq3A_1134, %eq3A_1141 : vector<32x128xi1>
    %eq3A_1143 = arith.constant dense<true> : vector<32x128xi1>
    %eq3A_1144 = arith.xori %eq3A_1142, %eq3A_1143 : vector<32x128xi1>
    %min3A_1145 = arith.minimumf %select_n3A_1122, %select_n3A_1135 : vector<32x128xf32>
    %max3A_1146 = arith.maximumf %select_n3A_1122, %select_n3A_1135 : vector<32x128xf32>
    %select_n3A_1147 = arith.select %eq3A_1144, %min3A_1145, %max3A_1146 : vector<32x128xi1>, vector<32x128xf32>
    %slice3A_1148 = vector.extract_strided_slice %select_n3A_1147 {offsets = [2, 0], sizes = [30, 128], strides = [1, 1]} : vector<32x128xf32> to vector<30x128xf32>
    %slice3A_1149 = vector.extract_strided_slice %select_n3A_1147 {offsets = [0, 0], sizes = [2, 128], strides = [1, 1]} : vector<32x128xf32> to vector<2x128xf32>
    %concatenate3A_1150 = tpu.concatenate %slice3A_1148, %slice3A_1149 in 0 : vector<30x128xf32>, vector<2x128xf32> -> vector<32x128xf32>
    %slice3A_1151 = vector.extract_strided_slice %select_n3A_1147 {offsets = [30, 0], sizes = [2, 128], strides = [1, 1]} : vector<32x128xf32> to vector<2x128xf32>
    %slice3A_1152 = vector.extract_strided_slice %select_n3A_1147 {offsets = [0, 0], sizes = [30, 128], strides = [1, 1]} : vector<32x128xf32> to vector<30x128xf32>
    %concatenate3A_1153 = tpu.concatenate %slice3A_1151, %slice3A_1152 in 0 : vector<2x128xf32>, vector<30x128xf32> -> vector<32x128xf32>
    %and3A_1154 = arith.constant 256 : i32
    %and3A_1155 = vector.broadcast %and3A_1154 : i32 to vector<32x128xi32>
    %and3A_1156 = arith.andi %add3A, %and3A_1155 : vector<32x128xi32>
    %eq3A_1157 = arith.constant 0 : i32
    %eq3A_1158 = vector.broadcast %eq3A_1157 : i32 to vector<32x128xi32>
    %eq3A_1159 = arith.cmpi eq, %and3A_1156, %eq3A_1158 : vector<32x128xi32>
    %select_n3A_1160 = arith.select %eq3A_1159, %concatenate3A_1150, %concatenate3A_1153 : vector<32x128xi1>, vector<32x128xf32>
    %and3A_1161 = arith.constant 1024 : i32
    %and3A_1162 = vector.broadcast %and3A_1161 : i32 to vector<32x128xi32>
    %and3A_1163 = arith.andi %add3A, %and3A_1162 : vector<32x128xi32>
    %eq3A_1164 = arith.constant 0 : i32
    %eq3A_1165 = vector.broadcast %eq3A_1164 : i32 to vector<32x128xi32>
    %eq3A_1166 = arith.cmpi eq, %and3A_1163, %eq3A_1165 : vector<32x128xi32>
    %eq3A_1167 = arith.xori %eq3A_1159, %eq3A_1166 : vector<32x128xi1>
    %eq3A_1168 = arith.constant dense<true> : vector<32x128xi1>
    %eq3A_1169 = arith.xori %eq3A_1167, %eq3A_1168 : vector<32x128xi1>
    %min3A_1170 = arith.minimumf %select_n3A_1147, %select_n3A_1160 : vector<32x128xf32>
    %max3A_1171 = arith.maximumf %select_n3A_1147, %select_n3A_1160 : vector<32x128xf32>
    %select_n3A_1172 = arith.select %eq3A_1169, %min3A_1170, %max3A_1171 : vector<32x128xi1>, vector<32x128xf32>
    %slice3A_1173 = vector.extract_strided_slice %select_n3A_1172 {offsets = [1, 0], sizes = [31, 128], strides = [1, 1]} : vector<32x128xf32> to vector<31x128xf32>
    %slice3A_1174 = vector.extract_strided_slice %select_n3A_1172 {offsets = [0, 0], sizes = [1, 128], strides = [1, 1]} : vector<32x128xf32> to vector<1x128xf32>
    %concatenate3A_1175 = tpu.concatenate %slice3A_1173, %slice3A_1174 in 0 : vector<31x128xf32>, vector<1x128xf32> -> vector<32x128xf32>
    %slice3A_1176 = vector.extract_strided_slice %select_n3A_1172 {offsets = [31, 0], sizes = [1, 128], strides = [1, 1]} : vector<32x128xf32> to vector<1x128xf32>
    %slice3A_1177 = vector.extract_strided_slice %select_n3A_1172 {offsets = [0, 0], sizes = [31, 128], strides = [1, 1]} : vector<32x128xf32> to vector<31x128xf32>
    %concatenate3A_1178 = tpu.concatenate %slice3A_1176, %slice3A_1177 in 0 : vector<1x128xf32>, vector<31x128xf32> -> vector<32x128xf32>
    %and3A_1179 = arith.constant 128 : i32
    %and3A_1180 = vector.broadcast %and3A_1179 : i32 to vector<32x128xi32>
    %and3A_1181 = arith.andi %add3A, %and3A_1180 : vector<32x128xi32>
    %eq3A_1182 = arith.constant 0 : i32
    %eq3A_1183 = vector.broadcast %eq3A_1182 : i32 to vector<32x128xi32>
    %eq3A_1184 = arith.cmpi eq, %and3A_1181, %eq3A_1183 : vector<32x128xi32>
    %select_n3A_1185 = arith.select %eq3A_1184, %concatenate3A_1175, %concatenate3A_1178 : vector<32x128xi1>, vector<32x128xf32>
    %and3A_1186 = arith.constant 1024 : i32
    %and3A_1187 = vector.broadcast %and3A_1186 : i32 to vector<32x128xi32>
    %and3A_1188 = arith.andi %add3A, %and3A_1187 : vector<32x128xi32>
    %eq3A_1189 = arith.constant 0 : i32
    %eq3A_1190 = vector.broadcast %eq3A_1189 : i32 to vector<32x128xi32>
    %eq3A_1191 = arith.cmpi eq, %and3A_1188, %eq3A_1190 : vector<32x128xi32>
    %eq3A_1192 = arith.xori %eq3A_1184, %eq3A_1191 : vector<32x128xi1>
    %eq3A_1193 = arith.constant dense<true> : vector<32x128xi1>
    %eq3A_1194 = arith.xori %eq3A_1192, %eq3A_1193 : vector<32x128xi1>
    %min3A_1195 = arith.minimumf %select_n3A_1172, %select_n3A_1185 : vector<32x128xf32>
    %max3A_1196 = arith.maximumf %select_n3A_1172, %select_n3A_1185 : vector<32x128xf32>
    %select_n3A_1197 = arith.select %eq3A_1194, %min3A_1195, %max3A_1196 : vector<32x128xi1>, vector<32x128xf32>
    %slice3A_1198 = vector.extract_strided_slice %select_n3A_1197 {offsets = [0, 64], sizes = [32, 64], strides = [1, 1]} : vector<32x128xf32> to vector<32x64xf32>
    %slice3A_1199 = vector.extract_strided_slice %select_n3A_1197 {offsets = [0, 0], sizes = [32, 64], strides = [1, 1]} : vector<32x128xf32> to vector<32x64xf32>
    %concatenate3A_1200 = tpu.concatenate %slice3A_1198, %slice3A_1199 in 1 : vector<32x64xf32>, vector<32x64xf32> -> vector<32x128xf32>
    %slice3A_1201 = vector.extract_strided_slice %select_n3A_1197 {offsets = [0, 64], sizes = [32, 64], strides = [1, 1]} : vector<32x128xf32> to vector<32x64xf32>
    %slice3A_1202 = vector.extract_strided_slice %select_n3A_1197 {offsets = [0, 0], sizes = [32, 64], strides = [1, 1]} : vector<32x128xf32> to vector<32x64xf32>
    %concatenate3A_1203 = tpu.concatenate %slice3A_1201, %slice3A_1202 in 1 : vector<32x64xf32>, vector<32x64xf32> -> vector<32x128xf32>
    %and3A_1204 = arith.constant 64 : i32
    %and3A_1205 = vector.broadcast %and3A_1204 : i32 to vector<32x128xi32>
    %and3A_1206 = arith.andi %add3A, %and3A_1205 : vector<32x128xi32>
    %eq3A_1207 = arith.constant 0 : i32
    %eq3A_1208 = vector.broadcast %eq3A_1207 : i32 to vector<32x128xi32>
    %eq3A_1209 = arith.cmpi eq, %and3A_1206, %eq3A_1208 : vector<32x128xi32>
    %select_n3A_1210 = arith.select %eq3A_1209, %concatenate3A_1200, %concatenate3A_1203 : vector<32x128xi1>, vector<32x128xf32>
    %and3A_1211 = arith.constant 1024 : i32
    %and3A_1212 = vector.broadcast %and3A_1211 : i32 to vector<32x128xi32>
    %and3A_1213 = arith.andi %add3A, %and3A_1212 : vector<32x128xi32>
    %eq3A_1214 = arith.constant 0 : i32
    %eq3A_1215 = vector.broadcast %eq3A_1214 : i32 to vector<32x128xi32>
    %eq3A_1216 = arith.cmpi eq, %and3A_1213, %eq3A_1215 : vector<32x128xi32>
    %eq3A_1217 = arith.xori %eq3A_1209, %eq3A_1216 : vector<32x128xi1>
    %eq3A_1218 = arith.constant dense<true> : vector<32x128xi1>
    %eq3A_1219 = arith.xori %eq3A_1217, %eq3A_1218 : vector<32x128xi1>
    %min3A_1220 = arith.minimumf %select_n3A_1197, %select_n3A_1210 : vector<32x128xf32>
    %max3A_1221 = arith.maximumf %select_n3A_1197, %select_n3A_1210 : vector<32x128xf32>
    %select_n3A_1222 = arith.select %eq3A_1219, %min3A_1220, %max3A_1221 : vector<32x128xi1>, vector<32x128xf32>
    %slice3A_1223 = vector.extract_strided_slice %select_n3A_1222 {offsets = [0, 32], sizes = [32, 96], strides = [1, 1]} : vector<32x128xf32> to vector<32x96xf32>
    %slice3A_1224 = vector.extract_strided_slice %select_n3A_1222 {offsets = [0, 0], sizes = [32, 32], strides = [1, 1]} : vector<32x128xf32> to vector<32x32xf32>
    %concatenate3A_1225 = tpu.concatenate %slice3A_1223, %slice3A_1224 in 1 : vector<32x96xf32>, vector<32x32xf32> -> vector<32x128xf32>
    %slice3A_1226 = vector.extract_strided_slice %select_n3A_1222 {offsets = [0, 96], sizes = [32, 32], strides = [1, 1]} : vector<32x128xf32> to vector<32x32xf32>
    %slice3A_1227 = vector.extract_strided_slice %select_n3A_1222 {offsets = [0, 0], sizes = [32, 96], strides = [1, 1]} : vector<32x128xf32> to vector<32x96xf32>
    %concatenate3A_1228 = tpu.concatenate %slice3A_1226, %slice3A_1227 in 1 : vector<32x32xf32>, vector<32x96xf32> -> vector<32x128xf32>
    %and3A_1229 = arith.constant 32 : i32
    %and3A_1230 = vector.broadcast %and3A_1229 : i32 to vector<32x128xi32>
    %and3A_1231 = arith.andi %add3A, %and3A_1230 : vector<32x128xi32>
    %eq3A_1232 = arith.constant 0 : i32
    %eq3A_1233 = vector.broadcast %eq3A_1232 : i32 to vector<32x128xi32>
    %eq3A_1234 = arith.cmpi eq, %and3A_1231, %eq3A_1233 : vector<32x128xi32>
    %select_n3A_1235 = arith.select %eq3A_1234, %concatenate3A_1225, %concatenate3A_1228 : vector<32x128xi1>, vector<32x128xf32>
    %and3A_1236 = arith.constant 1024 : i32
    %and3A_1237 = vector.broadcast %and3A_1236 : i32 to vector<32x128xi32>
    %and3A_1238 = arith.andi %add3A, %and3A_1237 : vector<32x128xi32>
    %eq3A_1239 = arith.constant 0 : i32
    %eq3A_1240 = vector.broadcast %eq3A_1239 : i32 to vector<32x128xi32>
    %eq3A_1241 = arith.cmpi eq, %and3A_1238, %eq3A_1240 : vector<32x128xi32>
    %eq3A_1242 = arith.xori %eq3A_1234, %eq3A_1241 : vector<32x128xi1>
    %eq3A_1243 = arith.constant dense<true> : vector<32x128xi1>
    %eq3A_1244 = arith.xori %eq3A_1242, %eq3A_1243 : vector<32x128xi1>
    %min3A_1245 = arith.minimumf %select_n3A_1222, %select_n3A_1235 : vector<32x128xf32>
    %max3A_1246 = arith.maximumf %select_n3A_1222, %select_n3A_1235 : vector<32x128xf32>
    %select_n3A_1247 = arith.select %eq3A_1244, %min3A_1245, %max3A_1246 : vector<32x128xi1>, vector<32x128xf32>
    %slice3A_1248 = vector.extract_strided_slice %select_n3A_1247 {offsets = [0, 16], sizes = [32, 112], strides = [1, 1]} : vector<32x128xf32> to vector<32x112xf32>
    %slice3A_1249 = vector.extract_strided_slice %select_n3A_1247 {offsets = [0, 0], sizes = [32, 16], strides = [1, 1]} : vector<32x128xf32> to vector<32x16xf32>
    %concatenate3A_1250 = tpu.concatenate %slice3A_1248, %slice3A_1249 in 1 : vector<32x112xf32>, vector<32x16xf32> -> vector<32x128xf32>
    %slice3A_1251 = vector.extract_strided_slice %select_n3A_1247 {offsets = [0, 112], sizes = [32, 16], strides = [1, 1]} : vector<32x128xf32> to vector<32x16xf32>
    %slice3A_1252 = vector.extract_strided_slice %select_n3A_1247 {offsets = [0, 0], sizes = [32, 112], strides = [1, 1]} : vector<32x128xf32> to vector<32x112xf32>
    %concatenate3A_1253 = tpu.concatenate %slice3A_1251, %slice3A_1252 in 1 : vector<32x16xf32>, vector<32x112xf32> -> vector<32x128xf32>
    %and3A_1254 = arith.constant 16 : i32
    %and3A_1255 = vector.broadcast %and3A_1254 : i32 to vector<32x128xi32>
    %and3A_1256 = arith.andi %add3A, %and3A_1255 : vector<32x128xi32>
    %eq3A_1257 = arith.constant 0 : i32
    %eq3A_1258 = vector.broadcast %eq3A_1257 : i32 to vector<32x128xi32>
    %eq3A_1259 = arith.cmpi eq, %and3A_1256, %eq3A_1258 : vector<32x128xi32>
    %select_n3A_1260 = arith.select %eq3A_1259, %concatenate3A_1250, %concatenate3A_1253 : vector<32x128xi1>, vector<32x128xf32>
    %and3A_1261 = arith.constant 1024 : i32
    %and3A_1262 = vector.broadcast %and3A_1261 : i32 to vector<32x128xi32>
    %and3A_1263 = arith.andi %add3A, %and3A_1262 : vector<32x128xi32>
    %eq3A_1264 = arith.constant 0 : i32
    %eq3A_1265 = vector.broadcast %eq3A_1264 : i32 to vector<32x128xi32>
    %eq3A_1266 = arith.cmpi eq, %and3A_1263, %eq3A_1265 : vector<32x128xi32>
    %eq3A_1267 = arith.xori %eq3A_1259, %eq3A_1266 : vector<32x128xi1>
    %eq3A_1268 = arith.constant dense<true> : vector<32x128xi1>
    %eq3A_1269 = arith.xori %eq3A_1267, %eq3A_1268 : vector<32x128xi1>
    %min3A_1270 = arith.minimumf %select_n3A_1247, %select_n3A_1260 : vector<32x128xf32>
    %max3A_1271 = arith.maximumf %select_n3A_1247, %select_n3A_1260 : vector<32x128xf32>
    %select_n3A_1272 = arith.select %eq3A_1269, %min3A_1270, %max3A_1271 : vector<32x128xi1>, vector<32x128xf32>
    %slice3A_1273 = vector.extract_strided_slice %select_n3A_1272 {offsets = [0, 8], sizes = [32, 120], strides = [1, 1]} : vector<32x128xf32> to vector<32x120xf32>
    %slice3A_1274 = vector.extract_strided_slice %select_n3A_1272 {offsets = [0, 0], sizes = [32, 8], strides = [1, 1]} : vector<32x128xf32> to vector<32x8xf32>
    %concatenate3A_1275 = tpu.concatenate %slice3A_1273, %slice3A_1274 in 1 : vector<32x120xf32>, vector<32x8xf32> -> vector<32x128xf32>
    %slice3A_1276 = vector.extract_strided_slice %select_n3A_1272 {offsets = [0, 120], sizes = [32, 8], strides = [1, 1]} : vector<32x128xf32> to vector<32x8xf32>
    %slice3A_1277 = vector.extract_strided_slice %select_n3A_1272 {offsets = [0, 0], sizes = [32, 120], strides = [1, 1]} : vector<32x128xf32> to vector<32x120xf32>
    %concatenate3A_1278 = tpu.concatenate %slice3A_1276, %slice3A_1277 in 1 : vector<32x8xf32>, vector<32x120xf32> -> vector<32x128xf32>
    %and3A_1279 = arith.constant 8 : i32
    %and3A_1280 = vector.broadcast %and3A_1279 : i32 to vector<32x128xi32>
    %and3A_1281 = arith.andi %add3A, %and3A_1280 : vector<32x128xi32>
    %eq3A_1282 = arith.constant 0 : i32
    %eq3A_1283 = vector.broadcast %eq3A_1282 : i32 to vector<32x128xi32>
    %eq3A_1284 = arith.cmpi eq, %and3A_1281, %eq3A_1283 : vector<32x128xi32>
    %select_n3A_1285 = arith.select %eq3A_1284, %concatenate3A_1275, %concatenate3A_1278 : vector<32x128xi1>, vector<32x128xf32>
    %and3A_1286 = arith.constant 1024 : i32
    %and3A_1287 = vector.broadcast %and3A_1286 : i32 to vector<32x128xi32>
    %and3A_1288 = arith.andi %add3A, %and3A_1287 : vector<32x128xi32>
    %eq3A_1289 = arith.constant 0 : i32
    %eq3A_1290 = vector.broadcast %eq3A_1289 : i32 to vector<32x128xi32>
    %eq3A_1291 = arith.cmpi eq, %and3A_1288, %eq3A_1290 : vector<32x128xi32>
    %eq3A_1292 = arith.xori %eq3A_1284, %eq3A_1291 : vector<32x128xi1>
    %eq3A_1293 = arith.constant dense<true> : vector<32x128xi1>
    %eq3A_1294 = arith.xori %eq3A_1292, %eq3A_1293 : vector<32x128xi1>
    %min3A_1295 = arith.minimumf %select_n3A_1272, %select_n3A_1285 : vector<32x128xf32>
    %max3A_1296 = arith.maximumf %select_n3A_1272, %select_n3A_1285 : vector<32x128xf32>
    %select_n3A_1297 = arith.select %eq3A_1294, %min3A_1295, %max3A_1296 : vector<32x128xi1>, vector<32x128xf32>
    %slice3A_1298 = vector.extract_strided_slice %select_n3A_1297 {offsets = [0, 4], sizes = [32, 124], strides = [1, 1]} : vector<32x128xf32> to vector<32x124xf32>
    %slice3A_1299 = vector.extract_strided_slice %select_n3A_1297 {offsets = [0, 0], sizes = [32, 4], strides = [1, 1]} : vector<32x128xf32> to vector<32x4xf32>
    %concatenate3A_1300 = tpu.concatenate %slice3A_1298, %slice3A_1299 in 1 : vector<32x124xf32>, vector<32x4xf32> -> vector<32x128xf32>
    %slice3A_1301 = vector.extract_strided_slice %select_n3A_1297 {offsets = [0, 124], sizes = [32, 4], strides = [1, 1]} : vector<32x128xf32> to vector<32x4xf32>
    %slice3A_1302 = vector.extract_strided_slice %select_n3A_1297 {offsets = [0, 0], sizes = [32, 124], strides = [1, 1]} : vector<32x128xf32> to vector<32x124xf32>
    %concatenate3A_1303 = tpu.concatenate %slice3A_1301, %slice3A_1302 in 1 : vector<32x4xf32>, vector<32x124xf32> -> vector<32x128xf32>
    %and3A_1304 = arith.constant 4 : i32
    %and3A_1305 = vector.broadcast %and3A_1304 : i32 to vector<32x128xi32>
    %and3A_1306 = arith.andi %add3A, %and3A_1305 : vector<32x128xi32>
    %eq3A_1307 = arith.constant 0 : i32
    %eq3A_1308 = vector.broadcast %eq3A_1307 : i32 to vector<32x128xi32>
    %eq3A_1309 = arith.cmpi eq, %and3A_1306, %eq3A_1308 : vector<32x128xi32>
    %select_n3A_1310 = arith.select %eq3A_1309, %concatenate3A_1300, %concatenate3A_1303 : vector<32x128xi1>, vector<32x128xf32>
    %and3A_1311 = arith.constant 1024 : i32
    %and3A_1312 = vector.broadcast %and3A_1311 : i32 to vector<32x128xi32>
    %and3A_1313 = arith.andi %add3A, %and3A_1312 : vector<32x128xi32>
    %eq3A_1314 = arith.constant 0 : i32
    %eq3A_1315 = vector.broadcast %eq3A_1314 : i32 to vector<32x128xi32>
    %eq3A_1316 = arith.cmpi eq, %and3A_1313, %eq3A_1315 : vector<32x128xi32>
    %eq3A_1317 = arith.xori %eq3A_1309, %eq3A_1316 : vector<32x128xi1>
    %eq3A_1318 = arith.constant dense<true> : vector<32x128xi1>
    %eq3A_1319 = arith.xori %eq3A_1317, %eq3A_1318 : vector<32x128xi1>
    %min3A_1320 = arith.minimumf %select_n3A_1297, %select_n3A_1310 : vector<32x128xf32>
    %max3A_1321 = arith.maximumf %select_n3A_1297, %select_n3A_1310 : vector<32x128xf32>
    %select_n3A_1322 = arith.select %eq3A_1319, %min3A_1320, %max3A_1321 : vector<32x128xi1>, vector<32x128xf32>
    %slice3A_1323 = vector.extract_strided_slice %select_n3A_1322 {offsets = [0, 2], sizes = [32, 126], strides = [1, 1]} : vector<32x128xf32> to vector<32x126xf32>
    %slice3A_1324 = vector.extract_strided_slice %select_n3A_1322 {offsets = [0, 0], sizes = [32, 2], strides = [1, 1]} : vector<32x128xf32> to vector<32x2xf32>
    %concatenate3A_1325 = tpu.concatenate %slice3A_1323, %slice3A_1324 in 1 : vector<32x126xf32>, vector<32x2xf32> -> vector<32x128xf32>
    %slice3A_1326 = vector.extract_strided_slice %select_n3A_1322 {offsets = [0, 126], sizes = [32, 2], strides = [1, 1]} : vector<32x128xf32> to vector<32x2xf32>
    %slice3A_1327 = vector.extract_strided_slice %select_n3A_1322 {offsets = [0, 0], sizes = [32, 126], strides = [1, 1]} : vector<32x128xf32> to vector<32x126xf32>
    %concatenate3A_1328 = tpu.concatenate %slice3A_1326, %slice3A_1327 in 1 : vector<32x2xf32>, vector<32x126xf32> -> vector<32x128xf32>
    %and3A_1329 = arith.constant 2 : i32
    %and3A_1330 = vector.broadcast %and3A_1329 : i32 to vector<32x128xi32>
    %and3A_1331 = arith.andi %add3A, %and3A_1330 : vector<32x128xi32>
    %eq3A_1332 = arith.constant 0 : i32
    %eq3A_1333 = vector.broadcast %eq3A_1332 : i32 to vector<32x128xi32>
    %eq3A_1334 = arith.cmpi eq, %and3A_1331, %eq3A_1333 : vector<32x128xi32>
    %select_n3A_1335 = arith.select %eq3A_1334, %concatenate3A_1325, %concatenate3A_1328 : vector<32x128xi1>, vector<32x128xf32>
    %and3A_1336 = arith.constant 1024 : i32
    %and3A_1337 = vector.broadcast %and3A_1336 : i32 to vector<32x128xi32>
    %and3A_1338 = arith.andi %add3A, %and3A_1337 : vector<32x128xi32>
    %eq3A_1339 = arith.constant 0 : i32
    %eq3A_1340 = vector.broadcast %eq3A_1339 : i32 to vector<32x128xi32>
    %eq3A_1341 = arith.cmpi eq, %and3A_1338, %eq3A_1340 : vector<32x128xi32>
    %eq3A_1342 = arith.xori %eq3A_1334, %eq3A_1341 : vector<32x128xi1>
    %eq3A_1343 = arith.constant dense<true> : vector<32x128xi1>
    %eq3A_1344 = arith.xori %eq3A_1342, %eq3A_1343 : vector<32x128xi1>
    %min3A_1345 = arith.minimumf %select_n3A_1322, %select_n3A_1335 : vector<32x128xf32>
    %max3A_1346 = arith.maximumf %select_n3A_1322, %select_n3A_1335 : vector<32x128xf32>
    %select_n3A_1347 = arith.select %eq3A_1344, %min3A_1345, %max3A_1346 : vector<32x128xi1>, vector<32x128xf32>
    %slice3A_1348 = vector.extract_strided_slice %select_n3A_1347 {offsets = [0, 1], sizes = [32, 127], strides = [1, 1]} : vector<32x128xf32> to vector<32x127xf32>
    %slice3A_1349 = vector.extract_strided_slice %select_n3A_1347 {offsets = [0, 0], sizes = [32, 1], strides = [1, 1]} : vector<32x128xf32> to vector<32x1xf32>
    %concatenate3A_1350 = tpu.concatenate %slice3A_1348, %slice3A_1349 in 1 : vector<32x127xf32>, vector<32x1xf32> -> vector<32x128xf32>
    %slice3A_1351 = vector.extract_strided_slice %select_n3A_1347 {offsets = [0, 127], sizes = [32, 1], strides = [1, 1]} : vector<32x128xf32> to vector<32x1xf32>
    %slice3A_1352 = vector.extract_strided_slice %select_n3A_1347 {offsets = [0, 0], sizes = [32, 127], strides = [1, 1]} : vector<32x128xf32> to vector<32x127xf32>
    %concatenate3A_1353 = tpu.concatenate %slice3A_1351, %slice3A_1352 in 1 : vector<32x1xf32>, vector<32x127xf32> -> vector<32x128xf32>
    %and3A_1354 = arith.constant 1 : i32
    %and3A_1355 = vector.broadcast %and3A_1354 : i32 to vector<32x128xi32>
    %and3A_1356 = arith.andi %add3A, %and3A_1355 : vector<32x128xi32>
    %eq3A_1357 = arith.constant 0 : i32
    %eq3A_1358 = vector.broadcast %eq3A_1357 : i32 to vector<32x128xi32>
    %eq3A_1359 = arith.cmpi eq, %and3A_1356, %eq3A_1358 : vector<32x128xi32>
    %select_n3A_1360 = arith.select %eq3A_1359, %concatenate3A_1350, %concatenate3A_1353 : vector<32x128xi1>, vector<32x128xf32>
    %and3A_1361 = arith.constant 1024 : i32
    %and3A_1362 = vector.broadcast %and3A_1361 : i32 to vector<32x128xi32>
    %and3A_1363 = arith.andi %add3A, %and3A_1362 : vector<32x128xi32>
    %eq3A_1364 = arith.constant 0 : i32
    %eq3A_1365 = vector.broadcast %eq3A_1364 : i32 to vector<32x128xi32>
    %eq3A_1366 = arith.cmpi eq, %and3A_1363, %eq3A_1365 : vector<32x128xi32>
    %eq3A_1367 = arith.xori %eq3A_1359, %eq3A_1366 : vector<32x128xi1>
    %eq3A_1368 = arith.constant dense<true> : vector<32x128xi1>
    %eq3A_1369 = arith.xori %eq3A_1367, %eq3A_1368 : vector<32x128xi1>
    %min3A_1370 = arith.minimumf %select_n3A_1347, %select_n3A_1360 : vector<32x128xf32>
    %max3A_1371 = arith.maximumf %select_n3A_1347, %select_n3A_1360 : vector<32x128xf32>
    %select_n3A_1372 = arith.select %eq3A_1369, %min3A_1370, %max3A_1371 : vector<32x128xi1>, vector<32x128xf32>
    %slice3A_1373 = vector.extract_strided_slice %select_n3A_1372 {offsets = [8, 0], sizes = [24, 128], strides = [1, 1]} : vector<32x128xf32> to vector<24x128xf32>
    %slice3A_1374 = vector.extract_strided_slice %select_n3A_1372 {offsets = [0, 0], sizes = [8, 128], strides = [1, 1]} : vector<32x128xf32> to vector<8x128xf32>
    %concatenate3A_1375 = tpu.concatenate %slice3A_1373, %slice3A_1374 in 0 : vector<24x128xf32>, vector<8x128xf32> -> vector<32x128xf32>
    %slice3A_1376 = vector.extract_strided_slice %select_n3A_1372 {offsets = [24, 0], sizes = [8, 128], strides = [1, 1]} : vector<32x128xf32> to vector<8x128xf32>
    %slice3A_1377 = vector.extract_strided_slice %select_n3A_1372 {offsets = [0, 0], sizes = [24, 128], strides = [1, 1]} : vector<32x128xf32> to vector<24x128xf32>
    %concatenate3A_1378 = tpu.concatenate %slice3A_1376, %slice3A_1377 in 0 : vector<8x128xf32>, vector<24x128xf32> -> vector<32x128xf32>
    %and3A_1379 = arith.constant 1024 : i32
    %and3A_1380 = vector.broadcast %and3A_1379 : i32 to vector<32x128xi32>
    %and3A_1381 = arith.andi %add3A, %and3A_1380 : vector<32x128xi32>
    %eq3A_1382 = arith.constant 0 : i32
    %eq3A_1383 = vector.broadcast %eq3A_1382 : i32 to vector<32x128xi32>
    %eq3A_1384 = arith.cmpi eq, %and3A_1381, %eq3A_1383 : vector<32x128xi32>
    %select_n3A_1385 = arith.select %eq3A_1384, %concatenate3A_1375, %concatenate3A_1378 : vector<32x128xi1>, vector<32x128xf32>
    %and3A_1386 = arith.constant 2048 : i32
    %and3A_1387 = vector.broadcast %and3A_1386 : i32 to vector<32x128xi32>
    %and3A_1388 = arith.andi %add3A, %and3A_1387 : vector<32x128xi32>
    %eq3A_1389 = arith.constant 0 : i32
    %eq3A_1390 = vector.broadcast %eq3A_1389 : i32 to vector<32x128xi32>
    %eq3A_1391 = arith.cmpi eq, %and3A_1388, %eq3A_1390 : vector<32x128xi32>
    %eq3A_1392 = arith.xori %eq3A_1384, %eq3A_1391 : vector<32x128xi1>
    %eq3A_1393 = arith.constant dense<true> : vector<32x128xi1>
    %eq3A_1394 = arith.xori %eq3A_1392, %eq3A_1393 : vector<32x128xi1>
    %min3A_1395 = arith.minimumf %select_n3A_1372, %select_n3A_1385 : vector<32x128xf32>
    %max3A_1396 = arith.maximumf %select_n3A_1372, %select_n3A_1385 : vector<32x128xf32>
    %select_n3A_1397 = arith.select %eq3A_1394, %min3A_1395, %max3A_1396 : vector<32x128xi1>, vector<32x128xf32>
    %slice3A_1398 = vector.extract_strided_slice %select_n3A_1397 {offsets = [4, 0], sizes = [28, 128], strides = [1, 1]} : vector<32x128xf32> to vector<28x128xf32>
    %slice3A_1399 = vector.extract_strided_slice %select_n3A_1397 {offsets = [0, 0], sizes = [4, 128], strides = [1, 1]} : vector<32x128xf32> to vector<4x128xf32>
    %concatenate3A_1400 = tpu.concatenate %slice3A_1398, %slice3A_1399 in 0 : vector<28x128xf32>, vector<4x128xf32> -> vector<32x128xf32>
    %slice3A_1401 = vector.extract_strided_slice %select_n3A_1397 {offsets = [28, 0], sizes = [4, 128], strides = [1, 1]} : vector<32x128xf32> to vector<4x128xf32>
    %slice3A_1402 = vector.extract_strided_slice %select_n3A_1397 {offsets = [0, 0], sizes = [28, 128], strides = [1, 1]} : vector<32x128xf32> to vector<28x128xf32>
    %concatenate3A_1403 = tpu.concatenate %slice3A_1401, %slice3A_1402 in 0 : vector<4x128xf32>, vector<28x128xf32> -> vector<32x128xf32>
    %and3A_1404 = arith.constant 512 : i32
    %and3A_1405 = vector.broadcast %and3A_1404 : i32 to vector<32x128xi32>
    %and3A_1406 = arith.andi %add3A, %and3A_1405 : vector<32x128xi32>
    %eq3A_1407 = arith.constant 0 : i32
    %eq3A_1408 = vector.broadcast %eq3A_1407 : i32 to vector<32x128xi32>
    %eq3A_1409 = arith.cmpi eq, %and3A_1406, %eq3A_1408 : vector<32x128xi32>
    %select_n3A_1410 = arith.select %eq3A_1409, %concatenate3A_1400, %concatenate3A_1403 : vector<32x128xi1>, vector<32x128xf32>
    %and3A_1411 = arith.constant 2048 : i32
    %and3A_1412 = vector.broadcast %and3A_1411 : i32 to vector<32x128xi32>
    %and3A_1413 = arith.andi %add3A, %and3A_1412 : vector<32x128xi32>
    %eq3A_1414 = arith.constant 0 : i32
    %eq3A_1415 = vector.broadcast %eq3A_1414 : i32 to vector<32x128xi32>
    %eq3A_1416 = arith.cmpi eq, %and3A_1413, %eq3A_1415 : vector<32x128xi32>
    %eq3A_1417 = arith.xori %eq3A_1409, %eq3A_1416 : vector<32x128xi1>
    %eq3A_1418 = arith.constant dense<true> : vector<32x128xi1>
    %eq3A_1419 = arith.xori %eq3A_1417, %eq3A_1418 : vector<32x128xi1>
    %min3A_1420 = arith.minimumf %select_n3A_1397, %select_n3A_1410 : vector<32x128xf32>
    %max3A_1421 = arith.maximumf %select_n3A_1397, %select_n3A_1410 : vector<32x128xf32>
    %select_n3A_1422 = arith.select %eq3A_1419, %min3A_1420, %max3A_1421 : vector<32x128xi1>, vector<32x128xf32>
    %slice3A_1423 = vector.extract_strided_slice %select_n3A_1422 {offsets = [2, 0], sizes = [30, 128], strides = [1, 1]} : vector<32x128xf32> to vector<30x128xf32>
    %slice3A_1424 = vector.extract_strided_slice %select_n3A_1422 {offsets = [0, 0], sizes = [2, 128], strides = [1, 1]} : vector<32x128xf32> to vector<2x128xf32>
    %concatenate3A_1425 = tpu.concatenate %slice3A_1423, %slice3A_1424 in 0 : vector<30x128xf32>, vector<2x128xf32> -> vector<32x128xf32>
    %slice3A_1426 = vector.extract_strided_slice %select_n3A_1422 {offsets = [30, 0], sizes = [2, 128], strides = [1, 1]} : vector<32x128xf32> to vector<2x128xf32>
    %slice3A_1427 = vector.extract_strided_slice %select_n3A_1422 {offsets = [0, 0], sizes = [30, 128], strides = [1, 1]} : vector<32x128xf32> to vector<30x128xf32>
    %concatenate3A_1428 = tpu.concatenate %slice3A_1426, %slice3A_1427 in 0 : vector<2x128xf32>, vector<30x128xf32> -> vector<32x128xf32>
    %and3A_1429 = arith.constant 256 : i32
    %and3A_1430 = vector.broadcast %and3A_1429 : i32 to vector<32x128xi32>
    %and3A_1431 = arith.andi %add3A, %and3A_1430 : vector<32x128xi32>
    %eq3A_1432 = arith.constant 0 : i32
    %eq3A_1433 = vector.broadcast %eq3A_1432 : i32 to vector<32x128xi32>
    %eq3A_1434 = arith.cmpi eq, %and3A_1431, %eq3A_1433 : vector<32x128xi32>
    %select_n3A_1435 = arith.select %eq3A_1434, %concatenate3A_1425, %concatenate3A_1428 : vector<32x128xi1>, vector<32x128xf32>
    %and3A_1436 = arith.constant 2048 : i32
    %and3A_1437 = vector.broadcast %and3A_1436 : i32 to vector<32x128xi32>
    %and3A_1438 = arith.andi %add3A, %and3A_1437 : vector<32x128xi32>
    %eq3A_1439 = arith.constant 0 : i32
    %eq3A_1440 = vector.broadcast %eq3A_1439 : i32 to vector<32x128xi32>
    %eq3A_1441 = arith.cmpi eq, %and3A_1438, %eq3A_1440 : vector<32x128xi32>
    %eq3A_1442 = arith.xori %eq3A_1434, %eq3A_1441 : vector<32x128xi1>
    %eq3A_1443 = arith.constant dense<true> : vector<32x128xi1>
    %eq3A_1444 = arith.xori %eq3A_1442, %eq3A_1443 : vector<32x128xi1>
    %min3A_1445 = arith.minimumf %select_n3A_1422, %select_n3A_1435 : vector<32x128xf32>
    %max3A_1446 = arith.maximumf %select_n3A_1422, %select_n3A_1435 : vector<32x128xf32>
    %select_n3A_1447 = arith.select %eq3A_1444, %min3A_1445, %max3A_1446 : vector<32x128xi1>, vector<32x128xf32>
    %slice3A_1448 = vector.extract_strided_slice %select_n3A_1447 {offsets = [1, 0], sizes = [31, 128], strides = [1, 1]} : vector<32x128xf32> to vector<31x128xf32>
    %slice3A_1449 = vector.extract_strided_slice %select_n3A_1447 {offsets = [0, 0], sizes = [1, 128], strides = [1, 1]} : vector<32x128xf32> to vector<1x128xf32>
    %concatenate3A_1450 = tpu.concatenate %slice3A_1448, %slice3A_1449 in 0 : vector<31x128xf32>, vector<1x128xf32> -> vector<32x128xf32>
    %slice3A_1451 = vector.extract_strided_slice %select_n3A_1447 {offsets = [31, 0], sizes = [1, 128], strides = [1, 1]} : vector<32x128xf32> to vector<1x128xf32>
    %slice3A_1452 = vector.extract_strided_slice %select_n3A_1447 {offsets = [0, 0], sizes = [31, 128], strides = [1, 1]} : vector<32x128xf32> to vector<31x128xf32>
    %concatenate3A_1453 = tpu.concatenate %slice3A_1451, %slice3A_1452 in 0 : vector<1x128xf32>, vector<31x128xf32> -> vector<32x128xf32>
    %and3A_1454 = arith.constant 128 : i32
    %and3A_1455 = vector.broadcast %and3A_1454 : i32 to vector<32x128xi32>
    %and3A_1456 = arith.andi %add3A, %and3A_1455 : vector<32x128xi32>
    %eq3A_1457 = arith.constant 0 : i32
    %eq3A_1458 = vector.broadcast %eq3A_1457 : i32 to vector<32x128xi32>
    %eq3A_1459 = arith.cmpi eq, %and3A_1456, %eq3A_1458 : vector<32x128xi32>
    %select_n3A_1460 = arith.select %eq3A_1459, %concatenate3A_1450, %concatenate3A_1453 : vector<32x128xi1>, vector<32x128xf32>
    %and3A_1461 = arith.constant 2048 : i32
    %and3A_1462 = vector.broadcast %and3A_1461 : i32 to vector<32x128xi32>
    %and3A_1463 = arith.andi %add3A, %and3A_1462 : vector<32x128xi32>
    %eq3A_1464 = arith.constant 0 : i32
    %eq3A_1465 = vector.broadcast %eq3A_1464 : i32 to vector<32x128xi32>
    %eq3A_1466 = arith.cmpi eq, %and3A_1463, %eq3A_1465 : vector<32x128xi32>
    %eq3A_1467 = arith.xori %eq3A_1459, %eq3A_1466 : vector<32x128xi1>
    %eq3A_1468 = arith.constant dense<true> : vector<32x128xi1>
    %eq3A_1469 = arith.xori %eq3A_1467, %eq3A_1468 : vector<32x128xi1>
    %min3A_1470 = arith.minimumf %select_n3A_1447, %select_n3A_1460 : vector<32x128xf32>
    %max3A_1471 = arith.maximumf %select_n3A_1447, %select_n3A_1460 : vector<32x128xf32>
    %select_n3A_1472 = arith.select %eq3A_1469, %min3A_1470, %max3A_1471 : vector<32x128xi1>, vector<32x128xf32>
    %slice3A_1473 = vector.extract_strided_slice %select_n3A_1472 {offsets = [0, 64], sizes = [32, 64], strides = [1, 1]} : vector<32x128xf32> to vector<32x64xf32>
    %slice3A_1474 = vector.extract_strided_slice %select_n3A_1472 {offsets = [0, 0], sizes = [32, 64], strides = [1, 1]} : vector<32x128xf32> to vector<32x64xf32>
    %concatenate3A_1475 = tpu.concatenate %slice3A_1473, %slice3A_1474 in 1 : vector<32x64xf32>, vector<32x64xf32> -> vector<32x128xf32>
    %slice3A_1476 = vector.extract_strided_slice %select_n3A_1472 {offsets = [0, 64], sizes = [32, 64], strides = [1, 1]} : vector<32x128xf32> to vector<32x64xf32>
    %slice3A_1477 = vector.extract_strided_slice %select_n3A_1472 {offsets = [0, 0], sizes = [32, 64], strides = [1, 1]} : vector<32x128xf32> to vector<32x64xf32>
    %concatenate3A_1478 = tpu.concatenate %slice3A_1476, %slice3A_1477 in 1 : vector<32x64xf32>, vector<32x64xf32> -> vector<32x128xf32>
    %and3A_1479 = arith.constant 64 : i32
    %and3A_1480 = vector.broadcast %and3A_1479 : i32 to vector<32x128xi32>
    %and3A_1481 = arith.andi %add3A, %and3A_1480 : vector<32x128xi32>
    %eq3A_1482 = arith.constant 0 : i32
    %eq3A_1483 = vector.broadcast %eq3A_1482 : i32 to vector<32x128xi32>
    %eq3A_1484 = arith.cmpi eq, %and3A_1481, %eq3A_1483 : vector<32x128xi32>
    %select_n3A_1485 = arith.select %eq3A_1484, %concatenate3A_1475, %concatenate3A_1478 : vector<32x128xi1>, vector<32x128xf32>
    %and3A_1486 = arith.constant 2048 : i32
    %and3A_1487 = vector.broadcast %and3A_1486 : i32 to vector<32x128xi32>
    %and3A_1488 = arith.andi %add3A, %and3A_1487 : vector<32x128xi32>
    %eq3A_1489 = arith.constant 0 : i32
    %eq3A_1490 = vector.broadcast %eq3A_1489 : i32 to vector<32x128xi32>
    %eq3A_1491 = arith.cmpi eq, %and3A_1488, %eq3A_1490 : vector<32x128xi32>
    %eq3A_1492 = arith.xori %eq3A_1484, %eq3A_1491 : vector<32x128xi1>
    %eq3A_1493 = arith.constant dense<true> : vector<32x128xi1>
    %eq3A_1494 = arith.xori %eq3A_1492, %eq3A_1493 : vector<32x128xi1>
    %min3A_1495 = arith.minimumf %select_n3A_1472, %select_n3A_1485 : vector<32x128xf32>
    %max3A_1496 = arith.maximumf %select_n3A_1472, %select_n3A_1485 : vector<32x128xf32>
    %select_n3A_1497 = arith.select %eq3A_1494, %min3A_1495, %max3A_1496 : vector<32x128xi1>, vector<32x128xf32>
    %slice3A_1498 = vector.extract_strided_slice %select_n3A_1497 {offsets = [0, 32], sizes = [32, 96], strides = [1, 1]} : vector<32x128xf32> to vector<32x96xf32>
    %slice3A_1499 = vector.extract_strided_slice %select_n3A_1497 {offsets = [0, 0], sizes = [32, 32], strides = [1, 1]} : vector<32x128xf32> to vector<32x32xf32>
    %concatenate3A_1500 = tpu.concatenate %slice3A_1498, %slice3A_1499 in 1 : vector<32x96xf32>, vector<32x32xf32> -> vector<32x128xf32>
    %slice3A_1501 = vector.extract_strided_slice %select_n3A_1497 {offsets = [0, 96], sizes = [32, 32], strides = [1, 1]} : vector<32x128xf32> to vector<32x32xf32>
    %slice3A_1502 = vector.extract_strided_slice %select_n3A_1497 {offsets = [0, 0], sizes = [32, 96], strides = [1, 1]} : vector<32x128xf32> to vector<32x96xf32>
    %concatenate3A_1503 = tpu.concatenate %slice3A_1501, %slice3A_1502 in 1 : vector<32x32xf32>, vector<32x96xf32> -> vector<32x128xf32>
    %and3A_1504 = arith.constant 32 : i32
    %and3A_1505 = vector.broadcast %and3A_1504 : i32 to vector<32x128xi32>
    %and3A_1506 = arith.andi %add3A, %and3A_1505 : vector<32x128xi32>
    %eq3A_1507 = arith.constant 0 : i32
    %eq3A_1508 = vector.broadcast %eq3A_1507 : i32 to vector<32x128xi32>
    %eq3A_1509 = arith.cmpi eq, %and3A_1506, %eq3A_1508 : vector<32x128xi32>
    %select_n3A_1510 = arith.select %eq3A_1509, %concatenate3A_1500, %concatenate3A_1503 : vector<32x128xi1>, vector<32x128xf32>
    %and3A_1511 = arith.constant 2048 : i32
    %and3A_1512 = vector.broadcast %and3A_1511 : i32 to vector<32x128xi32>
    %and3A_1513 = arith.andi %add3A, %and3A_1512 : vector<32x128xi32>
    %eq3A_1514 = arith.constant 0 : i32
    %eq3A_1515 = vector.broadcast %eq3A_1514 : i32 to vector<32x128xi32>
    %eq3A_1516 = arith.cmpi eq, %and3A_1513, %eq3A_1515 : vector<32x128xi32>
    %eq3A_1517 = arith.xori %eq3A_1509, %eq3A_1516 : vector<32x128xi1>
    %eq3A_1518 = arith.constant dense<true> : vector<32x128xi1>
    %eq3A_1519 = arith.xori %eq3A_1517, %eq3A_1518 : vector<32x128xi1>
    %min3A_1520 = arith.minimumf %select_n3A_1497, %select_n3A_1510 : vector<32x128xf32>
    %max3A_1521 = arith.maximumf %select_n3A_1497, %select_n3A_1510 : vector<32x128xf32>
    %select_n3A_1522 = arith.select %eq3A_1519, %min3A_1520, %max3A_1521 : vector<32x128xi1>, vector<32x128xf32>
    %slice3A_1523 = vector.extract_strided_slice %select_n3A_1522 {offsets = [0, 16], sizes = [32, 112], strides = [1, 1]} : vector<32x128xf32> to vector<32x112xf32>
    %slice3A_1524 = vector.extract_strided_slice %select_n3A_1522 {offsets = [0, 0], sizes = [32, 16], strides = [1, 1]} : vector<32x128xf32> to vector<32x16xf32>
    %concatenate3A_1525 = tpu.concatenate %slice3A_1523, %slice3A_1524 in 1 : vector<32x112xf32>, vector<32x16xf32> -> vector<32x128xf32>
    %slice3A_1526 = vector.extract_strided_slice %select_n3A_1522 {offsets = [0, 112], sizes = [32, 16], strides = [1, 1]} : vector<32x128xf32> to vector<32x16xf32>
    %slice3A_1527 = vector.extract_strided_slice %select_n3A_1522 {offsets = [0, 0], sizes = [32, 112], strides = [1, 1]} : vector<32x128xf32> to vector<32x112xf32>
    %concatenate3A_1528 = tpu.concatenate %slice3A_1526, %slice3A_1527 in 1 : vector<32x16xf32>, vector<32x112xf32> -> vector<32x128xf32>
    %and3A_1529 = arith.constant 16 : i32
    %and3A_1530 = vector.broadcast %and3A_1529 : i32 to vector<32x128xi32>
    %and3A_1531 = arith.andi %add3A, %and3A_1530 : vector<32x128xi32>
    %eq3A_1532 = arith.constant 0 : i32
    %eq3A_1533 = vector.broadcast %eq3A_1532 : i32 to vector<32x128xi32>
    %eq3A_1534 = arith.cmpi eq, %and3A_1531, %eq3A_1533 : vector<32x128xi32>
    %select_n3A_1535 = arith.select %eq3A_1534, %concatenate3A_1525, %concatenate3A_1528 : vector<32x128xi1>, vector<32x128xf32>
    %and3A_1536 = arith.constant 2048 : i32
    %and3A_1537 = vector.broadcast %and3A_1536 : i32 to vector<32x128xi32>
    %and3A_1538 = arith.andi %add3A, %and3A_1537 : vector<32x128xi32>
    %eq3A_1539 = arith.constant 0 : i32
    %eq3A_1540 = vector.broadcast %eq3A_1539 : i32 to vector<32x128xi32>
    %eq3A_1541 = arith.cmpi eq, %and3A_1538, %eq3A_1540 : vector<32x128xi32>
    %eq3A_1542 = arith.xori %eq3A_1534, %eq3A_1541 : vector<32x128xi1>
    %eq3A_1543 = arith.constant dense<true> : vector<32x128xi1>
    %eq3A_1544 = arith.xori %eq3A_1542, %eq3A_1543 : vector<32x128xi1>
    %min3A_1545 = arith.minimumf %select_n3A_1522, %select_n3A_1535 : vector<32x128xf32>
    %max3A_1546 = arith.maximumf %select_n3A_1522, %select_n3A_1535 : vector<32x128xf32>
    %select_n3A_1547 = arith.select %eq3A_1544, %min3A_1545, %max3A_1546 : vector<32x128xi1>, vector<32x128xf32>
    %slice3A_1548 = vector.extract_strided_slice %select_n3A_1547 {offsets = [0, 8], sizes = [32, 120], strides = [1, 1]} : vector<32x128xf32> to vector<32x120xf32>
    %slice3A_1549 = vector.extract_strided_slice %select_n3A_1547 {offsets = [0, 0], sizes = [32, 8], strides = [1, 1]} : vector<32x128xf32> to vector<32x8xf32>
    %concatenate3A_1550 = tpu.concatenate %slice3A_1548, %slice3A_1549 in 1 : vector<32x120xf32>, vector<32x8xf32> -> vector<32x128xf32>
    %slice3A_1551 = vector.extract_strided_slice %select_n3A_1547 {offsets = [0, 120], sizes = [32, 8], strides = [1, 1]} : vector<32x128xf32> to vector<32x8xf32>
    %slice3A_1552 = vector.extract_strided_slice %select_n3A_1547 {offsets = [0, 0], sizes = [32, 120], strides = [1, 1]} : vector<32x128xf32> to vector<32x120xf32>
    %concatenate3A_1553 = tpu.concatenate %slice3A_1551, %slice3A_1552 in 1 : vector<32x8xf32>, vector<32x120xf32> -> vector<32x128xf32>
    %and3A_1554 = arith.constant 8 : i32
    %and3A_1555 = vector.broadcast %and3A_1554 : i32 to vector<32x128xi32>
    %and3A_1556 = arith.andi %add3A, %and3A_1555 : vector<32x128xi32>
    %eq3A_1557 = arith.constant 0 : i32
    %eq3A_1558 = vector.broadcast %eq3A_1557 : i32 to vector<32x128xi32>
    %eq3A_1559 = arith.cmpi eq, %and3A_1556, %eq3A_1558 : vector<32x128xi32>
    %select_n3A_1560 = arith.select %eq3A_1559, %concatenate3A_1550, %concatenate3A_1553 : vector<32x128xi1>, vector<32x128xf32>
    %and3A_1561 = arith.constant 2048 : i32
    %and3A_1562 = vector.broadcast %and3A_1561 : i32 to vector<32x128xi32>
    %and3A_1563 = arith.andi %add3A, %and3A_1562 : vector<32x128xi32>
    %eq3A_1564 = arith.constant 0 : i32
    %eq3A_1565 = vector.broadcast %eq3A_1564 : i32 to vector<32x128xi32>
    %eq3A_1566 = arith.cmpi eq, %and3A_1563, %eq3A_1565 : vector<32x128xi32>
    %eq3A_1567 = arith.xori %eq3A_1559, %eq3A_1566 : vector<32x128xi1>
    %eq3A_1568 = arith.constant dense<true> : vector<32x128xi1>
    %eq3A_1569 = arith.xori %eq3A_1567, %eq3A_1568 : vector<32x128xi1>
    %min3A_1570 = arith.minimumf %select_n3A_1547, %select_n3A_1560 : vector<32x128xf32>
    %max3A_1571 = arith.maximumf %select_n3A_1547, %select_n3A_1560 : vector<32x128xf32>
    %select_n3A_1572 = arith.select %eq3A_1569, %min3A_1570, %max3A_1571 : vector<32x128xi1>, vector<32x128xf32>
    %slice3A_1573 = vector.extract_strided_slice %select_n3A_1572 {offsets = [0, 4], sizes = [32, 124], strides = [1, 1]} : vector<32x128xf32> to vector<32x124xf32>
    %slice3A_1574 = vector.extract_strided_slice %select_n3A_1572 {offsets = [0, 0], sizes = [32, 4], strides = [1, 1]} : vector<32x128xf32> to vector<32x4xf32>
    %concatenate3A_1575 = tpu.concatenate %slice3A_1573, %slice3A_1574 in 1 : vector<32x124xf32>, vector<32x4xf32> -> vector<32x128xf32>
    %slice3A_1576 = vector.extract_strided_slice %select_n3A_1572 {offsets = [0, 124], sizes = [32, 4], strides = [1, 1]} : vector<32x128xf32> to vector<32x4xf32>
    %slice3A_1577 = vector.extract_strided_slice %select_n3A_1572 {offsets = [0, 0], sizes = [32, 124], strides = [1, 1]} : vector<32x128xf32> to vector<32x124xf32>
    %concatenate3A_1578 = tpu.concatenate %slice3A_1576, %slice3A_1577 in 1 : vector<32x4xf32>, vector<32x124xf32> -> vector<32x128xf32>
    %and3A_1579 = arith.constant 4 : i32
    %and3A_1580 = vector.broadcast %and3A_1579 : i32 to vector<32x128xi32>
    %and3A_1581 = arith.andi %add3A, %and3A_1580 : vector<32x128xi32>
    %eq3A_1582 = arith.constant 0 : i32
    %eq3A_1583 = vector.broadcast %eq3A_1582 : i32 to vector<32x128xi32>
    %eq3A_1584 = arith.cmpi eq, %and3A_1581, %eq3A_1583 : vector<32x128xi32>
    %select_n3A_1585 = arith.select %eq3A_1584, %concatenate3A_1575, %concatenate3A_1578 : vector<32x128xi1>, vector<32x128xf32>
    %and3A_1586 = arith.constant 2048 : i32
    %and3A_1587 = vector.broadcast %and3A_1586 : i32 to vector<32x128xi32>
    %and3A_1588 = arith.andi %add3A, %and3A_1587 : vector<32x128xi32>
    %eq3A_1589 = arith.constant 0 : i32
    %eq3A_1590 = vector.broadcast %eq3A_1589 : i32 to vector<32x128xi32>
    %eq3A_1591 = arith.cmpi eq, %and3A_1588, %eq3A_1590 : vector<32x128xi32>
    %eq3A_1592 = arith.xori %eq3A_1584, %eq3A_1591 : vector<32x128xi1>
    %eq3A_1593 = arith.constant dense<true> : vector<32x128xi1>
    %eq3A_1594 = arith.xori %eq3A_1592, %eq3A_1593 : vector<32x128xi1>
    %min3A_1595 = arith.minimumf %select_n3A_1572, %select_n3A_1585 : vector<32x128xf32>
    %max3A_1596 = arith.maximumf %select_n3A_1572, %select_n3A_1585 : vector<32x128xf32>
    %select_n3A_1597 = arith.select %eq3A_1594, %min3A_1595, %max3A_1596 : vector<32x128xi1>, vector<32x128xf32>
    %slice3A_1598 = vector.extract_strided_slice %select_n3A_1597 {offsets = [0, 2], sizes = [32, 126], strides = [1, 1]} : vector<32x128xf32> to vector<32x126xf32>
    %slice3A_1599 = vector.extract_strided_slice %select_n3A_1597 {offsets = [0, 0], sizes = [32, 2], strides = [1, 1]} : vector<32x128xf32> to vector<32x2xf32>
    %concatenate3A_1600 = tpu.concatenate %slice3A_1598, %slice3A_1599 in 1 : vector<32x126xf32>, vector<32x2xf32> -> vector<32x128xf32>
    %slice3A_1601 = vector.extract_strided_slice %select_n3A_1597 {offsets = [0, 126], sizes = [32, 2], strides = [1, 1]} : vector<32x128xf32> to vector<32x2xf32>
    %slice3A_1602 = vector.extract_strided_slice %select_n3A_1597 {offsets = [0, 0], sizes = [32, 126], strides = [1, 1]} : vector<32x128xf32> to vector<32x126xf32>
    %concatenate3A_1603 = tpu.concatenate %slice3A_1601, %slice3A_1602 in 1 : vector<32x2xf32>, vector<32x126xf32> -> vector<32x128xf32>
    %and3A_1604 = arith.constant 2 : i32
    %and3A_1605 = vector.broadcast %and3A_1604 : i32 to vector<32x128xi32>
    %and3A_1606 = arith.andi %add3A, %and3A_1605 : vector<32x128xi32>
    %eq3A_1607 = arith.constant 0 : i32
    %eq3A_1608 = vector.broadcast %eq3A_1607 : i32 to vector<32x128xi32>
    %eq3A_1609 = arith.cmpi eq, %and3A_1606, %eq3A_1608 : vector<32x128xi32>
    %select_n3A_1610 = arith.select %eq3A_1609, %concatenate3A_1600, %concatenate3A_1603 : vector<32x128xi1>, vector<32x128xf32>
    %and3A_1611 = arith.constant 2048 : i32
    %and3A_1612 = vector.broadcast %and3A_1611 : i32 to vector<32x128xi32>
    %and3A_1613 = arith.andi %add3A, %and3A_1612 : vector<32x128xi32>
    %eq3A_1614 = arith.constant 0 : i32
    %eq3A_1615 = vector.broadcast %eq3A_1614 : i32 to vector<32x128xi32>
    %eq3A_1616 = arith.cmpi eq, %and3A_1613, %eq3A_1615 : vector<32x128xi32>
    %eq3A_1617 = arith.xori %eq3A_1609, %eq3A_1616 : vector<32x128xi1>
    %eq3A_1618 = arith.constant dense<true> : vector<32x128xi1>
    %eq3A_1619 = arith.xori %eq3A_1617, %eq3A_1618 : vector<32x128xi1>
    %min3A_1620 = arith.minimumf %select_n3A_1597, %select_n3A_1610 : vector<32x128xf32>
    %max3A_1621 = arith.maximumf %select_n3A_1597, %select_n3A_1610 : vector<32x128xf32>
    %select_n3A_1622 = arith.select %eq3A_1619, %min3A_1620, %max3A_1621 : vector<32x128xi1>, vector<32x128xf32>
    %slice3A_1623 = vector.extract_strided_slice %select_n3A_1622 {offsets = [0, 1], sizes = [32, 127], strides = [1, 1]} : vector<32x128xf32> to vector<32x127xf32>
    %slice3A_1624 = vector.extract_strided_slice %select_n3A_1622 {offsets = [0, 0], sizes = [32, 1], strides = [1, 1]} : vector<32x128xf32> to vector<32x1xf32>
    %concatenate3A_1625 = tpu.concatenate %slice3A_1623, %slice3A_1624 in 1 : vector<32x127xf32>, vector<32x1xf32> -> vector<32x128xf32>
    %slice3A_1626 = vector.extract_strided_slice %select_n3A_1622 {offsets = [0, 127], sizes = [32, 1], strides = [1, 1]} : vector<32x128xf32> to vector<32x1xf32>
    %slice3A_1627 = vector.extract_strided_slice %select_n3A_1622 {offsets = [0, 0], sizes = [32, 127], strides = [1, 1]} : vector<32x128xf32> to vector<32x127xf32>
    %concatenate3A_1628 = tpu.concatenate %slice3A_1626, %slice3A_1627 in 1 : vector<32x1xf32>, vector<32x127xf32> -> vector<32x128xf32>
    %and3A_1629 = arith.constant 1 : i32
    %and3A_1630 = vector.broadcast %and3A_1629 : i32 to vector<32x128xi32>
    %and3A_1631 = arith.andi %add3A, %and3A_1630 : vector<32x128xi32>
    %eq3A_1632 = arith.constant 0 : i32
    %eq3A_1633 = vector.broadcast %eq3A_1632 : i32 to vector<32x128xi32>
    %eq3A_1634 = arith.cmpi eq, %and3A_1631, %eq3A_1633 : vector<32x128xi32>
    %select_n3A_1635 = arith.select %eq3A_1634, %concatenate3A_1625, %concatenate3A_1628 : vector<32x128xi1>, vector<32x128xf32>
    %and3A_1636 = arith.constant 2048 : i32
    %and3A_1637 = vector.broadcast %and3A_1636 : i32 to vector<32x128xi32>
    %and3A_1638 = arith.andi %add3A, %and3A_1637 : vector<32x128xi32>
    %eq3A_1639 = arith.constant 0 : i32
    %eq3A_1640 = vector.broadcast %eq3A_1639 : i32 to vector<32x128xi32>
    %eq3A_1641 = arith.cmpi eq, %and3A_1638, %eq3A_1640 : vector<32x128xi32>
    %eq3A_1642 = arith.xori %eq3A_1634, %eq3A_1641 : vector<32x128xi1>
    %eq3A_1643 = arith.constant dense<true> : vector<32x128xi1>
    %eq3A_1644 = arith.xori %eq3A_1642, %eq3A_1643 : vector<32x128xi1>
    %min3A_1645 = arith.minimumf %select_n3A_1622, %select_n3A_1635 : vector<32x128xf32>
    %max3A_1646 = arith.maximumf %select_n3A_1622, %select_n3A_1635 : vector<32x128xf32>
    %select_n3A_1647 = arith.select %eq3A_1644, %min3A_1645, %max3A_1646 : vector<32x128xi1>, vector<32x128xf32>
    %slice3A_1648 = vector.extract_strided_slice %select_n3A_1647 {offsets = [16, 0], sizes = [16, 128], strides = [1, 1]} : vector<32x128xf32> to vector<16x128xf32>
    %slice3A_1649 = vector.extract_strided_slice %select_n3A_1647 {offsets = [0, 0], sizes = [16, 128], strides = [1, 1]} : vector<32x128xf32> to vector<16x128xf32>
    %concatenate3A_1650 = tpu.concatenate %slice3A_1648, %slice3A_1649 in 0 : vector<16x128xf32>, vector<16x128xf32> -> vector<32x128xf32>
    %slice3A_1651 = vector.extract_strided_slice %select_n3A_1647 {offsets = [16, 0], sizes = [16, 128], strides = [1, 1]} : vector<32x128xf32> to vector<16x128xf32>
    %slice3A_1652 = vector.extract_strided_slice %select_n3A_1647 {offsets = [0, 0], sizes = [16, 128], strides = [1, 1]} : vector<32x128xf32> to vector<16x128xf32>
    %concatenate3A_1653 = tpu.concatenate %slice3A_1651, %slice3A_1652 in 0 : vector<16x128xf32>, vector<16x128xf32> -> vector<32x128xf32>
    %and3A_1654 = arith.constant 2048 : i32
    %and3A_1655 = vector.broadcast %and3A_1654 : i32 to vector<32x128xi32>
    %and3A_1656 = arith.andi %add3A, %and3A_1655 : vector<32x128xi32>
    %eq3A_1657 = arith.constant 0 : i32
    %eq3A_1658 = vector.broadcast %eq3A_1657 : i32 to vector<32x128xi32>
    %eq3A_1659 = arith.cmpi eq, %and3A_1656, %eq3A_1658 : vector<32x128xi32>
    %select_n3A_1660 = arith.select %eq3A_1659, %concatenate3A_1650, %concatenate3A_1653 : vector<32x128xi1>, vector<32x128xf32>
    %and3A_1661 = arith.constant 4096 : i32
    %and3A_1662 = vector.broadcast %and3A_1661 : i32 to vector<32x128xi32>
    %and3A_1663 = arith.andi %add3A, %and3A_1662 : vector<32x128xi32>
    %eq3A_1664 = arith.constant 0 : i32
    %eq3A_1665 = vector.broadcast %eq3A_1664 : i32 to vector<32x128xi32>
    %eq3A_1666 = arith.cmpi eq, %and3A_1663, %eq3A_1665 : vector<32x128xi32>
    %eq3A_1667 = arith.xori %eq3A_1659, %eq3A_1666 : vector<32x128xi1>
    %eq3A_1668 = arith.constant dense<true> : vector<32x128xi1>
    %eq3A_1669 = arith.xori %eq3A_1667, %eq3A_1668 : vector<32x128xi1>
    %min3A_1670 = arith.minimumf %select_n3A_1647, %select_n3A_1660 : vector<32x128xf32>
    %max3A_1671 = arith.maximumf %select_n3A_1647, %select_n3A_1660 : vector<32x128xf32>
    %select_n3A_1672 = arith.select %eq3A_1669, %min3A_1670, %max3A_1671 : vector<32x128xi1>, vector<32x128xf32>
    %slice3A_1673 = vector.extract_strided_slice %select_n3A_1672 {offsets = [8, 0], sizes = [24, 128], strides = [1, 1]} : vector<32x128xf32> to vector<24x128xf32>
    %slice3A_1674 = vector.extract_strided_slice %select_n3A_1672 {offsets = [0, 0], sizes = [8, 128], strides = [1, 1]} : vector<32x128xf32> to vector<8x128xf32>
    %concatenate3A_1675 = tpu.concatenate %slice3A_1673, %slice3A_1674 in 0 : vector<24x128xf32>, vector<8x128xf32> -> vector<32x128xf32>
    %slice3A_1676 = vector.extract_strided_slice %select_n3A_1672 {offsets = [24, 0], sizes = [8, 128], strides = [1, 1]} : vector<32x128xf32> to vector<8x128xf32>
    %slice3A_1677 = vector.extract_strided_slice %select_n3A_1672 {offsets = [0, 0], sizes = [24, 128], strides = [1, 1]} : vector<32x128xf32> to vector<24x128xf32>
    %concatenate3A_1678 = tpu.concatenate %slice3A_1676, %slice3A_1677 in 0 : vector<8x128xf32>, vector<24x128xf32> -> vector<32x128xf32>
    %and3A_1679 = arith.constant 1024 : i32
    %and3A_1680 = vector.broadcast %and3A_1679 : i32 to vector<32x128xi32>
    %and3A_1681 = arith.andi %add3A, %and3A_1680 : vector<32x128xi32>
    %eq3A_1682 = arith.constant 0 : i32
    %eq3A_1683 = vector.broadcast %eq3A_1682 : i32 to vector<32x128xi32>
    %eq3A_1684 = arith.cmpi eq, %and3A_1681, %eq3A_1683 : vector<32x128xi32>
    %select_n3A_1685 = arith.select %eq3A_1684, %concatenate3A_1675, %concatenate3A_1678 : vector<32x128xi1>, vector<32x128xf32>
    %and3A_1686 = arith.constant 4096 : i32
    %and3A_1687 = vector.broadcast %and3A_1686 : i32 to vector<32x128xi32>
    %and3A_1688 = arith.andi %add3A, %and3A_1687 : vector<32x128xi32>
    %eq3A_1689 = arith.constant 0 : i32
    %eq3A_1690 = vector.broadcast %eq3A_1689 : i32 to vector<32x128xi32>
    %eq3A_1691 = arith.cmpi eq, %and3A_1688, %eq3A_1690 : vector<32x128xi32>
    %eq3A_1692 = arith.xori %eq3A_1684, %eq3A_1691 : vector<32x128xi1>
    %eq3A_1693 = arith.constant dense<true> : vector<32x128xi1>
    %eq3A_1694 = arith.xori %eq3A_1692, %eq3A_1693 : vector<32x128xi1>
    %min3A_1695 = arith.minimumf %select_n3A_1672, %select_n3A_1685 : vector<32x128xf32>
    %max3A_1696 = arith.maximumf %select_n3A_1672, %select_n3A_1685 : vector<32x128xf32>
    %select_n3A_1697 = arith.select %eq3A_1694, %min3A_1695, %max3A_1696 : vector<32x128xi1>, vector<32x128xf32>
    %slice3A_1698 = vector.extract_strided_slice %select_n3A_1697 {offsets = [4, 0], sizes = [28, 128], strides = [1, 1]} : vector<32x128xf32> to vector<28x128xf32>
    %slice3A_1699 = vector.extract_strided_slice %select_n3A_1697 {offsets = [0, 0], sizes = [4, 128], strides = [1, 1]} : vector<32x128xf32> to vector<4x128xf32>
    %concatenate3A_1700 = tpu.concatenate %slice3A_1698, %slice3A_1699 in 0 : vector<28x128xf32>, vector<4x128xf32> -> vector<32x128xf32>
    %slice3A_1701 = vector.extract_strided_slice %select_n3A_1697 {offsets = [28, 0], sizes = [4, 128], strides = [1, 1]} : vector<32x128xf32> to vector<4x128xf32>
    %slice3A_1702 = vector.extract_strided_slice %select_n3A_1697 {offsets = [0, 0], sizes = [28, 128], strides = [1, 1]} : vector<32x128xf32> to vector<28x128xf32>
    %concatenate3A_1703 = tpu.concatenate %slice3A_1701, %slice3A_1702 in 0 : vector<4x128xf32>, vector<28x128xf32> -> vector<32x128xf32>
    %and3A_1704 = arith.constant 512 : i32
    %and3A_1705 = vector.broadcast %and3A_1704 : i32 to vector<32x128xi32>
    %and3A_1706 = arith.andi %add3A, %and3A_1705 : vector<32x128xi32>
    %eq3A_1707 = arith.constant 0 : i32
    %eq3A_1708 = vector.broadcast %eq3A_1707 : i32 to vector<32x128xi32>
    %eq3A_1709 = arith.cmpi eq, %and3A_1706, %eq3A_1708 : vector<32x128xi32>
    %select_n3A_1710 = arith.select %eq3A_1709, %concatenate3A_1700, %concatenate3A_1703 : vector<32x128xi1>, vector<32x128xf32>
    %and3A_1711 = arith.constant 4096 : i32
    %and3A_1712 = vector.broadcast %and3A_1711 : i32 to vector<32x128xi32>
    %and3A_1713 = arith.andi %add3A, %and3A_1712 : vector<32x128xi32>
    %eq3A_1714 = arith.constant 0 : i32
    %eq3A_1715 = vector.broadcast %eq3A_1714 : i32 to vector<32x128xi32>
    %eq3A_1716 = arith.cmpi eq, %and3A_1713, %eq3A_1715 : vector<32x128xi32>
    %eq3A_1717 = arith.xori %eq3A_1709, %eq3A_1716 : vector<32x128xi1>
    %eq3A_1718 = arith.constant dense<true> : vector<32x128xi1>
    %eq3A_1719 = arith.xori %eq3A_1717, %eq3A_1718 : vector<32x128xi1>
    %min3A_1720 = arith.minimumf %select_n3A_1697, %select_n3A_1710 : vector<32x128xf32>
    %max3A_1721 = arith.maximumf %select_n3A_1697, %select_n3A_1710 : vector<32x128xf32>
    %select_n3A_1722 = arith.select %eq3A_1719, %min3A_1720, %max3A_1721 : vector<32x128xi1>, vector<32x128xf32>
    %slice3A_1723 = vector.extract_strided_slice %select_n3A_1722 {offsets = [2, 0], sizes = [30, 128], strides = [1, 1]} : vector<32x128xf32> to vector<30x128xf32>
    %slice3A_1724 = vector.extract_strided_slice %select_n3A_1722 {offsets = [0, 0], sizes = [2, 128], strides = [1, 1]} : vector<32x128xf32> to vector<2x128xf32>
    %concatenate3A_1725 = tpu.concatenate %slice3A_1723, %slice3A_1724 in 0 : vector<30x128xf32>, vector<2x128xf32> -> vector<32x128xf32>
    %slice3A_1726 = vector.extract_strided_slice %select_n3A_1722 {offsets = [30, 0], sizes = [2, 128], strides = [1, 1]} : vector<32x128xf32> to vector<2x128xf32>
    %slice3A_1727 = vector.extract_strided_slice %select_n3A_1722 {offsets = [0, 0], sizes = [30, 128], strides = [1, 1]} : vector<32x128xf32> to vector<30x128xf32>
    %concatenate3A_1728 = tpu.concatenate %slice3A_1726, %slice3A_1727 in 0 : vector<2x128xf32>, vector<30x128xf32> -> vector<32x128xf32>
    %and3A_1729 = arith.constant 256 : i32
    %and3A_1730 = vector.broadcast %and3A_1729 : i32 to vector<32x128xi32>
    %and3A_1731 = arith.andi %add3A, %and3A_1730 : vector<32x128xi32>
    %eq3A_1732 = arith.constant 0 : i32
    %eq3A_1733 = vector.broadcast %eq3A_1732 : i32 to vector<32x128xi32>
    %eq3A_1734 = arith.cmpi eq, %and3A_1731, %eq3A_1733 : vector<32x128xi32>
    %select_n3A_1735 = arith.select %eq3A_1734, %concatenate3A_1725, %concatenate3A_1728 : vector<32x128xi1>, vector<32x128xf32>
    %and3A_1736 = arith.constant 4096 : i32
    %and3A_1737 = vector.broadcast %and3A_1736 : i32 to vector<32x128xi32>
    %and3A_1738 = arith.andi %add3A, %and3A_1737 : vector<32x128xi32>
    %eq3A_1739 = arith.constant 0 : i32
    %eq3A_1740 = vector.broadcast %eq3A_1739 : i32 to vector<32x128xi32>
    %eq3A_1741 = arith.cmpi eq, %and3A_1738, %eq3A_1740 : vector<32x128xi32>
    %eq3A_1742 = arith.xori %eq3A_1734, %eq3A_1741 : vector<32x128xi1>
    %eq3A_1743 = arith.constant dense<true> : vector<32x128xi1>
    %eq3A_1744 = arith.xori %eq3A_1742, %eq3A_1743 : vector<32x128xi1>
    %min3A_1745 = arith.minimumf %select_n3A_1722, %select_n3A_1735 : vector<32x128xf32>
    %max3A_1746 = arith.maximumf %select_n3A_1722, %select_n3A_1735 : vector<32x128xf32>
    %select_n3A_1747 = arith.select %eq3A_1744, %min3A_1745, %max3A_1746 : vector<32x128xi1>, vector<32x128xf32>
    %slice3A_1748 = vector.extract_strided_slice %select_n3A_1747 {offsets = [1, 0], sizes = [31, 128], strides = [1, 1]} : vector<32x128xf32> to vector<31x128xf32>
    %slice3A_1749 = vector.extract_strided_slice %select_n3A_1747 {offsets = [0, 0], sizes = [1, 128], strides = [1, 1]} : vector<32x128xf32> to vector<1x128xf32>
    %concatenate3A_1750 = tpu.concatenate %slice3A_1748, %slice3A_1749 in 0 : vector<31x128xf32>, vector<1x128xf32> -> vector<32x128xf32>
    %slice3A_1751 = vector.extract_strided_slice %select_n3A_1747 {offsets = [31, 0], sizes = [1, 128], strides = [1, 1]} : vector<32x128xf32> to vector<1x128xf32>
    %slice3A_1752 = vector.extract_strided_slice %select_n3A_1747 {offsets = [0, 0], sizes = [31, 128], strides = [1, 1]} : vector<32x128xf32> to vector<31x128xf32>
    %concatenate3A_1753 = tpu.concatenate %slice3A_1751, %slice3A_1752 in 0 : vector<1x128xf32>, vector<31x128xf32> -> vector<32x128xf32>
    %and3A_1754 = arith.constant 128 : i32
    %and3A_1755 = vector.broadcast %and3A_1754 : i32 to vector<32x128xi32>
    %and3A_1756 = arith.andi %add3A, %and3A_1755 : vector<32x128xi32>
    %eq3A_1757 = arith.constant 0 : i32
    %eq3A_1758 = vector.broadcast %eq3A_1757 : i32 to vector<32x128xi32>
    %eq3A_1759 = arith.cmpi eq, %and3A_1756, %eq3A_1758 : vector<32x128xi32>
    %select_n3A_1760 = arith.select %eq3A_1759, %concatenate3A_1750, %concatenate3A_1753 : vector<32x128xi1>, vector<32x128xf32>
    %and3A_1761 = arith.constant 4096 : i32
    %and3A_1762 = vector.broadcast %and3A_1761 : i32 to vector<32x128xi32>
    %and3A_1763 = arith.andi %add3A, %and3A_1762 : vector<32x128xi32>
    %eq3A_1764 = arith.constant 0 : i32
    %eq3A_1765 = vector.broadcast %eq3A_1764 : i32 to vector<32x128xi32>
    %eq3A_1766 = arith.cmpi eq, %and3A_1763, %eq3A_1765 : vector<32x128xi32>
    %eq3A_1767 = arith.xori %eq3A_1759, %eq3A_1766 : vector<32x128xi1>
    %eq3A_1768 = arith.constant dense<true> : vector<32x128xi1>
    %eq3A_1769 = arith.xori %eq3A_1767, %eq3A_1768 : vector<32x128xi1>
    %min3A_1770 = arith.minimumf %select_n3A_1747, %select_n3A_1760 : vector<32x128xf32>
    %max3A_1771 = arith.maximumf %select_n3A_1747, %select_n3A_1760 : vector<32x128xf32>
    %select_n3A_1772 = arith.select %eq3A_1769, %min3A_1770, %max3A_1771 : vector<32x128xi1>, vector<32x128xf32>
    %slice3A_1773 = vector.extract_strided_slice %select_n3A_1772 {offsets = [0, 64], sizes = [32, 64], strides = [1, 1]} : vector<32x128xf32> to vector<32x64xf32>
    %slice3A_1774 = vector.extract_strided_slice %select_n3A_1772 {offsets = [0, 0], sizes = [32, 64], strides = [1, 1]} : vector<32x128xf32> to vector<32x64xf32>
    %concatenate3A_1775 = tpu.concatenate %slice3A_1773, %slice3A_1774 in 1 : vector<32x64xf32>, vector<32x64xf32> -> vector<32x128xf32>
    %slice3A_1776 = vector.extract_strided_slice %select_n3A_1772 {offsets = [0, 64], sizes = [32, 64], strides = [1, 1]} : vector<32x128xf32> to vector<32x64xf32>
    %slice3A_1777 = vector.extract_strided_slice %select_n3A_1772 {offsets = [0, 0], sizes = [32, 64], strides = [1, 1]} : vector<32x128xf32> to vector<32x64xf32>
    %concatenate3A_1778 = tpu.concatenate %slice3A_1776, %slice3A_1777 in 1 : vector<32x64xf32>, vector<32x64xf32> -> vector<32x128xf32>
    %and3A_1779 = arith.constant 64 : i32
    %and3A_1780 = vector.broadcast %and3A_1779 : i32 to vector<32x128xi32>
    %and3A_1781 = arith.andi %add3A, %and3A_1780 : vector<32x128xi32>
    %eq3A_1782 = arith.constant 0 : i32
    %eq3A_1783 = vector.broadcast %eq3A_1782 : i32 to vector<32x128xi32>
    %eq3A_1784 = arith.cmpi eq, %and3A_1781, %eq3A_1783 : vector<32x128xi32>
    %select_n3A_1785 = arith.select %eq3A_1784, %concatenate3A_1775, %concatenate3A_1778 : vector<32x128xi1>, vector<32x128xf32>
    %and3A_1786 = arith.constant 4096 : i32
    %and3A_1787 = vector.broadcast %and3A_1786 : i32 to vector<32x128xi32>
    %and3A_1788 = arith.andi %add3A, %and3A_1787 : vector<32x128xi32>
    %eq3A_1789 = arith.constant 0 : i32
    %eq3A_1790 = vector.broadcast %eq3A_1789 : i32 to vector<32x128xi32>
    %eq3A_1791 = arith.cmpi eq, %and3A_1788, %eq3A_1790 : vector<32x128xi32>
    %eq3A_1792 = arith.xori %eq3A_1784, %eq3A_1791 : vector<32x128xi1>
    %eq3A_1793 = arith.constant dense<true> : vector<32x128xi1>
    %eq3A_1794 = arith.xori %eq3A_1792, %eq3A_1793 : vector<32x128xi1>
    %min3A_1795 = arith.minimumf %select_n3A_1772, %select_n3A_1785 : vector<32x128xf32>
    %max3A_1796 = arith.maximumf %select_n3A_1772, %select_n3A_1785 : vector<32x128xf32>
    %select_n3A_1797 = arith.select %eq3A_1794, %min3A_1795, %max3A_1796 : vector<32x128xi1>, vector<32x128xf32>
    %slice3A_1798 = vector.extract_strided_slice %select_n3A_1797 {offsets = [0, 32], sizes = [32, 96], strides = [1, 1]} : vector<32x128xf32> to vector<32x96xf32>
    %slice3A_1799 = vector.extract_strided_slice %select_n3A_1797 {offsets = [0, 0], sizes = [32, 32], strides = [1, 1]} : vector<32x128xf32> to vector<32x32xf32>
    %concatenate3A_1800 = tpu.concatenate %slice3A_1798, %slice3A_1799 in 1 : vector<32x96xf32>, vector<32x32xf32> -> vector<32x128xf32>
    %slice3A_1801 = vector.extract_strided_slice %select_n3A_1797 {offsets = [0, 96], sizes = [32, 32], strides = [1, 1]} : vector<32x128xf32> to vector<32x32xf32>
    %slice3A_1802 = vector.extract_strided_slice %select_n3A_1797 {offsets = [0, 0], sizes = [32, 96], strides = [1, 1]} : vector<32x128xf32> to vector<32x96xf32>
    %concatenate3A_1803 = tpu.concatenate %slice3A_1801, %slice3A_1802 in 1 : vector<32x32xf32>, vector<32x96xf32> -> vector<32x128xf32>
    %and3A_1804 = arith.constant 32 : i32
    %and3A_1805 = vector.broadcast %and3A_1804 : i32 to vector<32x128xi32>
    %and3A_1806 = arith.andi %add3A, %and3A_1805 : vector<32x128xi32>
    %eq3A_1807 = arith.constant 0 : i32
    %eq3A_1808 = vector.broadcast %eq3A_1807 : i32 to vector<32x128xi32>
    %eq3A_1809 = arith.cmpi eq, %and3A_1806, %eq3A_1808 : vector<32x128xi32>
    %select_n3A_1810 = arith.select %eq3A_1809, %concatenate3A_1800, %concatenate3A_1803 : vector<32x128xi1>, vector<32x128xf32>
    %and3A_1811 = arith.constant 4096 : i32
    %and3A_1812 = vector.broadcast %and3A_1811 : i32 to vector<32x128xi32>
    %and3A_1813 = arith.andi %add3A, %and3A_1812 : vector<32x128xi32>
    %eq3A_1814 = arith.constant 0 : i32
    %eq3A_1815 = vector.broadcast %eq3A_1814 : i32 to vector<32x128xi32>
    %eq3A_1816 = arith.cmpi eq, %and3A_1813, %eq3A_1815 : vector<32x128xi32>
    %eq3A_1817 = arith.xori %eq3A_1809, %eq3A_1816 : vector<32x128xi1>
    %eq3A_1818 = arith.constant dense<true> : vector<32x128xi1>
    %eq3A_1819 = arith.xori %eq3A_1817, %eq3A_1818 : vector<32x128xi1>
    %min3A_1820 = arith.minimumf %select_n3A_1797, %select_n3A_1810 : vector<32x128xf32>
    %max3A_1821 = arith.maximumf %select_n3A_1797, %select_n3A_1810 : vector<32x128xf32>
    %select_n3A_1822 = arith.select %eq3A_1819, %min3A_1820, %max3A_1821 : vector<32x128xi1>, vector<32x128xf32>
    %slice3A_1823 = vector.extract_strided_slice %select_n3A_1822 {offsets = [0, 16], sizes = [32, 112], strides = [1, 1]} : vector<32x128xf32> to vector<32x112xf32>
    %slice3A_1824 = vector.extract_strided_slice %select_n3A_1822 {offsets = [0, 0], sizes = [32, 16], strides = [1, 1]} : vector<32x128xf32> to vector<32x16xf32>
    %concatenate3A_1825 = tpu.concatenate %slice3A_1823, %slice3A_1824 in 1 : vector<32x112xf32>, vector<32x16xf32> -> vector<32x128xf32>
    %slice3A_1826 = vector.extract_strided_slice %select_n3A_1822 {offsets = [0, 112], sizes = [32, 16], strides = [1, 1]} : vector<32x128xf32> to vector<32x16xf32>
    %slice3A_1827 = vector.extract_strided_slice %select_n3A_1822 {offsets = [0, 0], sizes = [32, 112], strides = [1, 1]} : vector<32x128xf32> to vector<32x112xf32>
    %concatenate3A_1828 = tpu.concatenate %slice3A_1826, %slice3A_1827 in 1 : vector<32x16xf32>, vector<32x112xf32> -> vector<32x128xf32>
    %and3A_1829 = arith.constant 16 : i32
    %and3A_1830 = vector.broadcast %and3A_1829 : i32 to vector<32x128xi32>
    %and3A_1831 = arith.andi %add3A, %and3A_1830 : vector<32x128xi32>
    %eq3A_1832 = arith.constant 0 : i32
    %eq3A_1833 = vector.broadcast %eq3A_1832 : i32 to vector<32x128xi32>
    %eq3A_1834 = arith.cmpi eq, %and3A_1831, %eq3A_1833 : vector<32x128xi32>
    %select_n3A_1835 = arith.select %eq3A_1834, %concatenate3A_1825, %concatenate3A_1828 : vector<32x128xi1>, vector<32x128xf32>
    %and3A_1836 = arith.constant 4096 : i32
    %and3A_1837 = vector.broadcast %and3A_1836 : i32 to vector<32x128xi32>
    %and3A_1838 = arith.andi %add3A, %and3A_1837 : vector<32x128xi32>
    %eq3A_1839 = arith.constant 0 : i32
    %eq3A_1840 = vector.broadcast %eq3A_1839 : i32 to vector<32x128xi32>
    %eq3A_1841 = arith.cmpi eq, %and3A_1838, %eq3A_1840 : vector<32x128xi32>
    %eq3A_1842 = arith.xori %eq3A_1834, %eq3A_1841 : vector<32x128xi1>
    %eq3A_1843 = arith.constant dense<true> : vector<32x128xi1>
    %eq3A_1844 = arith.xori %eq3A_1842, %eq3A_1843 : vector<32x128xi1>
    %min3A_1845 = arith.minimumf %select_n3A_1822, %select_n3A_1835 : vector<32x128xf32>
    %max3A_1846 = arith.maximumf %select_n3A_1822, %select_n3A_1835 : vector<32x128xf32>
    %select_n3A_1847 = arith.select %eq3A_1844, %min3A_1845, %max3A_1846 : vector<32x128xi1>, vector<32x128xf32>
    %slice3A_1848 = vector.extract_strided_slice %select_n3A_1847 {offsets = [0, 8], sizes = [32, 120], strides = [1, 1]} : vector<32x128xf32> to vector<32x120xf32>
    %slice3A_1849 = vector.extract_strided_slice %select_n3A_1847 {offsets = [0, 0], sizes = [32, 8], strides = [1, 1]} : vector<32x128xf32> to vector<32x8xf32>
    %concatenate3A_1850 = tpu.concatenate %slice3A_1848, %slice3A_1849 in 1 : vector<32x120xf32>, vector<32x8xf32> -> vector<32x128xf32>
    %slice3A_1851 = vector.extract_strided_slice %select_n3A_1847 {offsets = [0, 120], sizes = [32, 8], strides = [1, 1]} : vector<32x128xf32> to vector<32x8xf32>
    %slice3A_1852 = vector.extract_strided_slice %select_n3A_1847 {offsets = [0, 0], sizes = [32, 120], strides = [1, 1]} : vector<32x128xf32> to vector<32x120xf32>
    %concatenate3A_1853 = tpu.concatenate %slice3A_1851, %slice3A_1852 in 1 : vector<32x8xf32>, vector<32x120xf32> -> vector<32x128xf32>
    %and3A_1854 = arith.constant 8 : i32
    %and3A_1855 = vector.broadcast %and3A_1854 : i32 to vector<32x128xi32>
    %and3A_1856 = arith.andi %add3A, %and3A_1855 : vector<32x128xi32>
    %eq3A_1857 = arith.constant 0 : i32
    %eq3A_1858 = vector.broadcast %eq3A_1857 : i32 to vector<32x128xi32>
    %eq3A_1859 = arith.cmpi eq, %and3A_1856, %eq3A_1858 : vector<32x128xi32>
    %select_n3A_1860 = arith.select %eq3A_1859, %concatenate3A_1850, %concatenate3A_1853 : vector<32x128xi1>, vector<32x128xf32>
    %and3A_1861 = arith.constant 4096 : i32
    %and3A_1862 = vector.broadcast %and3A_1861 : i32 to vector<32x128xi32>
    %and3A_1863 = arith.andi %add3A, %and3A_1862 : vector<32x128xi32>
    %eq3A_1864 = arith.constant 0 : i32
    %eq3A_1865 = vector.broadcast %eq3A_1864 : i32 to vector<32x128xi32>
    %eq3A_1866 = arith.cmpi eq, %and3A_1863, %eq3A_1865 : vector<32x128xi32>
    %eq3A_1867 = arith.xori %eq3A_1859, %eq3A_1866 : vector<32x128xi1>
    %eq3A_1868 = arith.constant dense<true> : vector<32x128xi1>
    %eq3A_1869 = arith.xori %eq3A_1867, %eq3A_1868 : vector<32x128xi1>
    %min3A_1870 = arith.minimumf %select_n3A_1847, %select_n3A_1860 : vector<32x128xf32>
    %max3A_1871 = arith.maximumf %select_n3A_1847, %select_n3A_1860 : vector<32x128xf32>
    %select_n3A_1872 = arith.select %eq3A_1869, %min3A_1870, %max3A_1871 : vector<32x128xi1>, vector<32x128xf32>
    %slice3A_1873 = vector.extract_strided_slice %select_n3A_1872 {offsets = [0, 4], sizes = [32, 124], strides = [1, 1]} : vector<32x128xf32> to vector<32x124xf32>
    %slice3A_1874 = vector.extract_strided_slice %select_n3A_1872 {offsets = [0, 0], sizes = [32, 4], strides = [1, 1]} : vector<32x128xf32> to vector<32x4xf32>
    %concatenate3A_1875 = tpu.concatenate %slice3A_1873, %slice3A_1874 in 1 : vector<32x124xf32>, vector<32x4xf32> -> vector<32x128xf32>
    %slice3A_1876 = vector.extract_strided_slice %select_n3A_1872 {offsets = [0, 124], sizes = [32, 4], strides = [1, 1]} : vector<32x128xf32> to vector<32x4xf32>
    %slice3A_1877 = vector.extract_strided_slice %select_n3A_1872 {offsets = [0, 0], sizes = [32, 124], strides = [1, 1]} : vector<32x128xf32> to vector<32x124xf32>
    %concatenate3A_1878 = tpu.concatenate %slice3A_1876, %slice3A_1877 in 1 : vector<32x4xf32>, vector<32x124xf32> -> vector<32x128xf32>
    %and3A_1879 = arith.constant 4 : i32
    %and3A_1880 = vector.broadcast %and3A_1879 : i32 to vector<32x128xi32>
    %and3A_1881 = arith.andi %add3A, %and3A_1880 : vector<32x128xi32>
    %eq3A_1882 = arith.constant 0 : i32
    %eq3A_1883 = vector.broadcast %eq3A_1882 : i32 to vector<32x128xi32>
    %eq3A_1884 = arith.cmpi eq, %and3A_1881, %eq3A_1883 : vector<32x128xi32>
    %select_n3A_1885 = arith.select %eq3A_1884, %concatenate3A_1875, %concatenate3A_1878 : vector<32x128xi1>, vector<32x128xf32>
    %and3A_1886 = arith.constant 4096 : i32
    %and3A_1887 = vector.broadcast %and3A_1886 : i32 to vector<32x128xi32>
    %and3A_1888 = arith.andi %add3A, %and3A_1887 : vector<32x128xi32>
    %eq3A_1889 = arith.constant 0 : i32
    %eq3A_1890 = vector.broadcast %eq3A_1889 : i32 to vector<32x128xi32>
    %eq3A_1891 = arith.cmpi eq, %and3A_1888, %eq3A_1890 : vector<32x128xi32>
    %eq3A_1892 = arith.xori %eq3A_1884, %eq3A_1891 : vector<32x128xi1>
    %eq3A_1893 = arith.constant dense<true> : vector<32x128xi1>
    %eq3A_1894 = arith.xori %eq3A_1892, %eq3A_1893 : vector<32x128xi1>
    %min3A_1895 = arith.minimumf %select_n3A_1872, %select_n3A_1885 : vector<32x128xf32>
    %max3A_1896 = arith.maximumf %select_n3A_1872, %select_n3A_1885 : vector<32x128xf32>
    %select_n3A_1897 = arith.select %eq3A_1894, %min3A_1895, %max3A_1896 : vector<32x128xi1>, vector<32x128xf32>
    %slice3A_1898 = vector.extract_strided_slice %select_n3A_1897 {offsets = [0, 2], sizes = [32, 126], strides = [1, 1]} : vector<32x128xf32> to vector<32x126xf32>
    %slice3A_1899 = vector.extract_strided_slice %select_n3A_1897 {offsets = [0, 0], sizes = [32, 2], strides = [1, 1]} : vector<32x128xf32> to vector<32x2xf32>
    %concatenate3A_1900 = tpu.concatenate %slice3A_1898, %slice3A_1899 in 1 : vector<32x126xf32>, vector<32x2xf32> -> vector<32x128xf32>
    %slice3A_1901 = vector.extract_strided_slice %select_n3A_1897 {offsets = [0, 126], sizes = [32, 2], strides = [1, 1]} : vector<32x128xf32> to vector<32x2xf32>
    %slice3A_1902 = vector.extract_strided_slice %select_n3A_1897 {offsets = [0, 0], sizes = [32, 126], strides = [1, 1]} : vector<32x128xf32> to vector<32x126xf32>
    %concatenate3A_1903 = tpu.concatenate %slice3A_1901, %slice3A_1902 in 1 : vector<32x2xf32>, vector<32x126xf32> -> vector<32x128xf32>
    %and3A_1904 = arith.constant 2 : i32
    %and3A_1905 = vector.broadcast %and3A_1904 : i32 to vector<32x128xi32>
    %and3A_1906 = arith.andi %add3A, %and3A_1905 : vector<32x128xi32>
    %eq3A_1907 = arith.constant 0 : i32
    %eq3A_1908 = vector.broadcast %eq3A_1907 : i32 to vector<32x128xi32>
    %eq3A_1909 = arith.cmpi eq, %and3A_1906, %eq3A_1908 : vector<32x128xi32>
    %select_n3A_1910 = arith.select %eq3A_1909, %concatenate3A_1900, %concatenate3A_1903 : vector<32x128xi1>, vector<32x128xf32>
    %and3A_1911 = arith.constant 4096 : i32
    %and3A_1912 = vector.broadcast %and3A_1911 : i32 to vector<32x128xi32>
    %and3A_1913 = arith.andi %add3A, %and3A_1912 : vector<32x128xi32>
    %eq3A_1914 = arith.constant 0 : i32
    %eq3A_1915 = vector.broadcast %eq3A_1914 : i32 to vector<32x128xi32>
    %eq3A_1916 = arith.cmpi eq, %and3A_1913, %eq3A_1915 : vector<32x128xi32>
    %eq3A_1917 = arith.xori %eq3A_1909, %eq3A_1916 : vector<32x128xi1>
    %eq3A_1918 = arith.constant dense<true> : vector<32x128xi1>
    %eq3A_1919 = arith.xori %eq3A_1917, %eq3A_1918 : vector<32x128xi1>
    %min3A_1920 = arith.minimumf %select_n3A_1897, %select_n3A_1910 : vector<32x128xf32>
    %max3A_1921 = arith.maximumf %select_n3A_1897, %select_n3A_1910 : vector<32x128xf32>
    %select_n3A_1922 = arith.select %eq3A_1919, %min3A_1920, %max3A_1921 : vector<32x128xi1>, vector<32x128xf32>
    %slice3A_1923 = vector.extract_strided_slice %select_n3A_1922 {offsets = [0, 1], sizes = [32, 127], strides = [1, 1]} : vector<32x128xf32> to vector<32x127xf32>
    %slice3A_1924 = vector.extract_strided_slice %select_n3A_1922 {offsets = [0, 0], sizes = [32, 1], strides = [1, 1]} : vector<32x128xf32> to vector<32x1xf32>
    %concatenate3A_1925 = tpu.concatenate %slice3A_1923, %slice3A_1924 in 1 : vector<32x127xf32>, vector<32x1xf32> -> vector<32x128xf32>
    %slice3A_1926 = vector.extract_strided_slice %select_n3A_1922 {offsets = [0, 127], sizes = [32, 1], strides = [1, 1]} : vector<32x128xf32> to vector<32x1xf32>
    %slice3A_1927 = vector.extract_strided_slice %select_n3A_1922 {offsets = [0, 0], sizes = [32, 127], strides = [1, 1]} : vector<32x128xf32> to vector<32x127xf32>
    %concatenate3A_1928 = tpu.concatenate %slice3A_1926, %slice3A_1927 in 1 : vector<32x1xf32>, vector<32x127xf32> -> vector<32x128xf32>
    %and3A_1929 = arith.constant 1 : i32
    %and3A_1930 = vector.broadcast %and3A_1929 : i32 to vector<32x128xi32>
    %and3A_1931 = arith.andi %add3A, %and3A_1930 : vector<32x128xi32>
    %eq3A_1932 = arith.constant 0 : i32
    %eq3A_1933 = vector.broadcast %eq3A_1932 : i32 to vector<32x128xi32>
    %eq3A_1934 = arith.cmpi eq, %and3A_1931, %eq3A_1933 : vector<32x128xi32>
    %select_n3A_1935 = arith.select %eq3A_1934, %concatenate3A_1925, %concatenate3A_1928 : vector<32x128xi1>, vector<32x128xf32>
    %and3A_1936 = arith.constant 4096 : i32
    %and3A_1937 = vector.broadcast %and3A_1936 : i32 to vector<32x128xi32>
    %and3A_1938 = arith.andi %add3A, %and3A_1937 : vector<32x128xi32>
    %eq3A_1939 = arith.constant 0 : i32
    %eq3A_1940 = vector.broadcast %eq3A_1939 : i32 to vector<32x128xi32>
    %eq3A_1941 = arith.cmpi eq, %and3A_1938, %eq3A_1940 : vector<32x128xi32>
    %eq3A_1942 = arith.xori %eq3A_1934, %eq3A_1941 : vector<32x128xi1>
    %eq3A_1943 = arith.constant dense<true> : vector<32x128xi1>
    %eq3A_1944 = arith.xori %eq3A_1942, %eq3A_1943 : vector<32x128xi1>
    %min3A_1945 = arith.minimumf %select_n3A_1922, %select_n3A_1935 : vector<32x128xf32>
    %max3A_1946 = arith.maximumf %select_n3A_1922, %select_n3A_1935 : vector<32x128xf32>
    %select_n3A_1947 = arith.select %eq3A_1944, %min3A_1945, %max3A_1946 : vector<32x128xi1>, vector<32x128xf32>
    %swap3A = arith.constant 0 : index
    %swap3A_1948 = arith.constant 0 : index
    %swap3A_1949 = vector.load %arg1[%swap3A, %swap3A_1948] : memref<32x128xf32, #tpu.memory_space<vmem>>, vector<32x128xf32>
    tpu.vector_store %arg1[%swap3A, %swap3A_1948], %select_n3A_1947 {strides = array<i32>} : memref<32x128xf32, #tpu.memory_space<vmem>>, vector<32x128xf32>,
    return
  }
}

</mosaic_0001>

<sc_bundles>
// kernel: kernel.5.cloned.1.call-start
scs
__scs_entry_jumppad:
0x0: {  	(pc) =	sbr.rel $0x88, $3  }
0x1: {  	(tag) =	ssettag $0x0;
	lr =	simm.s32 $0x1  }
0x2: {  	[smem:$0x3F9F] =	sst lr;
	_ =	strace $0xD0000000  }
0x3: {  	_ = 	snop  }
0x4: {  	_ = 	snop  }
0x5: {  	_ = 	snop  }
0x6: {  	_ = 	snop  }
0x7: {  	_ = 	snop  }
__scs_overlays_trampoline_lowered:
0x8: {  	[smem:$0x3FAE] =	sst s0  }
0x9: {  	[smem:$0x3FAF] =	sst s1  }
0xa: {  	[smem:$0x3FB0] =	sst s2  }
0xb: {  	[smem:$0x3FB1] =	sst s3  }
0xc: {  	[smem:$0x3FB2] =	sst s4  }
0xd: {  	[smem:$0x3FB3] =	sst s5  }
0xe: {  	[smem:$0x3FB4] =	sst s6  }
0xf: {  	[smem:$0x3FB5] =	sst s7  }
0x10: {  	[smem:$0x3FB6] =	sst s8  }
0x11: {  	[smem:$0x3FB7] =	sst s9;
	s0 =	simm.s32 @!p0 $0x0  }
0x12: {  	s1 =	sld [smem:$0x3F9D];
	s0 =	simm.s32 @p0 $0x1  }
0x13: {  	[smem:$0x3FB8] =	sst s0;
	s0 =	simm.s32 @!p1 $0x0  }
0x14: {  	s2 =	sld [smem:$0x3F9C];
	s0 =	simm.s32 @p1 $0x1  }
0x15: {  	[smem:$0x3FB9] =	sst s0;
	s0 =	simm.s32 @!p2 $0x0  }
0x16: {  	s3 =	sld [smem:$0x3FDB];
	s0 =	simm.s32 @p2 $0x1  }
0x17: {  	s4 =	simm.s32 $0x1BF5;
	[smem:$0x3FBB] =	sst s0  }
0x18: {  	s0 =	sld [smem:$0x3F9E];
	_ =	swait.ge [sflag:s4], $0x0  }
0x19: {  	s7 =	sld [smem:$0x3F9F]  }
0x1a: {  	s8 =	sadd.s32 $0xFFFFE003, lr  }
0x1b: {  	s9 =	sadd.s32 $0xFFFFFEF7, lr;
	s5 =	simm.s32 $0xFFFFFFFF;
	p2 =	slt.u32 s8, $0xFFFFF086  }
0x1c: {  	p1 =	slt.u32 s9, $0xF7A;
	s5 =	simm.s32 @!p2 $0x0  }
0x1d: {  	s5 =	simm.s32 @p1 $0x1;
	p0 =	seq.s32 s7, s2  }
0x1e: {  	s7 =	smul.u32 @!p0 $0xF7A, s2;
	p2 =	seq.s32 @!p0 s5, $0x0  }
0x1f: {  	s9 =	smul.u32 $0xF7A, s1;
	s8 =	simm.s32 @!p0 $0x1BF5;
	p2 =	por !p2, p0  }
0x20: {  	[sflag:s8] =	ssyncset.s32 @!p0 $0xFFFFF086;
	s6 =	sadd.s32 @!p0 s3, s7;
	s7 =	simm.s32 @!p0 $0x108  }
0x21: {  	s3 =	sadd.s32 s3, s9;
	s6 =	sadd.s32 @!p0 $0x88, s6;
	s7 =	simm.s32 @p2 $0x1082  }
0x22: {  	[simem:s7], [sflag:s8] =	dma.local @!p0 [hbm:s6], $0xF7A  }
0x23: {  	s9 =	sor.u32 $0xD0000000, s2;
	s6 =	simm.s32 $0x108;
	_ =	swait.ge @!p0 [sflag:s8], $0x0  }
0x24: {  	s3 =	sadd.s32 $0x88, s3;
	s6 =	simm.s32 @!p1 $0x1082;
	[sflag:s4] =	ssyncset.s32 $0xFFFFF086  }
0x25: {  	[simem:s6], [sflag:s4] =	dma.local [hbm:s3], $0xF7A  }
0x26: {  	[smem:$0x3F9F] =	sst s1;
	(tag) =	ssettag s2;
	_ =	strace s9  }
0x27: {  	s1 =	sld [smem:$0x3FAF]  }
0x28: {  	s2 =	sld [smem:$0x3FB0]  }
0x29: {  	s4 =	sld [smem:$0x3FB2]  }
0x2a: {  	p0 =	seq.s32 s5, $0x0;
	s5 =	sld [smem:$0x3FB3]  }
0x2b: {  	s6 =	sld [smem:$0x3FB4]  }
0x2c: {  	s7 =	sld [smem:$0x3FB5]  }
0x2d: {  	s3 =	simm.s32 $0x108;
	s8 =	sld [smem:$0x3FB6]  }
0x2e: {  	s3 =	simm.s32 @!p0 $0x1082;
	s9 =	sld [smem:$0x3FB7]  }
0x2f: {  	lr =	sadd.s32 s0, s3;
	s0 =	sld [smem:$0x3FAE]  }
0x30: {  	s3 =	sld [smem:$0x3FB1]  }
0x31: {  	[smem:$0x3FBA] =	sst s10  }
0x32: {  	s10 =	sld [smem:$0x3FB8];
	_ =	sdelay $0x3  }
0x33: {  	p0 =	seq.s32 s10, $0x1;
	s10 =	sld [smem:$0x3FBA];
	_ =	sdelay $0x3  }
0x34: {  	[smem:$0x3FBA] =	sst s10  }
0x35: {  	s10 =	sld [smem:$0x3FB9];
	_ =	sdelay $0x3  }
0x36: {  	p1 =	seq.s32 s10, $0x1;
	s10 =	sld [smem:$0x3FBA];
	_ =	sdelay $0x3  }
0x37: {  	[smem:$0x3FBA] =	sst s10  }
0x38: {  	s10 =	sld [smem:$0x3FBB]  }
0x39: {  	_ = 	snop;
	(pc) =	sbr.ind lr, $3  }
0x3a: {  	_ = 	snop  }
0x3b: {  	_ = 	snop  }
0x3c: {  	p2 =	seq.s32 s10, $0x1;
	s10 =	sld [smem:$0x3FBA]  }
0x3d: {  	_ =	shalt  }
0x3e: {  	_ =	shalt  }
0x3f: {  	_ =	shalt  }
0x40: {  	_ =	shalt  }
0x41: {  	_ =	shalt  }
0x42: {  	_ =	shalt  }
0x43: {  	_ =	shalt  }
0x44: {  	_ =	shalt  }
0x45: {  	_ =	shalt  }
0x46: {  	_ =	shalt  }
0x47: {  	_ =	shalt  }
0x48: {  	_ =	shalt  }
0x49: {  	_ =	shalt  }
0x4a: {  	_ =	shalt  }
0x4b: {  	_ =	shalt  }
0x4c: {  	_ =	shalt  }
0x4d: {  	_ =	shalt  }
0x4e: {  	_ =	shalt  }
0x4f: {  	_ =	shalt  }
0x50: {  	_ =	shalt  }
0x51: {  	_ =	shalt  }
0x52: {  	_ =	shalt  }
0x53: {  	_ =	shalt  }
0x54: {  	_ =	shalt  }
0x55: {  	_ =	shalt  }
0x56: {  	_ =	shalt  }
0x57: {  	_ =	shalt  }
0x58: {  	_ =	shalt  }
0x59: {  	_ =	shalt  }
0x5a: {  	_ =	shalt  }
0x5b: {  	_ =	shalt  }
0x5c: {  	_ =	shalt  }
0x5d: {  	_ =	shalt  }
0x5e: {  	_ =	shalt  }
0x5f: {  	_ =	shalt  }
0x60: {  	_ =	shalt  }
0x61: {  	_ =	shalt  }
0x62: {  	_ =	shalt  }
0x63: {  	_ =	shalt  }
0x64: {  	_ =	shalt  }
0x65: {  	_ =	shalt  }
0x66: {  	_ =	shalt  }
0x67: {  	_ =	shalt  }
0x68: {  	_ =	shalt  }
0x69: {  	_ =	shalt  }
0x6a: {  	_ =	shalt  }
0x6b: {  	_ =	shalt  }
0x6c: {  	_ =	shalt  }
0x6d: {  	_ =	shalt  }
0x6e: {  	_ =	shalt  }
0x6f: {  	_ =	shalt  }
0x70: {  	_ =	shalt  }
0x71: {  	_ =	shalt  }
0x72: {  	_ =	shalt  }
0x73: {  	_ =	shalt  }
0x74: {  	_ =	shalt  }
0x75: {  	_ =	shalt  }
0x76: {  	_ =	shalt  }
0x77: {  	_ =	shalt  }
0x78: {  	_ =	shalt  }
0x79: {  	_ =	shalt  }
0x7a: {  	_ =	shalt  }
0x7b: {  	_ =	shalt  }
0x7c: {  	_ =	shalt  }
0x7d: {  	_ =	shalt  }
0x7e: {  	_ =	shalt  }
0x7f: {  	_ =	shalt  }
0x80: {  	_ =	shalt  }
0x81: {  	_ =	shalt  }
0x82: {  	_ =	shalt  }
0x83: {  	_ =	shalt  }
0x84: {  	_ =	shalt  }
0x85: {  	_ =	shalt  }
0x86: {  	_ =	shalt  }
0x87: {  	_ =	shalt  }
.Lfunc_end0:
.L_simem_size_0:
called_computation_lowered:
.L_overlay_start_0:
0x88: {  	s2 =	sld [smem:$0x3FD9]  }
0x89: {  	s3 =	sld [smem:$0x3FFE];
	_ =	sdelay $0x1  }
0x8a: {  	s1 =	srdreg.scid  }
0x8b: {  	s0 =	sand.u32 $0x1, s1  }
0x8c: {  	s14 =	sshll.u32 s0, $0xA;
	s2 =	sadd.s32 s3, s2  }
0x8d: {  	s2 =	sadd.s32 s2, s14  }
0x8e: {  	[smem:$0x3FC6] =	sst s2  }
0x8f: {  	_ = 	snop  }
0x90: {  	s2 =	sld [smem:$0x3FD0];
	_ =	sdelay $0x2  }
0x91: {  	s15 =	simm.s32 $0xA;
	s4 =	simm.s32 $0x10  }
0x92: {  	[smem:s4], [sflag:s15] =	dma.local [hbm:s2], $0x1  }
0x93: {  	_ =	swait.eq [sflag:s15], $0x1  }
0x94: {  	[sflag:s15] =	ssyncset.done $0x0  }
0x95: {  	[sflag:s15] =	ssyncadd.s32 $0xFFFFFFFF  }
0x96: {  	s16 =	sld [smem:$0x11];
	(tm) =	ssettm $0x1  }
0x97: {  	s17 =	sld [smem:$0x3FFB];
	_ =	sdelay $0x3  }
0x98: {  	_ =	strace s17  }
0x99: {  	s3 =	sld [smem:$0x3FFC];
	_ =	sdelay $0x3  }
0x9a: {  	_ =	strace s3  }
0x9b: {  	s3 =	sld [smem:$0x3FFD];
	_ =	sdelay $0x3  }
0x9c: {  	_ =	strace s3  }
0x9d: {  	_ =	strace $0x8FFFFFFF  }
0x9e: {  	s18 =	sld [smem:$0x3FDB];
	_ =	sdelay $0x1  }
0x9f: {  	s19 =	simm.s32 $_scs_section_size  }
0xa0: {  	s5 =	simm.s32 $_size__tile_overlayer_lowered;
	s6 =	simm.s32 $_tile_overlayer_lowered  }
0xa1: {  	s22 =	simm.s32 $0x1BFF;
	s21 =	sshll.u32 s6, $0x1;
	s3 =	sadd.s32 s19, s18  }
0xa2: {  	s7 =	simm.s32 $0x0;
	s20 =	sshll.u32 s5, $0x1;
	s5 =	sadd.s32 s21, s3  }
0xa3: {  	[timem:s7], [sflag:s22] =	dma.local [hbm:s5], s20  }
0xa4: {  	_ =	swait.ge [sflag:s22], s20  }
0xa5: {  	s4 =	ssub.s32 $0x0, s20;
	[sflag:s22] =	ssyncset.done $0x0  }
0xa6: {  	[sflag:s22] =	ssyncadd.s32 s4;
	_ =	sdelay $0x1  }
0xa7: {  	s23 =	simm.s32 $0x1B8B  }
0xa8: {  	_ =	swait.ge [sflag:s23], $0x1  }
0xa9: {  	[sflag:s23] =	ssyncset.done $0x0  }
0xaa: {  	s25 =	simm.s32 $0x1B8E;
	s24 =	sld [smem:$0x3FFE];
	[sflag:s23] =	ssyncadd.s32 $0xFFFFFFFF  }
0xab: {  	s26 =	simm.s32 $execute0_lowered;
	[smem:$0x3FD2] =	sst s25  }
0xac: {  	s5 =	sshll.u32 s26, $0x1;
	_ =	strace $0x80000046;
	[dreg:$0x1] =	wrdreg $0xFFFFFFFF  }
0xad: {  	s28 =	simm.s32 $_size_execute0_lowered;
	s3 =	sadd.s32 s3, s5;
	[dreg:$0x0] =	wrdreg $0x0  }
0xae: {  	s5 =	sshll.u32 s28, $0x1;
	[dreg:$0x2] =	wrdreg s3  }
0xaf: {  	[dreg:$0x3] =	wrdreg s5  }
0xb0: {  	[dreg:$0x4] =	wrdreg $0xC0  }
0xb1: {  	_ =	task [dreg:s7], $0x5FFFF  }
0xb2: {  	[dreg:$0x1] =	wrdreg $0xFFFFFFFF  }
0xb3: {  	[dreg:$0x0] =	wrdreg $0x60  }
0xb4: {  	[dreg:$0x2] =	wrdreg s24  }
0xb5: {  	[dreg:$0x3] =	wrdreg s16  }
0xb6: {  	[dreg:$0x4] =	wrdreg $0x0  }
0xb7: {  	[dreg:$0x5] =	wrdreg $0x9  }
0xb8: {  	_ =	task.clear_ibuf [dreg:s7], $0x6FFFF;
	_ =	strace $0x90000046  }
0xb9: {  	s29 =	simm.s32 $0x9;
	_ =	strace $0x80000048  }
0xba: {  	_ =	swait.ge [sflag:s29], $0x1  }
0xbb: {  	[sflag:s29] =	ssyncadd.s32 $0xFFFFFFFF  }
0xbc: {  	_ =	strace $0x90000048  }
0xbd: {  	_ =	sfence  }
0xbe: {  	s30 =	sld [smem:$0x0];
	_ =	sdelay $0x2  }
0xbf: {  	s31 =	sshll.u32 s1, $0xD;
	s1 =	sshrl.u32 s1, $0x2  }
0xc0: {  	s3 =	sand.u32 $0x4000, s31;
	s1 =	sadd.s32 s1, s30  }
0xc1: {  	s0 =	sor.u32 s3, s0;
	s1 =	sshll.u32 s1, $0x11  }
0xc2: {  	s0 =	sor.u32 s1, s0  }
0xc3: {  	s0 =	sadd.s32 $0x8F2B, s0  }
0xc4: {  	[sflag:s0] =	ssyncadd.remote.s32 $0x1  }
0xc5: {  	_ =	sfence.sel $0xFFFF  }
0xc6: {  	[dreg:$0x0] =	wrdreg $0xFFFFFFFF;
	(pc) =	sbr.abs _section_cstart, $3  }
0xc7: {  	[dreg:$0x1] =	wrdreg $0xFFFFFFFF  }
0xc8: {  	_ =	task.clear_ibuf [dreg:s7], $0x2FFFF;
	_ =	strace $0x9FFFFFFF  }
0xc9: {  	(tm) =	ssettm $0x7FFFFFFF  }
tec
execute0_lowered:
.L_overlay_start_1:
0x0: {  	(tag) =	ssettag $0x1  }
0x1: {  	s0 =	rddreg [dreg:$0x0]  }
0x2: {  	s4 =	rddreg [dreg:$0x1]  }
0x3: {  	s1 =	rddreg [dreg:$0x2];
	s2 =	simm.s32 $0x0  }
0x4: {  	s24 =	srdreg.scid;
	s3 =	stileid.u32;
	s29 =	simm.s32 $0x1C01  }
0x5: {  	s30 =	simm.s32 $0x1;
	s31 =	simm.s32 $0x2;
	[smem:$0x7FF] =	sst s2  }
0x6: {  	s5 =	sand.u32 $0x1, s24;
	s2 =	sadd.s32 $0xA00, s0;
	s7 =	sshll.u32 s3, $0x11  }
0x7: {  	s11 =	sadd.s32 $0x1000, s1;
	s12 =	sadd.s32 $0x2000, s1;
	s13 =	sadd.s32 $0x3000, s1  }
0x8: {  	s14 =	sadd.s32 $0x4000, s1;
	s15 =	sadd.s32 $0x5000, s1;
	s16 =	sadd.s32 $0x6000, s1  }
0x9: {  	s17 =	sadd.s32 $0x7000, s1;
	s18 =	sadd.s32 $0x8000, s1;
	s19 =	sadd.s32 $0x9000, s1  }
0xa: {  	s20 =	sadd.s32 $0xA000, s1;
	s21 =	sadd.s32 $0xB000, s1;
	s22 =	sadd.s32 $0xC000, s1  }
0xb: {  	s23 =	sadd.s32 $0xD000, s1;
	s24 =	sadd.s32 $0xE000, s1;
	p0 =	sne.s32 s3, $0x0  }
0xc: {  	_ =	strace $0x80000047;
	s25 =	ssub.s32 $0x2, s5;
	s5 =	sshll.u32 s5, $0x10  }
0xd: {  	s26 =	sshrl.u32 s11, $0x3;
	s12 =	sshrl.u32 s12, $0x3;
	s13 =	sshrl.u32 s13, $0x3  }
0xe: {  	s14 =	sshrl.u32 s14, $0x3;
	s15 =	sshrl.u32 s15, $0x3;
	s16 =	sshrl.u32 s16, $0x3  }
0xf: {  	s17 =	sshrl.u32 s17, $0x3;
	s18 =	sshrl.u32 s18, $0x3;
	s19 =	sshrl.u32 s19, $0x3  }
0x10: {  	s20 =	sshrl.u32 s20, $0x3;
	s21 =	sshrl.u32 s21, $0x3;
	s22 =	sshrl.u32 s22, $0x3  }
0x11: {  	s23 =	sshrl.u32 s23, $0x3;
	s24 =	sshrl.u32 s24, $0x3;
	s6 =	sshrl.u32 s25, $0x1  }
.Ltmp0:
0x12: {  	s5 =	sor.u32 s5, s7;
	[dreg:$0x4] =	wrdreg s26;
	(pc) =	sbr.rel .LBB2_1-.Ltmp0, $4  }
0x13: {  	s0 =	ssub.s32 s25, s6;
	s25 =	sadd.s32 $0xF000, s1;
	s4 =	sadd.s32 s4, s5  }
0x14: {  	s5 =	sadd.s32 $0x2000, s4;
	s6 =	sadd.s32 $0x4000, s4;
	s7 =	sadd.s32 $0x6000, s4  }
0x15: {  	s8 =	sadd.s32 $0x8000, s4;
	s9 =	sadd.s32 $0xA000, s4;
	s10 =	smax.u32 s0, $0x1  }
0x16: {  	s25 =	sshrl.u32 s25, $0x3;
	s26 =	sadd.s32 $0xC000, s4;
	s28 =	sadd.s32 $0xE000, s4  }
.LBB2_3:
0x17: {  	s11 =	sshll.u32 s3, $0x6  }
0x18: {  	[bflag:$0x0] =	sbarrier.arrive $0xFFFF;
	s11 =	sor.u32 $0x1C02, s11  }
0x19: {  	[hbm:s4], [sflag:s11] =	dma.local [spmem:s0], $0x2000  }
0x1a: {  	[hbm:s5], [sflag:s11] =	dma.local [spmem:s0], $0x2000  }
0x1b: {  	[hbm:s6], [sflag:s11] =	dma.local [spmem:s0], $0x2000  }
0x1c: {  	[hbm:s7], [sflag:s11] =	dma.local [spmem:s0], $0x2000  }
0x1d: {  	[hbm:s8], [sflag:s11] =	dma.local [spmem:s0], $0x2000  }
0x1e: {  	[hbm:s9], [sflag:s11] =	dma.local [spmem:s0], $0x2000  }
0x1f: {  	[hbm:s26], [sflag:s11] =	dma.local [spmem:s0], $0x2000  }
0x20: {  	[hbm:s28], [sflag:s11] =	dma.local [spmem:s0], $0x2000  }
0x21: {  	_ =	swait.ge [sflag:s31], $0x2000  }
0x22: {  	[sflag:s31] =	ssyncset.done $0x0  }
0x23: {  	[sflag:s31] =	ssyncadd.s32 $0xFFFFE000  }
0x24: {  	_ =	swait.ge [sflag:s31], $0x2000  }
0x25: {  	[sflag:s31] =	ssyncset.done $0x0  }
0x26: {  	[sflag:s31] =	ssyncadd.s32 $0xFFFFE000  }
0x27: {  	_ =	swait.ge [sflag:s31], $0x2000  }
0x28: {  	[sflag:s31] =	ssyncset.done $0x0  }
0x29: {  	[sflag:s31] =	ssyncadd.s32 $0xFFFFE000  }
0x2a: {  	_ =	swait.ge [sflag:s31], $0x2000  }
0x2b: {  	[sflag:s31] =	ssyncset.done $0x0  }
0x2c: {  	[sflag:s31] =	ssyncadd.s32 $0xFFFFE000  }
0x2d: {  	_ =	swait.ge [sflag:s31], $0x2000  }
0x2e: {  	[sflag:s31] =	ssyncset.done $0x0  }
0x2f: {  	[sflag:s31] =	ssyncadd.s32 $0xFFFFE000  }
0x30: {  	_ =	swait.ge [sflag:s31], $0x2000  }
0x31: {  	[sflag:s31] =	ssyncset.done $0x0  }
0x32: {  	s10 =	sadd.s32 $0xFFFFFFFF, s10;
	[sflag:s31] =	ssyncadd.s32 $0xFFFFE000  }
0x33: {  	p1 =	sne.s32 s10, $0x0;
	_ =	swait.ge [sflag:s31], $0x2000  }
.Ltmp1:
0x34: {  	[sflag:s31] =	ssyncset.done $0x0;
	(pc) =	sbr.rel @!p1 .LBB2_4-.Ltmp1, $4  }
0x35: {  	[sflag:s31] =	ssyncadd.s32 $0xFFFFE000  }
0x36: {  	_ =	swait.ge [sflag:s31], $0x2000  }
0x37: {  	[sflag:s31] =	ssyncset.done $0x0  }
0x38: {  	[sflag:s31] =	ssyncadd.s32 $0xFFFFE000  }
.LBB2_1:
.Ltmp2:
0x39: {  	(pc) =	sbr.rel @p0 .LBB2_3-.Ltmp2, $2  }
0x3a: {  	_ =	sdelay $0x2  }
0x3b: {  	s0 =	sshrl.u32 s1, $0x3  }
0x3c: {  	[spmem:s0], [sflag:s29] =	dma.local [hbm:s2], $0x200  }
0x3d: {  	s11 =	rddreg [dreg:$0x4]  }
0x3e: {  	[spmem:s11], [sflag:s29] =	dma.local [hbm:s2], $0x200  }
0x3f: {  	[spmem:s12], [sflag:s29] =	dma.local [hbm:s2], $0x200  }
0x40: {  	[spmem:s13], [sflag:s29] =	dma.local [hbm:s2], $0x200  }
0x41: {  	[spmem:s14], [sflag:s29] =	dma.local [hbm:s2], $0x200  }
0x42: {  	[spmem:s15], [sflag:s29] =	dma.local [hbm:s2], $0x200  }
0x43: {  	[spmem:s16], [sflag:s29] =	dma.local [hbm:s2], $0x200  }
0x44: {  	[spmem:s17], [sflag:s29] =	dma.local [hbm:s2], $0x200  }
0x45: {  	[spmem:s18], [sflag:s29] =	dma.local [hbm:s2], $0x200  }
0x46: {  	[spmem:s19], [sflag:s29] =	dma.local [hbm:s2], $0x200  }
0x47: {  	[spmem:s20], [sflag:s29] =	dma.local [hbm:s2], $0x200  }
0x48: {  	[spmem:s21], [sflag:s29] =	dma.local [hbm:s2], $0x200  }
0x49: {  	[spmem:s22], [sflag:s29] =	dma.local [hbm:s2], $0x200  }
0x4a: {  	[spmem:s23], [sflag:s29] =	dma.local [hbm:s2], $0x200  }
0x4b: {  	[spmem:s24], [sflag:s29] =	dma.local [hbm:s2], $0x200  }
0x4c: {  	[spmem:s25], [sflag:s29] =	dma.local [hbm:s2], $0x200  }
0x4d: {  	_ =	swait.ge [sflag:s30], $0x200  }
0x4e: {  	[sflag:s30] =	ssyncset.done $0x0  }
0x4f: {  	[sflag:s30] =	ssyncadd.s32 $0xFFFFFE00  }
0x50: {  	_ =	swait.ge [sflag:s30], $0x200  }
0x51: {  	[sflag:s30] =	ssyncset.done $0x0  }
0x52: {  	[sflag:s30] =	ssyncadd.s32 $0xFFFFFE00  }
0x53: {  	_ =	swait.ge [sflag:s30], $0x200  }
0x54: {  	[sflag:s30] =	ssyncset.done $0x0  }
0x55: {  	[sflag:s30] =	ssyncadd.s32 $0xFFFFFE00  }
0x56: {  	_ =	swait.ge [sflag:s30], $0x200  }
0x57: {  	[sflag:s30] =	ssyncset.done $0x0  }
0x58: {  	[sflag:s30] =	ssyncadd.s32 $0xFFFFFE00  }
0x59: {  	_ =	swait.ge [sflag:s30], $0x200  }
0x5a: {  	[sflag:s30] =	ssyncset.done $0x0  }
0x5b: {  	[sflag:s30] =	ssyncadd.s32 $0xFFFFFE00  }
0x5c: {  	_ =	swait.ge [sflag:s30], $0x200  }
0x5d: {  	[sflag:s30] =	ssyncset.done $0x0  }
0x5e: {  	[sflag:s30] =	ssyncadd.s32 $0xFFFFFE00  }
0x5f: {  	_ =	swait.ge [sflag:s30], $0x200  }
0x60: {  	[sflag:s30] =	ssyncset.done $0x0  }
0x61: {  	[sflag:s30] =	ssyncadd.s32 $0xFFFFFE00  }
0x62: {  	_ =	swait.ge [sflag:s30], $0x200  }
0x63: {  	[sflag:s30] =	ssyncset.done $0x0  }
0x64: {  	[sflag:s30] =	ssyncadd.s32 $0xFFFFFE00  }
0x65: {  	_ =	swait.ge [sflag:s30], $0x200  }
0x66: {  	[sflag:s30] =	ssyncset.done $0x0  }
0x67: {  	[sflag:s30] =	ssyncadd.s32 $0xFFFFFE00  }
0x68: {  	_ =	swait.ge [sflag:s30], $0x200  }
0x69: {  	[sflag:s30] =	ssyncset.done $0x0  }
0x6a: {  	[sflag:s30] =	ssyncadd.s32 $0xFFFFFE00  }
0x6b: {  	_ =	swait.ge [sflag:s30], $0x200  }
0x6c: {  	[sflag:s30] =	ssyncset.done $0x0  }
0x6d: {  	[sflag:s30] =	ssyncadd.s32 $0xFFFFFE00  }
0x6e: {  	_ =	swait.ge [sflag:s30], $0x200  }
0x6f: {  	[sflag:s30] =	ssyncset.done $0x0  }
0x70: {  	[sflag:s30] =	ssyncadd.s32 $0xFFFFFE00  }
0x71: {  	_ =	swait.ge [sflag:s30], $0x200  }
0x72: {  	[sflag:s30] =	ssyncset.done $0x0  }
0x73: {  	[sflag:s30] =	ssyncadd.s32 $0xFFFFFE00  }
0x74: {  	_ =	swait.ge [sflag:s30], $0x200  }
0x75: {  	[sflag:s30] =	ssyncset.done $0x0  }
0x76: {  	[sflag:s30] =	ssyncadd.s32 $0xFFFFFE00  }
0x77: {  	_ =	swait.ge [sflag:s30], $0x200  }
.Ltmp3:
0x78: {  	[sflag:s30] =	ssyncset.done $0x0;
	(pc) =	sbr.rel .LBB2_3-.Ltmp3, $4  }
0x79: {  	[sflag:s30] =	ssyncadd.s32 $0xFFFFFE00  }
0x7a: {  	_ =	swait.ge [sflag:s30], $0x200  }
0x7b: {  	[sflag:s30] =	ssyncset.done $0x0  }
0x7c: {  	[sflag:s30] =	ssyncadd.s32 $0xFFFFFE00  }
.LBB2_4:
0x7d: {  	_ =	sfence.sel $0x180000  }
0x7e: {  	[bflag:$0x0] =	sbarrier.arrive $0xFFFF  }
0x7f: {  	_ =	strace $0x90000047  }
0x80: {  	[bflag:$0x2] =	sbarrier.arrive $0xFFFF  }
0x81: {  	s0 =	rddreg [dreg:$0x3]  }
0x82: {  	s0 =	sadd.s32 @!p0 $0x100000, s0  }
0x83: {  	[sflag:s0] =	ssyncadd.tile.s32 @!p0 $0x1;
	_ =	shalt  }
.Lfunc_end2:
_tile_overlayer_lowered:
.L_overlay_start_2:
0x84: {  	(tag) =	ssettag $0x2  }
0x85: {  	s0 =	rddreg [dreg:$0x0];
	s2 =	stileid.u32  }
0x86: {  	s1 =	rddreg [dreg:$0x1];
	p0 =	sne.s32 s2, $0x0  }
0x87: {  	s3 =	rddreg [dreg:$0x2];
	[bflag:$0x3] =	sbarrier.arrive $0xFFFF;
	s2 =	simm.s32 @!p0 $0x1C03  }
0x88: {  	[timem:s3], [sflag:s2] =	dma.local @!p0 [hbm:s0], s1  }
0x89: {  	s0 =	simm.s32 @!p0 $0x3  }
0x8a: {  	_ =	swait.ge @!p0 [sflag:s0], s1  }
0x8b: {  	s1 =	ssub.s32 @!p0 $0x0, s1;
	[sflag:s0] =	ssyncset.done @!p0 $0x0  }
0x8c: {  	[sflag:s0] =	ssyncadd.s32 @!p0 s1  }
0x8d: {  	[bflag:$0x3] =	sbarrier.arrive $0xFFFF  }
0x8e: {  	_ =	shalt  }

</sc_bundles>
